<compile_context>
chip_gen: v7x
topology: tpu7x:2x2x1
jax: 0.10.2.dev20260603
libtpu: 0.0.44.dev20260713+nightly
codegen_flags: <defaults>
</compile_context>

<pallas_src>
import functools

import jax
import jax.numpy as jnp
from jax import lax
from jax.experimental import pallas as pl
from jax.experimental.pallas import tpu as pltpu
from jax.experimental.pallas import tpu_sc as plsc

_NBINS = 50
_K1 = 0.1
_NB = 16
_R0 = 4096 // _NB
_R1 = 2048 // _NB
_COLS = 4096

_NW = 32
_CROWS = 4
_NBUF = 4
_NBPAD = 64
_NREG = 1
_REGW = _NBPAD * 16



def _tc_minmax_kernel(p0, p1, splat, acc):
    i = pl.program_id(0)

    @pl.when(i == 0)
    def _init():
        acc[0] = jnp.inf
        acc[1] = -jnp.inf
        acc[2] = jnp.inf
        acc[3] = -jnp.inf

    x0 = p0[...]
    acc[0] = jnp.minimum(acc[0], jnp.min(x0))
    acc[1] = jnp.maximum(acc[1], jnp.max(x0))
    x1 = p1[...]
    acc[2] = jnp.minimum(acc[2], jnp.min(x1))
    acc[3] = jnp.maximum(acc[3], jnp.max(x1))

    @pl.when(i == _NB - 1)
    def _fin():
        s0 = _NBINS / (acc[1] - acc[0] + 1e-12)
        s1 = _NBINS / (acc[3] - acc[2] + 1e-12)
        z = jnp.zeros((8, 128), jnp.float32)
        splat[...] = z
        o = jnp.zeros((1, 128), jnp.float32)
        splat[0:1, :] = o + acc[0]
        splat[1:2, :] = o + s0
        splat[2:3, :] = o + acc[2]
        splat[3:4, :] = o + s1


def _tc_minmax(param0, param1):
    return pl.pallas_call(
        _tc_minmax_kernel,
        grid=(_NB,),
        in_specs=[
            pl.BlockSpec((_R0, _COLS), lambda i: (i, 0)),
            pl.BlockSpec((_R1, _COLS), lambda i: (i, 0)),
        ],
        out_specs=pl.BlockSpec((8, 128), lambda i: (0, 0)),
        out_shape=jax.ShapeDtypeStruct((8, 128), jnp.float32),
        scratch_shapes=[pltpu.SMEM((8,), jnp.float32)],
    )(param0, param1)


def _tc_sumsq_kernel(g0, g1, out, acc):
    i = pl.program_id(0)

    @pl.when(i == 0)
    def _init():
        acc[0] = 0.0
        acc[1] = 0.0

    gg0 = g0[...]
    acc[0] = acc[0] + jnp.sum(gg0 * gg0)
    gg1 = g1[...]
    acc[1] = acc[1] + jnp.sum(gg1 * gg1)

    @pl.when(i == _NB - 1)
    def _fin():
        out[0] = acc[0]
        out[1] = acc[1]


def _tc_sumsq(grad0, grad1):
    return pl.pallas_call(
        _tc_sumsq_kernel,
        grid=(_NB,),
        in_specs=[
            pl.BlockSpec((_R0, _COLS), lambda i: (i, 0)),
            pl.BlockSpec((_R1, _COLS), lambda i: (i, 0)),
        ],
        out_specs=pl.BlockSpec((2,), lambda i: (0,), memory_space=pltpu.SMEM),
        out_shape=jax.ShapeDtypeStruct((2,), jnp.float32),
        scratch_shapes=[pltpu.SMEM((2,), jnp.float32)],
    )(grad0, grad1)



def _sc_hist_body(p0_hbm, p1_hbm, splat_hbm, out_hbm,
                  b0, b1, b2, b3, consts_v, outbuf, hist,
                  s0_, s1_, s2_, s3_):
    bufs = (b0, b1, b2, b3)
    sems = (s0_, s1_, s2_, s3_)
    wid = lax.axis_index("s") * 2 + lax.axis_index("c")

    pltpu.sync_copy(splat_hbm, consts_v)
    mn0 = consts_v[0, pl.ds(0, 16)]
    s0 = consts_v[1, pl.ds(0, 16)]
    mn1 = consts_v[2, pl.ds(0, 16)]
    s1 = consts_v[3, pl.ds(0, 16)]

    zeros16 = jnp.zeros((16,), jnp.float32)
    ones16 = zeros16 + 1.0
    lane = lax.broadcasted_iota(jnp.int32, (16,), 0)

    @plsc.parallel_loop(0, 2 * _NREG * _REGW // 16)
    def _zero(k):
        hist[pl.ds(k * 16, 16)] = zeros16

    def process_chunk(buf, mn, s, toff):
        @plsc.parallel_loop(0, _CROWS * _COLS // 16, unroll=8)
        def _body(i):
            row = i // (_COLS // 16)
            col = (i % (_COLS // 16)) * 16
            roff = (i % _NREG) * _REGW + toff
            x = buf[row, pl.ds(col, 16)]
            t = (x - mn) * s
            q = t.astype(jnp.int32)
            plsc.addupdate_scatter(
                hist.at[pl.ds(roff, _REGW)],
                [(q << 4) + lane], ones16)

    def run_tensor(hbm, rows_per_tile, mn, s, toff):
        base = wid * rows_per_tile
        nsteps = rows_per_tile // _CROWS

        def copy_step(st, b):
            return pltpu.make_async_copy(
                hbm.at[pl.ds(base + st * _CROWS, _CROWS), :],
                bufs[b], sems[b])

        for b in range(_NBUF - 1):
            copy_step(b, b).start()

        def gbody(g, carry):
            st = _NBUF * g
            for b in range(_NBUF):
                nxt = st + b + _NBUF - 1
                @pl.when(nxt < nsteps)
                def _():
                    copy_step(nxt, (b + _NBUF - 1) % _NBUF).start()
                copy_step(st + b, b).wait()
                process_chunk(bufs[b], mn, s, toff)
            return carry

        lax.fori_loop(0, nsteps // _NBUF, gbody, 0)

    run_tensor(p0_hbm, 4096 // _NW, mn0, s0, 0)
    run_tensor(p1_hbm, 2048 // _NW, mn1, s1, _NREG * _REGW)

    lane128 = lane * 128

    def bbody(b, carry):
        for t in range(2):
            accs = [zeros16, zeros16, zeros16, zeros16]
            for r in range(_NREG):
                off = t * _NREG * _REGW + r * _REGW + b * 16
                accs[r % 4] = accs[r % 4] + hist[pl.ds(off, 16)]
            acc = (accs[0] + accs[1]) + (accs[2] + accs[3])
            plsc.store_scatter(outbuf, [lane128 + (t * 64 + b)], acc)
        return carry
    lax.fori_loop(0, _NBPAD, bbody, 0)

    pltpu.sync_copy(outbuf, out_hbm.at[wid])


def _sc_hist(param0, param1, splat):
    mesh = plsc.VectorSubcoreMesh(core_axis_name="c", subcore_axis_name="s")
    f = functools.partial(
        pl.kernel,
        mesh=mesh,
        out_type=jax.ShapeDtypeStruct((_NW, 2 * _REGW), jnp.float32),
        compiler_params=pltpu.CompilerParams(needs_layout_passes=False),
        scratch_types=[
            pltpu.VMEM((_CROWS, _COLS), jnp.float32),
            pltpu.VMEM((_CROWS, _COLS), jnp.float32),
            pltpu.VMEM((_CROWS, _COLS), jnp.float32),
            pltpu.VMEM((_CROWS, _COLS), jnp.float32),
            pltpu.VMEM((8, 128), jnp.float32),
            pltpu.VMEM((2 * _REGW,), jnp.float32),
            pltpu.VMEM((2 * _NREG * _REGW,), jnp.float32),
            pltpu.SemaphoreType.DMA,
            pltpu.SemaphoreType.DMA,
            pltpu.SemaphoreType.DMA,
            pltpu.SemaphoreType.DMA,
        ],
    )(_sc_hist_body)
    return f(param0, param1, splat)



def _tc_final_kernel(scal, parts, out):
    h = jnp.sum(parts[...].reshape(16 * _NW, 128), axis=0, keepdims=True)
    lanes = lax.broadcasted_iota(jnp.int32, (1, 128), 1)
    c50_0 = jnp.sum(jnp.where(lanes == 50, h, 0.0))
    c50_1 = jnp.sum(jnp.where(lanes == 114, h, 0.0))
    h = h + jnp.where(lanes == 49, c50_0, 0.0)
    h = h + jnp.where(lanes == 113, c50_1, 0.0)
    h = jnp.where((lanes % 64) == 50, 0.0, h)

    def entropy(hh):
        tot = jnp.sum(hh)
        p = hh / (tot + 1e-10)
        return -jnp.sum(p * jnp.log(p + 1e-10))

    e0 = entropy(h[:, 0:64])
    e1 = entropy(h[:, 64:128])
    rho0 = scal[0] / (1.0 + e0)
    rho1 = scal[1] / (1.0 + e1)
    rho = 0.5 * (rho0 + rho1)
    out[0] = -_K1 * jnp.log(rho + 1e-10)
    out[1] = rho
    out[2] = 1.0 - _K1 * rho


def _tc_final(scal, parts):
    return pl.pallas_call(
        _tc_final_kernel,
        in_specs=[
            pl.BlockSpec(memory_space=pltpu.SMEM),
            pl.BlockSpec(memory_space=pltpu.VMEM),
        ],
        out_specs=pl.BlockSpec(memory_space=pltpu.SMEM),
        out_shape=jax.ShapeDtypeStruct((4,), jnp.float32),
    )(scal, parts)


def kernel(param0, grad0, param1, grad1):
    splat = _tc_minmax(param0, param1)
    parts = _sc_hist(param0, param1, splat)
    ss = _tc_sumsq(grad0, grad1)
    out = _tc_final(ss, parts)
    return (out[0], out[1], out[2])

# --- scband reference (transcript-rebuilt; emitter-appended) ---
"""Pipeline reference for scband-gravitational-divergence-28518582846051 (READ-ONLY COPY).

The authoritative reference and input builder live on the scoring server;
editing this copy changes nothing except your own understanding.
"""

import jax, jax.numpy as jnp
import numpy as np

K1 = 0.1
NBINS = 50


def _info_density(params, grads):
    # grad_norm = torch.norm(params.grad)
    grad_norm = jnp.linalg.norm(grads)
    # torch.histc(params, bins=50) with data-derived min/max; histc is
    # non-differentiable in torch, so stop_gradient on the binning path.
    p_flat = jax.lax.stop_gradient(params).ravel()
    mn = jnp.min(p_flat)
    mx = jnp.max(p_flat)
    width = mx - mn
    idx = jnp.clip(
        jnp.floor((p_flat - mn) / (width + 1e-12) * NBINS).astype(jnp.int32),
        0, NBINS - 1)
    hist = jnp.bincount(idx, length=NBINS).astype(jnp.float32)
    p = hist / (hist.sum() + 1e-10)
    entropy = -(p * jnp.log(p + 1e-10)).sum()
    rho_1 = grad_norm ** 2 / (1.0 + entropy)
    return rho_1


def setup_inputs(seed: int = 0) -> dict:
    key = jax.random.key(seed)
    k0, k1, k2, k3 = jax.random.split(key, 4)
    return {
        "param0": jax.random.normal(k0, (4096, 4096), dtype=jnp.float32),
        "grad0": jax.random.normal(k1, (4096, 4096), dtype=jnp.float32),
        "param1": jax.random.normal(k2, (2048, 4096), dtype=jnp.float32),
        "grad1": jax.random.normal(k3, (2048, 4096), dtype=jnp.float32),
    }


def reference(param0, grad0, param1, grad1):
    densities = jnp.stack([
        _info_density(param0, grad0),
        _info_density(param1, grad1),
    ])
    rho_total = densities.mean()
    F_g = -K1 * jnp.log(rho_total + 1e-10)
    dtau = 1.0 - K1 * rho_total
    # dict in torch; return as tuple (gravitational_force, information_density, temporal_dilation)
    return (F_g, rho_total, dtau)

if __name__ == "__main__":
    import jax
    _d = setup_inputs()
    print(jax.jit(kernel)(*tuple(_d.values())))

</pallas_src>

<mosaic_0001>
#map = affine_map<(d0, d1) -> (0, 0)>
module attributes {stable_mosaic.version = 14 : i64} {
  func.func @_sc_hist_body(%arg0: i32, %arg1: i32, %arg2: memref<4096x4096xf32, #tpu.memory_space<hbm>>, %arg3: memref<2048x4096xf32, #tpu.memory_space<hbm>>, %arg4: memref<8x128xf32, #tpu.memory_space<hbm>>, %arg5: memref<32x2048xf32, #tpu.memory_space<hbm>>, %arg6: memref<4x4096xf32, #tpu.memory_space<vmem>>, %arg7: memref<4x4096xf32, #tpu.memory_space<vmem>>, %arg8: memref<4x4096xf32, #tpu.memory_space<vmem>>, %arg9: memref<4x4096xf32, #tpu.memory_space<vmem>>, %arg10: memref<8x128xf32, #tpu.memory_space<vmem>>, %arg11: memref<2048xf32, #tpu.memory_space<vmem>>, %arg12: memref<2048xf32, #tpu.memory_space<vmem>>, %arg13: memref<!tpu.dma_semaphore, #tpu.memory_space<semaphore_mem>>, %arg14: memref<!tpu.dma_semaphore, #tpu.memory_space<semaphore_mem>>, %arg15: memref<!tpu.dma_semaphore, #tpu.memory_space<semaphore_mem>>, %arg16: memref<!tpu.dma_semaphore, #tpu.memory_space<semaphore_mem>>) attributes {dimension_semantics = [#tpu.dimension_semantics<core_parallel>, #tpu.dimension_semantics<subcore_parallel>], iteration_bounds = array<i64: 2, 16>, scalar_prefetch = 0 : i64, scratch_operands = 11 : i64, tpu.core_type = #tpu.core_type<sc_vector_subcore>, window_params = [{transform_indices = #map}, {transform_indices = #map}, {transform_indices = #map}, {transform_indices = #map}]} {
    %mul3A = arith.constant 2 : i32
    %mul3A_0 = arith.muli %arg1, %mul3A : i32
    %add3A = arith.addi %mul3A_0, %arg0 : i32
    "tpu.region"() ({
      %run_scoped3A = tpu.sem_alloc : memref<!tpu.dma_semaphore, #tpu.memory_space<semaphore_mem>>
      tpu.enqueue_dma source(%arg4 : memref<8x128xf32, #tpu.memory_space<hbm>>) target(%arg10 : memref<8x128xf32, #tpu.memory_space<vmem>>) target_semaphore(%run_scoped3A : memref<!tpu.dma_semaphore, #tpu.memory_space<semaphore_mem>>)
      tpu.wait_dma2 semaphore(%run_scoped3A : memref<!tpu.dma_semaphore, #tpu.memory_space<semaphore_mem>>) src(%arg4 : memref<8x128xf32, #tpu.memory_space<hbm>>) dst(%arg10 : memref<8x128xf32, #tpu.memory_space<vmem>>)
      tpu.yield
    }) : () -> ()
    %get3A = arith.constant 0 : i32
    %get3A_1 = arith.index_cast %get3A : i32 to index
    %get3A_2 = arith.constant 0 : index
    %get3A_3 = tpu.vector_load %arg10[%get3A_1, %get3A_2] {strides = array<i32>} : memref<8x128xf32, #tpu.memory_space<vmem>>, vector<16xf32>,
    %get3A_4 = arith.constant 1 : i32
    %get3A_5 = arith.index_cast %get3A_4 : i32 to index
    %get3A_6 = arith.constant 0 : index
    %get3A_7 = tpu.vector_load %arg10[%get3A_5, %get3A_6] {strides = array<i32>} : memref<8x128xf32, #tpu.memory_space<vmem>>, vector<16xf32>,
    %get3A_8 = arith.constant 2 : i32
    %get3A_9 = arith.index_cast %get3A_8 : i32 to index
    %get3A_10 = arith.constant 0 : index
    %get3A_11 = tpu.vector_load %arg10[%get3A_9, %get3A_10] {strides = array<i32>} : memref<8x128xf32, #tpu.memory_space<vmem>>, vector<16xf32>,
    %get3A_12 = arith.constant 3 : i32
    %get3A_13 = arith.index_cast %get3A_12 : i32 to index
    %get3A_14 = arith.constant 0 : index
    %get3A_15 = tpu.vector_load %arg10[%get3A_13, %get3A_14] {strides = array<i32>} : memref<8x128xf32, #tpu.memory_space<vmem>>, vector<16xf32>,
    %broadcast_in_dim3A = arith.constant 0.000000e+00 : f32
    %broadcast_in_dim3A_16 = vector.broadcast %broadcast_in_dim3A : f32 to vector<16xf32>
    %add3A_17 = arith.constant 1.000000e+00 : f32
    %add3A_18 = vector.broadcast %add3A_17 : f32 to vector<16xf32>
    %add3A_19 = arith.addf %broadcast_in_dim3A_16, %add3A_18 : vector<16xf32>
    %iota3A = tpu.iota {dimensions = array<i32: 0>} : vector<16xi32>
    %parallel_loop3A = arith.constant 0 : i32
    %parallel_loop3A_20 = arith.constant 128 : i32
    %parallel_loop3A_21 = arith.constant 1 : i32
    scf.for %parallel_loop3A_81 = %parallel_loop3A to %parallel_loop3A_20 step %parallel_loop3A_21  : i32 {
      %parallel_loop3A_82 = arith.constant 16 : i32
      %parallel_loop3A_83 = arith.muli %parallel_loop3A_81, %parallel_loop3A_82 : i32
      %parallel_loop3A_84 = arith.index_cast %parallel_loop3A_83 : i32 to index
      %parallel_loop3A_85 = tpu.vector_load %arg12[%parallel_loop3A_84] {strides = array<i32>} : memref<2048xf32, #tpu.memory_space<vmem>>, vector<16xf32>,
      tpu.vector_store %arg12[%parallel_loop3A_84], %broadcast_in_dim3A_16 {strides = array<i32>} : memref<2048xf32, #tpu.memory_space<vmem>>, vector<16xf32>,
    } {sc.loop_unroll_factor = 1 : i64, sc.parallel_access}
    %mul3A_22 = arith.constant 128 : i32
    %mul3A_23 = arith.muli %add3A, %mul3A_22 : i32
    %add3A_24 = arith.constant 0 : i32
    %add3A_25 = arith.addi %mul3A_23, %add3A_24 : i32
    %dma_start3A = arith.constant 0 : i32
    %dma_start3A_26 = tpu.memref_slice %arg2[%add3A_25, %dma_start3A] : memref<4096x4096xf32, #tpu.memory_space<hbm>> -> memref<4x4096xf32, #tpu.memory_space<hbm>>
    %dma_start3A_27 = arith.constant 0 : i32
    %dma_start3A_28 = tpu.memref_slice %arg2[%add3A_25, %dma_start3A_27] : memref<4096x4096xf32, #tpu.memory_space<hbm>> -> memref<4x4096xf32, #tpu.memory_space<hbm>>
    tpu.enqueue_dma source(%dma_start3A_28 : memref<4x4096xf32, #tpu.memory_space<hbm>>) target(%arg6 : memref<4x4096xf32, #tpu.memory_space<vmem>>) target_semaphore(%arg13 : memref<!tpu.dma_semaphore, #tpu.memory_space<semaphore_mem>>)
    %add3A_29 = arith.constant 4 : i32
    %add3A_30 = arith.addi %mul3A_23, %add3A_29 : i32
    %dma_start3A_31 = arith.constant 0 : i32
    %dma_start3A_32 = tpu.memref_slice %arg2[%add3A_30, %dma_start3A_31] : memref<4096x4096xf32, #tpu.memory_space<hbm>> -> memref<4x4096xf32, #tpu.memory_space<hbm>>
    %dma_start3A_33 = arith.constant 0 : i32
    %dma_start3A_34 = tpu.memref_slice %arg2[%add3A_30, %dma_start3A_33] : memref<4096x4096xf32, #tpu.memory_space<hbm>> -> memref<4x4096xf32, #tpu.memory_space<hbm>>
    tpu.enqueue_dma source(%dma_start3A_34 : memref<4x4096xf32, #tpu.memory_space<hbm>>) target(%arg7 : memref<4x4096xf32, #tpu.memory_space<vmem>>) target_semaphore(%arg14 : memref<!tpu.dma_semaphore, #tpu.memory_space<semaphore_mem>>)
    %add3A_35 = arith.constant 8 : i32
    %add3A_36 = arith.addi %mul3A_23, %add3A_35 : i32
    %dma_start3A_37 = arith.constant 0 : i32
    %dma_start3A_38 = tpu.memref_slice %arg2[%add3A_36, %dma_start3A_37] : memref<4096x4096xf32, #tpu.memory_space<hbm>> -> memref<4x4096xf32, #tpu.memory_space<hbm>>
    %dma_start3A_39 = arith.constant 0 : i32
    %dma_start3A_40 = tpu.memref_slice %arg2[%add3A_36, %dma_start3A_39] : memref<4096x4096xf32, #tpu.memory_space<hbm>> -> memref<4x4096xf32, #tpu.memory_space<hbm>>
    tpu.enqueue_dma source(%dma_start3A_40 : memref<4x4096xf32, #tpu.memory_space<hbm>>) target(%arg8 : memref<4x4096xf32, #tpu.memory_space<vmem>>) target_semaphore(%arg15 : memref<!tpu.dma_semaphore, #tpu.memory_space<semaphore_mem>>)
    %scan3A = arith.constant 0 : i32
    %scan3A_41 = arith.constant 0 : i32
    %scan3A_42 = arith.constant 8 : i32
    %scan3A_43 = arith.addi %scan3A_41, %scan3A_42 : i32
    %scan3A_44 = arith.constant 1 : i32
    scf.for %scan3A_81 = %scan3A_41 to %scan3A_43 step %scan3A_44  : i32 {
      %mul3A_82 = arith.constant 4 : i32
      %mul3A_83 = arith.muli %mul3A_82, %scan3A_81 : i32
      %add3A_84 = arith.constant 0 : i32
      %add3A_85 = arith.addi %mul3A_83, %add3A_84 : i32
      %add3A_86 = arith.constant 4 : i32
      %add3A_87 = arith.addi %add3A_85, %add3A_86 : i32
      %sub3A = arith.constant 1 : i32
      %sub3A_88 = arith.subi %add3A_87, %sub3A : i32
      %lt3A = arith.constant 32 : i32
      %lt3A_89 = arith.cmpi slt, %sub3A_88, %lt3A : i32
      %convert_element_type3A = arith.extui %lt3A_89 : i1 to i32
      %cond3A = arith.constant 0 : i32
      %cond3A_90 = arith.cmpi ne, %convert_element_type3A, %cond3A : i32
      scf.if %cond3A_90 {
        %mul3A_171 = arith.constant 4 : i32
        %mul3A_172 = arith.muli %sub3A_88, %mul3A_171 : i32
        %add3A_173 = arith.addi %mul3A_23, %mul3A_172 : i32
        %dma_start3A_174 = arith.constant 0 : i32
        %dma_start3A_175 = tpu.memref_slice %arg2[%add3A_173, %dma_start3A_174] : memref<4096x4096xf32, #tpu.memory_space<hbm>> -> memref<4x4096xf32, #tpu.memory_space<hbm>>
        %dma_start3A_176 = arith.constant 0 : i32
        %dma_start3A_177 = tpu.memref_slice %arg2[%add3A_173, %dma_start3A_176] : memref<4096x4096xf32, #tpu.memory_space<hbm>> -> memref<4x4096xf32, #tpu.memory_space<hbm>>
        tpu.enqueue_dma source(%dma_start3A_177 : memref<4x4096xf32, #tpu.memory_space<hbm>>) target(%arg9 : memref<4x4096xf32, #tpu.memory_space<vmem>>) target_semaphore(%arg16 : memref<!tpu.dma_semaphore, #tpu.memory_space<semaphore_mem>>)
      } else {
      }
      %add3A_91 = arith.constant 0 : i32
      %add3A_92 = arith.addi %mul3A_83, %add3A_91 : i32
      %mul3A_93 = arith.constant 4 : i32
      %mul3A_94 = arith.muli %add3A_92, %mul3A_93 : i32
      %add3A_95 = arith.addi %mul3A_23, %mul3A_94 : i32
      %dma_wait3A = arith.constant 0 : i32
      %dma_wait3A_96 = tpu.memref_slice %arg2[%add3A_95, %dma_wait3A] : memref<4096x4096xf32, #tpu.memory_space<hbm>> -> memref<4x4096xf32, #tpu.memory_space<hbm>>
      %dma_wait3A_97 = arith.constant 0 : i32
      %dma_wait3A_98 = tpu.memref_slice %arg2[%add3A_95, %dma_wait3A_97] : memref<4096x4096xf32, #tpu.memory_space<hbm>> -> memref<4x4096xf32, #tpu.memory_space<hbm>>
      tpu.wait_dma2 semaphore(%arg13 : memref<!tpu.dma_semaphore, #tpu.memory_space<semaphore_mem>>) src(%dma_wait3A_98 : memref<4x4096xf32, #tpu.memory_space<hbm>>) dst(%arg6 : memref<4x4096xf32, #tpu.memory_space<vmem>>)
      %parallel_loop3A_99 = arith.constant 0 : i32
      %parallel_loop3A_100 = arith.constant 1024 : i32
      %parallel_loop3A_101 = arith.constant 1 : i32
      scf.for %parallel_loop3A_171 = %parallel_loop3A_99 to %parallel_loop3A_100 step %parallel_loop3A_101  : i32 {
        %parallel_loop3A_172 = arith.constant 256 : i32
        %parallel_loop3A_173 = arith.divsi %parallel_loop3A_171, %parallel_loop3A_172 : i32
        %parallel_loop3A_174 = arith.constant 0 : i32
        %parallel_loop3A_175 = arith.cmpi sgt, %parallel_loop3A_171, %parallel_loop3A_174 : i32
        %parallel_loop3A_176 = arith.extui %parallel_loop3A_175 : i1 to i32
        %parallel_loop3A_177 = arith.constant 0 : i32
        %parallel_loop3A_178 = arith.cmpi slt, %parallel_loop3A_171, %parallel_loop3A_177 : i32
        %parallel_loop3A_179 = arith.extui %parallel_loop3A_178 : i1 to i32
        %parallel_loop3A_180 = arith.subi %parallel_loop3A_176, %parallel_loop3A_179 : i32
        %parallel_loop3A_181 = arith.constant 0 : i32
        %parallel_loop3A_182 = arith.cmpi sgt, %parallel_loop3A_172, %parallel_loop3A_181 : i32
        %parallel_loop3A_183 = arith.extui %parallel_loop3A_182 : i1 to i32
        %parallel_loop3A_184 = arith.constant 0 : i32
        %parallel_loop3A_185 = arith.cmpi slt, %parallel_loop3A_172, %parallel_loop3A_184 : i32
        %parallel_loop3A_186 = arith.extui %parallel_loop3A_185 : i1 to i32
        %parallel_loop3A_187 = arith.subi %parallel_loop3A_183, %parallel_loop3A_186 : i32
        %parallel_loop3A_188 = arith.cmpi ne, %parallel_loop3A_180, %parallel_loop3A_187 : i32
        %parallel_loop3A_189 = arith.remsi %parallel_loop3A_171, %parallel_loop3A_172 : i32
        %parallel_loop3A_190 = arith.constant 0 : i32
        %parallel_loop3A_191 = arith.cmpi ne, %parallel_loop3A_189, %parallel_loop3A_190 : i32
        %parallel_loop3A_192 = arith.andi %parallel_loop3A_188, %parallel_loop3A_191 : i1
        %parallel_loop3A_193 = arith.constant 1 : i32
        %parallel_loop3A_194 = arith.subi %parallel_loop3A_173, %parallel_loop3A_193 : i32
        %parallel_loop3A_195 = arith.select %parallel_loop3A_192, %parallel_loop3A_194, %parallel_loop3A_173 : i32
        %parallel_loop3A_196 = arith.constant 256 : i32
        %parallel_loop3A_197 = arith.constant 0 : i32
        %parallel_loop3A_198 = arith.cmpi eq, %parallel_loop3A_196, %parallel_loop3A_197 : i32
        %parallel_loop3A_199 = arith.constant 1 : i32
        %parallel_loop3A_200 = arith.select %parallel_loop3A_198, %parallel_loop3A_199, %parallel_loop3A_196 : i32
        %parallel_loop3A_201 = arith.remsi %parallel_loop3A_171, %parallel_loop3A_200 : i32
        %parallel_loop3A_202 = arith.constant 0 : i32
        %parallel_loop3A_203 = arith.cmpi ne, %parallel_loop3A_201, %parallel_loop3A_202 : i32
        %parallel_loop3A_204 = arith.constant 0 : i32
        %parallel_loop3A_205 = arith.cmpi slt, %parallel_loop3A_201, %parallel_loop3A_204 : i32
        %parallel_loop3A_206 = arith.constant 0 : i32
        %parallel_loop3A_207 = arith.cmpi slt, %parallel_loop3A_200, %parallel_loop3A_206 : i32
        %parallel_loop3A_208 = arith.xori %parallel_loop3A_205, %parallel_loop3A_207 : i1
        %parallel_loop3A_209 = arith.andi %parallel_loop3A_208, %parallel_loop3A_203 : i1
        %parallel_loop3A_210 = arith.addi %parallel_loop3A_201, %parallel_loop3A_200 : i32
        %parallel_loop3A_211 = arith.select %parallel_loop3A_209, %parallel_loop3A_210, %parallel_loop3A_201 : i32
        %parallel_loop3A_212 = arith.constant 16 : i32
        %parallel_loop3A_213 = arith.muli %parallel_loop3A_211, %parallel_loop3A_212 : i32
        %parallel_loop3A_214 = arith.constant 1 : i32
        %parallel_loop3A_215 = arith.constant 0 : i32
        %parallel_loop3A_216 = arith.cmpi eq, %parallel_loop3A_214, %parallel_loop3A_215 : i32
        %parallel_loop3A_217 = arith.constant 1 : i32
        %parallel_loop3A_218 = arith.select %parallel_loop3A_216, %parallel_loop3A_217, %parallel_loop3A_214 : i32
        %parallel_loop3A_219 = arith.remsi %parallel_loop3A_171, %parallel_loop3A_218 : i32
        %parallel_loop3A_220 = arith.constant 0 : i32
        %parallel_loop3A_221 = arith.cmpi ne, %parallel_loop3A_219, %parallel_loop3A_220 : i32
        %parallel_loop3A_222 = arith.constant 0 : i32
        %parallel_loop3A_223 = arith.cmpi slt, %parallel_loop3A_219, %parallel_loop3A_222 : i32
        %parallel_loop3A_224 = arith.constant 0 : i32
        %parallel_loop3A_225 = arith.cmpi slt, %parallel_loop3A_218, %parallel_loop3A_224 : i32
        %parallel_loop3A_226 = arith.xori %parallel_loop3A_223, %parallel_loop3A_225 : i1
        %parallel_loop3A_227 = arith.andi %parallel_loop3A_226, %parallel_loop3A_221 : i1
        %parallel_loop3A_228 = arith.addi %parallel_loop3A_219, %parallel_loop3A_218 : i32
        %parallel_loop3A_229 = arith.select %parallel_loop3A_227, %parallel_loop3A_228, %parallel_loop3A_219 : i32
        %parallel_loop3A_230 = arith.constant 1024 : i32
        %parallel_loop3A_231 = arith.muli %parallel_loop3A_229, %parallel_loop3A_230 : i32
        %parallel_loop3A_232 = arith.constant 0 : i32
        %parallel_loop3A_233 = arith.addi %parallel_loop3A_231, %parallel_loop3A_232 : i32
        %parallel_loop3A_234 = arith.index_cast %parallel_loop3A_195 : i32 to index
        %parallel_loop3A_235 = arith.index_cast %parallel_loop3A_213 : i32 to index
        %parallel_loop3A_236 = tpu.vector_load %arg6[%parallel_loop3A_234, %parallel_loop3A_235] {strides = array<i32>} : memref<4x4096xf32, #tpu.memory_space<vmem>>, vector<16xf32>,
        %parallel_loop3A_237 = arith.subf %parallel_loop3A_236, %get3A_3 : vector<16xf32>
        %parallel_loop3A_238 = arith.mulf %parallel_loop3A_237, %get3A_7 : vector<16xf32>
        %parallel_loop3A_239 = arith.fptosi %parallel_loop3A_238 : vector<16xf32> to vector<16xi32>
        %parallel_loop3A_240 = arith.constant 4 : i32
        %parallel_loop3A_241 = vector.broadcast %parallel_loop3A_240 : i32 to vector<16xi32>
        %parallel_loop3A_242 = arith.shli %parallel_loop3A_239, %parallel_loop3A_241 : vector<16xi32>
        %parallel_loop3A_243 = arith.addi %parallel_loop3A_242, %iota3A : vector<16xi32>
        %parallel_loop3A_244 = tpu.memref_slice %arg12[%parallel_loop3A_233] : memref<2048xf32, #tpu.memory_space<vmem>> -> memref<1024xf32, #tpu.memory_space<vmem>>
        tpu.vector_store_idx %parallel_loop3A_244[%parallel_loop3A_243], %add3A_19 {add = true} : memref<1024xf32, #tpu.memory_space<vmem>>[vector<16xi32>], vector<16xf32>,
      } {sc.loop_unroll_factor = 8 : i64, sc.parallel_access}
      %add3A_102 = arith.constant 1 : i32
      %add3A_103 = arith.addi %mul3A_83, %add3A_102 : i32
      %add3A_104 = arith.constant 4 : i32
      %add3A_105 = arith.addi %add3A_103, %add3A_104 : i32
      %sub3A_106 = arith.constant 1 : i32
      %sub3A_107 = arith.subi %add3A_105, %sub3A_106 : i32
      %lt3A_108 = arith.constant 32 : i32
      %lt3A_109 = arith.cmpi slt, %sub3A_107, %lt3A_108 : i32
      %convert_element_type3A_110 = arith.extui %lt3A_109 : i1 to i32
      %cond3A_111 = arith.constant 0 : i32
      %cond3A_112 = arith.cmpi ne, %convert_element_type3A_110, %cond3A_111 : i32
      scf.if %cond3A_112 {
        %mul3A_171 = arith.constant 4 : i32
        %mul3A_172 = arith.muli %sub3A_107, %mul3A_171 : i32
        %add3A_173 = arith.addi %mul3A_23, %mul3A_172 : i32
        %dma_start3A_174 = arith.constant 0 : i32
        %dma_start3A_175 = tpu.memref_slice %arg2[%add3A_173, %dma_start3A_174] : memref<4096x4096xf32, #tpu.memory_space<hbm>> -> memref<4x4096xf32, #tpu.memory_space<hbm>>
        %dma_start3A_176 = arith.constant 0 : i32
        %dma_start3A_177 = tpu.memref_slice %arg2[%add3A_173, %dma_start3A_176] : memref<4096x4096xf32, #tpu.memory_space<hbm>> -> memref<4x4096xf32, #tpu.memory_space<hbm>>
        tpu.enqueue_dma source(%dma_start3A_177 : memref<4x4096xf32, #tpu.memory_space<hbm>>) target(%arg6 : memref<4x4096xf32, #tpu.memory_space<vmem>>) target_semaphore(%arg13 : memref<!tpu.dma_semaphore, #tpu.memory_space<semaphore_mem>>)
      } else {
      }
      %add3A_113 = arith.constant 1 : i32
      %add3A_114 = arith.addi %mul3A_83, %add3A_113 : i32
      %mul3A_115 = arith.constant 4 : i32
      %mul3A_116 = arith.muli %add3A_114, %mul3A_115 : i32
      %add3A_117 = arith.addi %mul3A_23, %mul3A_116 : i32
      %dma_wait3A_118 = arith.constant 0 : i32
      %dma_wait3A_119 = tpu.memref_slice %arg2[%add3A_117, %dma_wait3A_118] : memref<4096x4096xf32, #tpu.memory_space<hbm>> -> memref<4x4096xf32, #tpu.memory_space<hbm>>
      %dma_wait3A_120 = arith.constant 0 : i32
      %dma_wait3A_121 = tpu.memref_slice %arg2[%add3A_117, %dma_wait3A_120] : memref<4096x4096xf32, #tpu.memory_space<hbm>> -> memref<4x4096xf32, #tpu.memory_space<hbm>>
      tpu.wait_dma2 semaphore(%arg14 : memref<!tpu.dma_semaphore, #tpu.memory_space<semaphore_mem>>) src(%dma_wait3A_121 : memref<4x4096xf32, #tpu.memory_space<hbm>>) dst(%arg7 : memref<4x4096xf32, #tpu.memory_space<vmem>>)
      %parallel_loop3A_122 = arith.constant 0 : i32
      %parallel_loop3A_123 = arith.constant 1024 : i32
      %parallel_loop3A_124 = arith.constant 1 : i32
      scf.for %parallel_loop3A_171 = %parallel_loop3A_122 to %parallel_loop3A_123 step %parallel_loop3A_124  : i32 {
        %parallel_loop3A_172 = arith.constant 256 : i32
        %parallel_loop3A_173 = arith.divsi %parallel_loop3A_171, %parallel_loop3A_172 : i32
        %parallel_loop3A_174 = arith.constant 0 : i32
        %parallel_loop3A_175 = arith.cmpi sgt, %parallel_loop3A_171, %parallel_loop3A_174 : i32
        %parallel_loop3A_176 = arith.extui %parallel_loop3A_175 : i1 to i32
        %parallel_loop3A_177 = arith.constant 0 : i32
        %parallel_loop3A_178 = arith.cmpi slt, %parallel_loop3A_171, %parallel_loop3A_177 : i32
        %parallel_loop3A_179 = arith.extui %parallel_loop3A_178 : i1 to i32
        %parallel_loop3A_180 = arith.subi %parallel_loop3A_176, %parallel_loop3A_179 : i32
        %parallel_loop3A_181 = arith.constant 0 : i32
        %parallel_loop3A_182 = arith.cmpi sgt, %parallel_loop3A_172, %parallel_loop3A_181 : i32
        %parallel_loop3A_183 = arith.extui %parallel_loop3A_182 : i1 to i32
        %parallel_loop3A_184 = arith.constant 0 : i32
        %parallel_loop3A_185 = arith.cmpi slt, %parallel_loop3A_172, %parallel_loop3A_184 : i32
        %parallel_loop3A_186 = arith.extui %parallel_loop3A_185 : i1 to i32
        %parallel_loop3A_187 = arith.subi %parallel_loop3A_183, %parallel_loop3A_186 : i32
        %parallel_loop3A_188 = arith.cmpi ne, %parallel_loop3A_180, %parallel_loop3A_187 : i32
        %parallel_loop3A_189 = arith.remsi %parallel_loop3A_171, %parallel_loop3A_172 : i32
        %parallel_loop3A_190 = arith.constant 0 : i32
        %parallel_loop3A_191 = arith.cmpi ne, %parallel_loop3A_189, %parallel_loop3A_190 : i32
        %parallel_loop3A_192 = arith.andi %parallel_loop3A_188, %parallel_loop3A_191 : i1
        %parallel_loop3A_193 = arith.constant 1 : i32
        %parallel_loop3A_194 = arith.subi %parallel_loop3A_173, %parallel_loop3A_193 : i32
        %parallel_loop3A_195 = arith.select %parallel_loop3A_192, %parallel_loop3A_194, %parallel_loop3A_173 : i32
        %parallel_loop3A_196 = arith.constant 256 : i32
        %parallel_loop3A_197 = arith.constant 0 : i32
        %parallel_loop3A_198 = arith.cmpi eq, %parallel_loop3A_196, %parallel_loop3A_197 : i32
        %parallel_loop3A_199 = arith.constant 1 : i32
        %parallel_loop3A_200 = arith.select %parallel_loop3A_198, %parallel_loop3A_199, %parallel_loop3A_196 : i32
        %parallel_loop3A_201 = arith.remsi %parallel_loop3A_171, %parallel_loop3A_200 : i32
        %parallel_loop3A_202 = arith.constant 0 : i32
        %parallel_loop3A_203 = arith.cmpi ne, %parallel_loop3A_201, %parallel_loop3A_202 : i32
        %parallel_loop3A_204 = arith.constant 0 : i32
        %parallel_loop3A_205 = arith.cmpi slt, %parallel_loop3A_201, %parallel_loop3A_204 : i32
        %parallel_loop3A_206 = arith.constant 0 : i32
        %parallel_loop3A_207 = arith.cmpi slt, %parallel_loop3A_200, %parallel_loop3A_206 : i32
        %parallel_loop3A_208 = arith.xori %parallel_loop3A_205, %parallel_loop3A_207 : i1
        %parallel_loop3A_209 = arith.andi %parallel_loop3A_208, %parallel_loop3A_203 : i1
        %parallel_loop3A_210 = arith.addi %parallel_loop3A_201, %parallel_loop3A_200 : i32
        %parallel_loop3A_211 = arith.select %parallel_loop3A_209, %parallel_loop3A_210, %parallel_loop3A_201 : i32
        %parallel_loop3A_212 = arith.constant 16 : i32
        %parallel_loop3A_213 = arith.muli %parallel_loop3A_211, %parallel_loop3A_212 : i32
        %parallel_loop3A_214 = arith.constant 1 : i32
        %parallel_loop3A_215 = arith.constant 0 : i32
        %parallel_loop3A_216 = arith.cmpi eq, %parallel_loop3A_214, %parallel_loop3A_215 : i32
        %parallel_loop3A_217 = arith.constant 1 : i32
        %parallel_loop3A_218 = arith.select %parallel_loop3A_216, %parallel_loop3A_217, %parallel_loop3A_214 : i32
        %parallel_loop3A_219 = arith.remsi %parallel_loop3A_171, %parallel_loop3A_218 : i32
        %parallel_loop3A_220 = arith.constant 0 : i32
        %parallel_loop3A_221 = arith.cmpi ne, %parallel_loop3A_219, %parallel_loop3A_220 : i32
        %parallel_loop3A_222 = arith.constant 0 : i32
        %parallel_loop3A_223 = arith.cmpi slt, %parallel_loop3A_219, %parallel_loop3A_222 : i32
        %parallel_loop3A_224 = arith.constant 0 : i32
        %parallel_loop3A_225 = arith.cmpi slt, %parallel_loop3A_218, %parallel_loop3A_224 : i32
        %parallel_loop3A_226 = arith.xori %parallel_loop3A_223, %parallel_loop3A_225 : i1
        %parallel_loop3A_227 = arith.andi %parallel_loop3A_226, %parallel_loop3A_221 : i1
        %parallel_loop3A_228 = arith.addi %parallel_loop3A_219, %parallel_loop3A_218 : i32
        %parallel_loop3A_229 = arith.select %parallel_loop3A_227, %parallel_loop3A_228, %parallel_loop3A_219 : i32
        %parallel_loop3A_230 = arith.constant 1024 : i32
        %parallel_loop3A_231 = arith.muli %parallel_loop3A_229, %parallel_loop3A_230 : i32
        %parallel_loop3A_232 = arith.constant 0 : i32
        %parallel_loop3A_233 = arith.addi %parallel_loop3A_231, %parallel_loop3A_232 : i32
        %parallel_loop3A_234 = arith.index_cast %parallel_loop3A_195 : i32 to index
        %parallel_loop3A_235 = arith.index_cast %parallel_loop3A_213 : i32 to index
        %parallel_loop3A_236 = tpu.vector_load %arg7[%parallel_loop3A_234, %parallel_loop3A_235] {strides = array<i32>} : memref<4x4096xf32, #tpu.memory_space<vmem>>, vector<16xf32>,
        %parallel_loop3A_237 = arith.subf %parallel_loop3A_236, %get3A_3 : vector<16xf32>
        %parallel_loop3A_238 = arith.mulf %parallel_loop3A_237, %get3A_7 : vector<16xf32>
        %parallel_loop3A_239 = arith.fptosi %parallel_loop3A_238 : vector<16xf32> to vector<16xi32>
        %parallel_loop3A_240 = arith.constant 4 : i32
        %parallel_loop3A_241 = vector.broadcast %parallel_loop3A_240 : i32 to vector<16xi32>
        %parallel_loop3A_242 = arith.shli %parallel_loop3A_239, %parallel_loop3A_241 : vector<16xi32>
        %parallel_loop3A_243 = arith.addi %parallel_loop3A_242, %iota3A : vector<16xi32>
        %parallel_loop3A_244 = tpu.memref_slice %arg12[%parallel_loop3A_233] : memref<2048xf32, #tpu.memory_space<vmem>> -> memref<1024xf32, #tpu.memory_space<vmem>>
        tpu.vector_store_idx %parallel_loop3A_244[%parallel_loop3A_243], %add3A_19 {add = true} : memref<1024xf32, #tpu.memory_space<vmem>>[vector<16xi32>], vector<16xf32>,
      } {sc.loop_unroll_factor = 8 : i64, sc.parallel_access}
      %add3A_125 = arith.constant 2 : i32
      %add3A_126 = arith.addi %mul3A_83, %add3A_125 : i32
      %add3A_127 = arith.constant 4 : i32
      %add3A_128 = arith.addi %add3A_126, %add3A_127 : i32
      %sub3A_129 = arith.constant 1 : i32
      %sub3A_130 = arith.subi %add3A_128, %sub3A_129 : i32
      %lt3A_131 = arith.constant 32 : i32
      %lt3A_132 = arith.cmpi slt, %sub3A_130, %lt3A_131 : i32
      %convert_element_type3A_133 = arith.extui %lt3A_132 : i1 to i32
      %cond3A_134 = arith.constant 0 : i32
      %cond3A_135 = arith.cmpi ne, %convert_element_type3A_133, %cond3A_134 : i32
      scf.if %cond3A_135 {
        %mul3A_171 = arith.constant 4 : i32
        %mul3A_172 = arith.muli %sub3A_130, %mul3A_171 : i32
        %add3A_173 = arith.addi %mul3A_23, %mul3A_172 : i32
        %dma_start3A_174 = arith.constant 0 : i32
        %dma_start3A_175 = tpu.memref_slice %arg2[%add3A_173, %dma_start3A_174] : memref<4096x4096xf32, #tpu.memory_space<hbm>> -> memref<4x4096xf32, #tpu.memory_space<hbm>>
        %dma_start3A_176 = arith.constant 0 : i32
        %dma_start3A_177 = tpu.memref_slice %arg2[%add3A_173, %dma_start3A_176] : memref<4096x4096xf32, #tpu.memory_space<hbm>> -> memref<4x4096xf32, #tpu.memory_space<hbm>>
        tpu.enqueue_dma source(%dma_start3A_177 : memref<4x4096xf32, #tpu.memory_space<hbm>>) target(%arg7 : memref<4x4096xf32, #tpu.memory_space<vmem>>) target_semaphore(%arg14 : memref<!tpu.dma_semaphore, #tpu.memory_space<semaphore_mem>>)
      } else {
      }
      %add3A_136 = arith.constant 2 : i32
      %add3A_137 = arith.addi %mul3A_83, %add3A_136 : i32
      %mul3A_138 = arith.constant 4 : i32
      %mul3A_139 = arith.muli %add3A_137, %mul3A_138 : i32
      %add3A_140 = arith.addi %mul3A_23, %mul3A_139 : i32
      %dma_wait3A_141 = arith.constant 0 : i32
      %dma_wait3A_142 = tpu.memref_slice %arg2[%add3A_140, %dma_wait3A_141] : memref<4096x4096xf32, #tpu.memory_space<hbm>> -> memref<4x4096xf32, #tpu.memory_space<hbm>>
      %dma_wait3A_143 = arith.constant 0 : i32
      %dma_wait3A_144 = tpu.memref_slice %arg2[%add3A_140, %dma_wait3A_143] : memref<4096x4096xf32, #tpu.memory_space<hbm>> -> memref<4x4096xf32, #tpu.memory_space<hbm>>
      tpu.wait_dma2 semaphore(%arg15 : memref<!tpu.dma_semaphore, #tpu.memory_space<semaphore_mem>>) src(%dma_wait3A_144 : memref<4x4096xf32, #tpu.memory_space<hbm>>) dst(%arg8 : memref<4x4096xf32, #tpu.memory_space<vmem>>)
      %parallel_loop3A_145 = arith.constant 0 : i32
      %parallel_loop3A_146 = arith.constant 1024 : i32
      %parallel_loop3A_147 = arith.constant 1 : i32
      scf.for %parallel_loop3A_171 = %parallel_loop3A_145 to %parallel_loop3A_146 step %parallel_loop3A_147  : i32 {
        %parallel_loop3A_172 = arith.constant 256 : i32
        %parallel_loop3A_173 = arith.divsi %parallel_loop3A_171, %parallel_loop3A_172 : i32
        %parallel_loop3A_174 = arith.constant 0 : i32
        %parallel_loop3A_175 = arith.cmpi sgt, %parallel_loop3A_171, %parallel_loop3A_174 : i32
        %parallel_loop3A_176 = arith.extui %parallel_loop3A_175 : i1 to i32
        %parallel_loop3A_177 = arith.constant 0 : i32
        %parallel_loop3A_178 = arith.cmpi slt, %parallel_loop3A_171, %parallel_loop3A_177 : i32
        %parallel_loop3A_179 = arith.extui %parallel_loop3A_178 : i1 to i32
        %parallel_loop3A_180 = arith.subi %parallel_loop3A_176, %parallel_loop3A_179 : i32
        %parallel_loop3A_181 = arith.constant 0 : i32
        %parallel_loop3A_182 = arith.cmpi sgt, %parallel_loop3A_172, %parallel_loop3A_181 : i32
        %parallel_loop3A_183 = arith.extui %parallel_loop3A_182 : i1 to i32
        %parallel_loop3A_184 = arith.constant 0 : i32
        %parallel_loop3A_185 = arith.cmpi slt, %parallel_loop3A_172, %parallel_loop3A_184 : i32
        %parallel_loop3A_186 = arith.extui %parallel_loop3A_185 : i1 to i32
        %parallel_loop3A_187 = arith.subi %parallel_loop3A_183, %parallel_loop3A_186 : i32
        %parallel_loop3A_188 = arith.cmpi ne, %parallel_loop3A_180, %parallel_loop3A_187 : i32
        %parallel_loop3A_189 = arith.remsi %parallel_loop3A_171, %parallel_loop3A_172 : i32
        %parallel_loop3A_190 = arith.constant 0 : i32
        %parallel_loop3A_191 = arith.cmpi ne, %parallel_loop3A_189, %parallel_loop3A_190 : i32
        %parallel_loop3A_192 = arith.andi %parallel_loop3A_188, %parallel_loop3A_191 : i1
        %parallel_loop3A_193 = arith.constant 1 : i32
        %parallel_loop3A_194 = arith.subi %parallel_loop3A_173, %parallel_loop3A_193 : i32
        %parallel_loop3A_195 = arith.select %parallel_loop3A_192, %parallel_loop3A_194, %parallel_loop3A_173 : i32
        %parallel_loop3A_196 = arith.constant 256 : i32
        %parallel_loop3A_197 = arith.constant 0 : i32
        %parallel_loop3A_198 = arith.cmpi eq, %parallel_loop3A_196, %parallel_loop3A_197 : i32
        %parallel_loop3A_199 = arith.constant 1 : i32
        %parallel_loop3A_200 = arith.select %parallel_loop3A_198, %parallel_loop3A_199, %parallel_loop3A_196 : i32
        %parallel_loop3A_201 = arith.remsi %parallel_loop3A_171, %parallel_loop3A_200 : i32
        %parallel_loop3A_202 = arith.constant 0 : i32
        %parallel_loop3A_203 = arith.cmpi ne, %parallel_loop3A_201, %parallel_loop3A_202 : i32
        %parallel_loop3A_204 = arith.constant 0 : i32
        %parallel_loop3A_205 = arith.cmpi slt, %parallel_loop3A_201, %parallel_loop3A_204 : i32
        %parallel_loop3A_206 = arith.constant 0 : i32
        %parallel_loop3A_207 = arith.cmpi slt, %parallel_loop3A_200, %parallel_loop3A_206 : i32
        %parallel_loop3A_208 = arith.xori %parallel_loop3A_205, %parallel_loop3A_207 : i1
        %parallel_loop3A_209 = arith.andi %parallel_loop3A_208, %parallel_loop3A_203 : i1
        %parallel_loop3A_210 = arith.addi %parallel_loop3A_201, %parallel_loop3A_200 : i32
        %parallel_loop3A_211 = arith.select %parallel_loop3A_209, %parallel_loop3A_210, %parallel_loop3A_201 : i32
        %parallel_loop3A_212 = arith.constant 16 : i32
        %parallel_loop3A_213 = arith.muli %parallel_loop3A_211, %parallel_loop3A_212 : i32
        %parallel_loop3A_214 = arith.constant 1 : i32
        %parallel_loop3A_215 = arith.constant 0 : i32
        %parallel_loop3A_216 = arith.cmpi eq, %parallel_loop3A_214, %parallel_loop3A_215 : i32
        %parallel_loop3A_217 = arith.constant 1 : i32
        %parallel_loop3A_218 = arith.select %parallel_loop3A_216, %parallel_loop3A_217, %parallel_loop3A_214 : i32
        %parallel_loop3A_219 = arith.remsi %parallel_loop3A_171, %parallel_loop3A_218 : i32
        %parallel_loop3A_220 = arith.constant 0 : i32
        %parallel_loop3A_221 = arith.cmpi ne, %parallel_loop3A_219, %parallel_loop3A_220 : i32
        %parallel_loop3A_222 = arith.constant 0 : i32
        %parallel_loop3A_223 = arith.cmpi slt, %parallel_loop3A_219, %parallel_loop3A_222 : i32
        %parallel_loop3A_224 = arith.constant 0 : i32
        %parallel_loop3A_225 = arith.cmpi slt, %parallel_loop3A_218, %parallel_loop3A_224 : i32
        %parallel_loop3A_226 = arith.xori %parallel_loop3A_223, %parallel_loop3A_225 : i1
        %parallel_loop3A_227 = arith.andi %parallel_loop3A_226, %parallel_loop3A_221 : i1
        %parallel_loop3A_228 = arith.addi %parallel_loop3A_219, %parallel_loop3A_218 : i32
        %parallel_loop3A_229 = arith.select %parallel_loop3A_227, %parallel_loop3A_228, %parallel_loop3A_219 : i32
        %parallel_loop3A_230 = arith.constant 1024 : i32
        %parallel_loop3A_231 = arith.muli %parallel_loop3A_229, %parallel_loop3A_230 : i32
        %parallel_loop3A_232 = arith.constant 0 : i32
        %parallel_loop3A_233 = arith.addi %parallel_loop3A_231, %parallel_loop3A_232 : i32
        %parallel_loop3A_234 = arith.index_cast %parallel_loop3A_195 : i32 to index
        %parallel_loop3A_235 = arith.index_cast %parallel_loop3A_213 : i32 to index
        %parallel_loop3A_236 = tpu.vector_load %arg8[%parallel_loop3A_234, %parallel_loop3A_235] {strides = array<i32>} : memref<4x4096xf32, #tpu.memory_space<vmem>>, vector<16xf32>,
        %parallel_loop3A_237 = arith.subf %parallel_loop3A_236, %get3A_3 : vector<16xf32>
        %parallel_loop3A_238 = arith.mulf %parallel_loop3A_237, %get3A_7 : vector<16xf32>
        %parallel_loop3A_239 = arith.fptosi %parallel_loop3A_238 : vector<16xf32> to vector<16xi32>
        %parallel_loop3A_240 = arith.constant 4 : i32
        %parallel_loop3A_241 = vector.broadcast %parallel_loop3A_240 : i32 to vector<16xi32>
        %parallel_loop3A_242 = arith.shli %parallel_loop3A_239, %parallel_loop3A_241 : vector<16xi32>
        %parallel_loop3A_243 = arith.addi %parallel_loop3A_242, %iota3A : vector<16xi32>
        %parallel_loop3A_244 = tpu.memref_slice %arg12[%parallel_loop3A_233] : memref<2048xf32, #tpu.memory_space<vmem>> -> memref<1024xf32, #tpu.memory_space<vmem>>
        tpu.vector_store_idx %parallel_loop3A_244[%parallel_loop3A_243], %add3A_19 {add = true} : memref<1024xf32, #tpu.memory_space<vmem>>[vector<16xi32>], vector<16xf32>,
      } {sc.loop_unroll_factor = 8 : i64, sc.parallel_access}
      %add3A_148 = arith.constant 3 : i32
      %add3A_149 = arith.addi %mul3A_83, %add3A_148 : i32
      %add3A_150 = arith.constant 4 : i32
      %add3A_151 = arith.addi %add3A_149, %add3A_150 : i32
      %sub3A_152 = arith.constant 1 : i32
      %sub3A_153 = arith.subi %add3A_151, %sub3A_152 : i32
      %lt3A_154 = arith.constant 32 : i32
      %lt3A_155 = arith.cmpi slt, %sub3A_153, %lt3A_154 : i32
      %convert_element_type3A_156 = arith.extui %lt3A_155 : i1 to i32
      %cond3A_157 = arith.constant 0 : i32
      %cond3A_158 = arith.cmpi ne, %convert_element_type3A_156, %cond3A_157 : i32
      scf.if %cond3A_158 {
        %mul3A_171 = arith.constant 4 : i32
        %mul3A_172 = arith.muli %sub3A_153, %mul3A_171 : i32
        %add3A_173 = arith.addi %mul3A_23, %mul3A_172 : i32
        %dma_start3A_174 = arith.constant 0 : i32
        %dma_start3A_175 = tpu.memref_slice %arg2[%add3A_173, %dma_start3A_174] : memref<4096x4096xf32, #tpu.memory_space<hbm>> -> memref<4x4096xf32, #tpu.memory_space<hbm>>
        %dma_start3A_176 = arith.constant 0 : i32
        %dma_start3A_177 = tpu.memref_slice %arg2[%add3A_173, %dma_start3A_176] : memref<4096x4096xf32, #tpu.memory_space<hbm>> -> memref<4x4096xf32, #tpu.memory_space<hbm>>
        tpu.enqueue_dma source(%dma_start3A_177 : memref<4x4096xf32, #tpu.memory_space<hbm>>) target(%arg8 : memref<4x4096xf32, #tpu.memory_space<vmem>>) target_semaphore(%arg15 : memref<!tpu.dma_semaphore, #tpu.memory_space<semaphore_mem>>)
      } else {
      }
      %add3A_159 = arith.constant 3 : i32
      %add3A_160 = arith.addi %mul3A_83, %add3A_159 : i32
      %mul3A_161 = arith.constant 4 : i32
      %mul3A_162 = arith.muli %add3A_160, %mul3A_161 : i32
      %add3A_163 = arith.addi %mul3A_23, %mul3A_162 : i32
      %dma_wait3A_164 = arith.constant 0 : i32
      %dma_wait3A_165 = tpu.memref_slice %arg2[%add3A_163, %dma_wait3A_164] : memref<4096x4096xf32, #tpu.memory_space<hbm>> -> memref<4x4096xf32, #tpu.memory_space<hbm>>
      %dma_wait3A_166 = arith.constant 0 : i32
      %dma_wait3A_167 = tpu.memref_slice %arg2[%add3A_163, %dma_wait3A_166] : memref<4096x4096xf32, #tpu.memory_space<hbm>> -> memref<4x4096xf32, #tpu.memory_space<hbm>>
      tpu.wait_dma2 semaphore(%arg16 : memref<!tpu.dma_semaphore, #tpu.memory_space<semaphore_mem>>) src(%dma_wait3A_167 : memref<4x4096xf32, #tpu.memory_space<hbm>>) dst(%arg9 : memref<4x4096xf32, #tpu.memory_space<vmem>>)
      %parallel_loop3A_168 = arith.constant 0 : i32
      %parallel_loop3A_169 = arith.constant 1024 : i32
      %parallel_loop3A_170 = arith.constant 1 : i32
      scf.for %parallel_loop3A_171 = %parallel_loop3A_168 to %parallel_loop3A_169 step %parallel_loop3A_170  : i32 {
        %parallel_loop3A_172 = arith.constant 256 : i32
        %parallel_loop3A_173 = arith.divsi %parallel_loop3A_171, %parallel_loop3A_172 : i32
        %parallel_loop3A_174 = arith.constant 0 : i32
        %parallel_loop3A_175 = arith.cmpi sgt, %parallel_loop3A_171, %parallel_loop3A_174 : i32
        %parallel_loop3A_176 = arith.extui %parallel_loop3A_175 : i1 to i32
        %parallel_loop3A_177 = arith.constant 0 : i32
        %parallel_loop3A_178 = arith.cmpi slt, %parallel_loop3A_171, %parallel_loop3A_177 : i32
        %parallel_loop3A_179 = arith.extui %parallel_loop3A_178 : i1 to i32
        %parallel_loop3A_180 = arith.subi %parallel_loop3A_176, %parallel_loop3A_179 : i32
        %parallel_loop3A_181 = arith.constant 0 : i32
        %parallel_loop3A_182 = arith.cmpi sgt, %parallel_loop3A_172, %parallel_loop3A_181 : i32
        %parallel_loop3A_183 = arith.extui %parallel_loop3A_182 : i1 to i32
        %parallel_loop3A_184 = arith.constant 0 : i32
        %parallel_loop3A_185 = arith.cmpi slt, %parallel_loop3A_172, %parallel_loop3A_184 : i32
        %parallel_loop3A_186 = arith.extui %parallel_loop3A_185 : i1 to i32
        %parallel_loop3A_187 = arith.subi %parallel_loop3A_183, %parallel_loop3A_186 : i32
        %parallel_loop3A_188 = arith.cmpi ne, %parallel_loop3A_180, %parallel_loop3A_187 : i32
        %parallel_loop3A_189 = arith.remsi %parallel_loop3A_171, %parallel_loop3A_172 : i32
        %parallel_loop3A_190 = arith.constant 0 : i32
        %parallel_loop3A_191 = arith.cmpi ne, %parallel_loop3A_189, %parallel_loop3A_190 : i32
        %parallel_loop3A_192 = arith.andi %parallel_loop3A_188, %parallel_loop3A_191 : i1
        %parallel_loop3A_193 = arith.constant 1 : i32
        %parallel_loop3A_194 = arith.subi %parallel_loop3A_173, %parallel_loop3A_193 : i32
        %parallel_loop3A_195 = arith.select %parallel_loop3A_192, %parallel_loop3A_194, %parallel_loop3A_173 : i32
        %parallel_loop3A_196 = arith.constant 256 : i32
        %parallel_loop3A_197 = arith.constant 0 : i32
        %parallel_loop3A_198 = arith.cmpi eq, %parallel_loop3A_196, %parallel_loop3A_197 : i32
        %parallel_loop3A_199 = arith.constant 1 : i32
        %parallel_loop3A_200 = arith.select %parallel_loop3A_198, %parallel_loop3A_199, %parallel_loop3A_196 : i32
        %parallel_loop3A_201 = arith.remsi %parallel_loop3A_171, %parallel_loop3A_200 : i32
        %parallel_loop3A_202 = arith.constant 0 : i32
        %parallel_loop3A_203 = arith.cmpi ne, %parallel_loop3A_201, %parallel_loop3A_202 : i32
        %parallel_loop3A_204 = arith.constant 0 : i32
        %parallel_loop3A_205 = arith.cmpi slt, %parallel_loop3A_201, %parallel_loop3A_204 : i32
        %parallel_loop3A_206 = arith.constant 0 : i32
        %parallel_loop3A_207 = arith.cmpi slt, %parallel_loop3A_200, %parallel_loop3A_206 : i32
        %parallel_loop3A_208 = arith.xori %parallel_loop3A_205, %parallel_loop3A_207 : i1
        %parallel_loop3A_209 = arith.andi %parallel_loop3A_208, %parallel_loop3A_203 : i1
        %parallel_loop3A_210 = arith.addi %parallel_loop3A_201, %parallel_loop3A_200 : i32
        %parallel_loop3A_211 = arith.select %parallel_loop3A_209, %parallel_loop3A_210, %parallel_loop3A_201 : i32
        %parallel_loop3A_212 = arith.constant 16 : i32
        %parallel_loop3A_213 = arith.muli %parallel_loop3A_211, %parallel_loop3A_212 : i32
        %parallel_loop3A_214 = arith.constant 1 : i32
        %parallel_loop3A_215 = arith.constant 0 : i32
        %parallel_loop3A_216 = arith.cmpi eq, %parallel_loop3A_214, %parallel_loop3A_215 : i32
        %parallel_loop3A_217 = arith.constant 1 : i32
        %parallel_loop3A_218 = arith.select %parallel_loop3A_216, %parallel_loop3A_217, %parallel_loop3A_214 : i32
        %parallel_loop3A_219 = arith.remsi %parallel_loop3A_171, %parallel_loop3A_218 : i32
        %parallel_loop3A_220 = arith.constant 0 : i32
        %parallel_loop3A_221 = arith.cmpi ne, %parallel_loop3A_219, %parallel_loop3A_220 : i32
        %parallel_loop3A_222 = arith.constant 0 : i32
        %parallel_loop3A_223 = arith.cmpi slt, %parallel_loop3A_219, %parallel_loop3A_222 : i32
        %parallel_loop3A_224 = arith.constant 0 : i32
        %parallel_loop3A_225 = arith.cmpi slt, %parallel_loop3A_218, %parallel_loop3A_224 : i32
        %parallel_loop3A_226 = arith.xori %parallel_loop3A_223, %parallel_loop3A_225 : i1
        %parallel_loop3A_227 = arith.andi %parallel_loop3A_226, %parallel_loop3A_221 : i1
        %parallel_loop3A_228 = arith.addi %parallel_loop3A_219, %parallel_loop3A_218 : i32
        %parallel_loop3A_229 = arith.select %parallel_loop3A_227, %parallel_loop3A_228, %parallel_loop3A_219 : i32
        %parallel_loop3A_230 = arith.constant 1024 : i32
        %parallel_loop3A_231 = arith.muli %parallel_loop3A_229, %parallel_loop3A_230 : i32
        %parallel_loop3A_232 = arith.constant 0 : i32
        %parallel_loop3A_233 = arith.addi %parallel_loop3A_231, %parallel_loop3A_232 : i32
        %parallel_loop3A_234 = arith.index_cast %parallel_loop3A_195 : i32 to index
        %parallel_loop3A_235 = arith.index_cast %parallel_loop3A_213 : i32 to index
        %parallel_loop3A_236 = tpu.vector_load %arg9[%parallel_loop3A_234, %parallel_loop3A_235] {strides = array<i32>} : memref<4x4096xf32, #tpu.memory_space<vmem>>, vector<16xf32>,
        %parallel_loop3A_237 = arith.subf %parallel_loop3A_236, %get3A_3 : vector<16xf32>
        %parallel_loop3A_238 = arith.mulf %parallel_loop3A_237, %get3A_7 : vector<16xf32>
        %parallel_loop3A_239 = arith.fptosi %parallel_loop3A_238 : vector<16xf32> to vector<16xi32>
        %parallel_loop3A_240 = arith.constant 4 : i32
        %parallel_loop3A_241 = vector.broadcast %parallel_loop3A_240 : i32 to vector<16xi32>
        %parallel_loop3A_242 = arith.shli %parallel_loop3A_239, %parallel_loop3A_241 : vector<16xi32>
        %parallel_loop3A_243 = arith.addi %parallel_loop3A_242, %iota3A : vector<16xi32>
        %parallel_loop3A_244 = tpu.memref_slice %arg12[%parallel_loop3A_233] : memref<2048xf32, #tpu.memory_space<vmem>> -> memref<1024xf32, #tpu.memory_space<vmem>>
        tpu.vector_store_idx %parallel_loop3A_244[%parallel_loop3A_243], %add3A_19 {add = true} : memref<1024xf32, #tpu.memory_space<vmem>>[vector<16xi32>], vector<16xf32>,
      } {sc.loop_unroll_factor = 8 : i64, sc.parallel_access}
    }
    %scan3A_45 = arith.constant 8 : i32
    %mul3A_46 = arith.constant 64 : i32
    %mul3A_47 = arith.muli %add3A, %mul3A_46 : i32
    %add3A_48 = arith.constant 0 : i32
    %add3A_49 = arith.addi %mul3A_47, %add3A_48 : i32
    %dma_start3A_50 = arith.constant 0 : i32
    %dma_start3A_51 = tpu.memref_slice %arg3[%add3A_49, %dma_start3A_50] : memref<2048x4096xf32, #tpu.memory_space<hbm>> -> memref<4x4096xf32, #tpu.memory_space<hbm>>
    %dma_start3A_52 = arith.constant 0 : i32
    %dma_start3A_53 = tpu.memref_slice %arg3[%add3A_49, %dma_start3A_52] : memref<2048x4096xf32, #tpu.memory_space<hbm>> -> memref<4x4096xf32, #tpu.memory_space<hbm>>
    tpu.enqueue_dma source(%dma_start3A_53 : memref<4x4096xf32, #tpu.memory_space<hbm>>) target(%arg6 : memref<4x4096xf32, #tpu.memory_space<vmem>>) target_semaphore(%arg13 : memref<!tpu.dma_semaphore, #tpu.memory_space<semaphore_mem>>)
    %add3A_54 = arith.constant 4 : i32
    %add3A_55 = arith.addi %mul3A_47, %add3A_54 : i32
    %dma_start3A_56 = arith.constant 0 : i32
    %dma_start3A_57 = tpu.memref_slice %arg3[%add3A_55, %dma_start3A_56] : memref<2048x4096xf32, #tpu.memory_space<hbm>> -> memref<4x4096xf32, #tpu.memory_space<hbm>>
    %dma_start3A_58 = arith.constant 0 : i32
    %dma_start3A_59 = tpu.memref_slice %arg3[%add3A_55, %dma_start3A_58] : memref<2048x4096xf32, #tpu.memory_space<hbm>> -> memref<4x4096xf32, #tpu.memory_space<hbm>>
    tpu.enqueue_dma source(%dma_start3A_59 : memref<4x4096xf32, #tpu.memory_space<hbm>>) target(%arg7 : memref<4x4096xf32, #tpu.memory_space<vmem>>) target_semaphore(%arg14 : memref<!tpu.dma_semaphore, #tpu.memory_space<semaphore_mem>>)
    %add3A_60 = arith.constant 8 : i32
    %add3A_61 = arith.addi %mul3A_47, %add3A_60 : i32
    %dma_start3A_62 = arith.constant 0 : i32
    %dma_start3A_63 = tpu.memref_slice %arg3[%add3A_61, %dma_start3A_62] : memref<2048x4096xf32, #tpu.memory_space<hbm>> -> memref<4x4096xf32, #tpu.memory_space<hbm>>
    %dma_start3A_64 = arith.constant 0 : i32
    %dma_start3A_65 = tpu.memref_slice %arg3[%add3A_61, %dma_start3A_64] : memref<2048x4096xf32, #tpu.memory_space<hbm>> -> memref<4x4096xf32, #tpu.memory_space<hbm>>
    tpu.enqueue_dma source(%dma_start3A_65 : memref<4x4096xf32, #tpu.memory_space<hbm>>) target(%arg8 : memref<4x4096xf32, #tpu.memory_space<vmem>>) target_semaphore(%arg15 : memref<!tpu.dma_semaphore, #tpu.memory_space<semaphore_mem>>)
    %scan3A_66 = arith.constant 0 : i32
    %scan3A_67 = arith.constant 0 : i32
    %scan3A_68 = arith.constant 4 : i32
    %scan3A_69 = arith.addi %scan3A_67, %scan3A_68 : i32
    %scan3A_70 = arith.constant 1 : i32
    scf.for %scan3A_81 = %scan3A_67 to %scan3A_69 step %scan3A_70  : i32 {
      %mul3A_82 = arith.constant 4 : i32
      %mul3A_83 = arith.muli %mul3A_82, %scan3A_81 : i32
      %add3A_84 = arith.constant 0 : i32
      %add3A_85 = arith.addi %mul3A_83, %add3A_84 : i32
      %add3A_86 = arith.constant 4 : i32
      %add3A_87 = arith.addi %add3A_85, %add3A_86 : i32
      %sub3A = arith.constant 1 : i32
      %sub3A_88 = arith.subi %add3A_87, %sub3A : i32
      %lt3A = arith.constant 16 : i32
      %lt3A_89 = arith.cmpi slt, %sub3A_88, %lt3A : i32
      %convert_element_type3A = arith.extui %lt3A_89 : i1 to i32
      %cond3A = arith.constant 0 : i32
      %cond3A_90 = arith.cmpi ne, %convert_element_type3A, %cond3A : i32
      scf.if %cond3A_90 {
        %mul3A_171 = arith.constant 4 : i32
        %mul3A_172 = arith.muli %sub3A_88, %mul3A_171 : i32
        %add3A_173 = arith.addi %mul3A_47, %mul3A_172 : i32
        %dma_start3A_174 = arith.constant 0 : i32
        %dma_start3A_175 = tpu.memref_slice %arg3[%add3A_173, %dma_start3A_174] : memref<2048x4096xf32, #tpu.memory_space<hbm>> -> memref<4x4096xf32, #tpu.memory_space<hbm>>
        %dma_start3A_176 = arith.constant 0 : i32
        %dma_start3A_177 = tpu.memref_slice %arg3[%add3A_173, %dma_start3A_176] : memref<2048x4096xf32, #tpu.memory_space<hbm>> -> memref<4x4096xf32, #tpu.memory_space<hbm>>
        tpu.enqueue_dma source(%dma_start3A_177 : memref<4x4096xf32, #tpu.memory_space<hbm>>) target(%arg9 : memref<4x4096xf32, #tpu.memory_space<vmem>>) target_semaphore(%arg16 : memref<!tpu.dma_semaphore, #tpu.memory_space<semaphore_mem>>)
      } else {
      }
      %add3A_91 = arith.constant 0 : i32
      %add3A_92 = arith.addi %mul3A_83, %add3A_91 : i32
      %mul3A_93 = arith.constant 4 : i32
      %mul3A_94 = arith.muli %add3A_92, %mul3A_93 : i32
      %add3A_95 = arith.addi %mul3A_47, %mul3A_94 : i32
      %dma_wait3A = arith.constant 0 : i32
      %dma_wait3A_96 = tpu.memref_slice %arg3[%add3A_95, %dma_wait3A] : memref<2048x4096xf32, #tpu.memory_space<hbm>> -> memref<4x4096xf32, #tpu.memory_space<hbm>>
      %dma_wait3A_97 = arith.constant 0 : i32
      %dma_wait3A_98 = tpu.memref_slice %arg3[%add3A_95, %dma_wait3A_97] : memref<2048x4096xf32, #tpu.memory_space<hbm>> -> memref<4x4096xf32, #tpu.memory_space<hbm>>
      tpu.wait_dma2 semaphore(%arg13 : memref<!tpu.dma_semaphore, #tpu.memory_space<semaphore_mem>>) src(%dma_wait3A_98 : memref<4x4096xf32, #tpu.memory_space<hbm>>) dst(%arg6 : memref<4x4096xf32, #tpu.memory_space<vmem>>)
      %parallel_loop3A_99 = arith.constant 0 : i32
      %parallel_loop3A_100 = arith.constant 1024 : i32
      %parallel_loop3A_101 = arith.constant 1 : i32
      scf.for %parallel_loop3A_171 = %parallel_loop3A_99 to %parallel_loop3A_100 step %parallel_loop3A_101  : i32 {
        %parallel_loop3A_172 = arith.constant 256 : i32
        %parallel_loop3A_173 = arith.divsi %parallel_loop3A_171, %parallel_loop3A_172 : i32
        %parallel_loop3A_174 = arith.constant 0 : i32
        %parallel_loop3A_175 = arith.cmpi sgt, %parallel_loop3A_171, %parallel_loop3A_174 : i32
        %parallel_loop3A_176 = arith.extui %parallel_loop3A_175 : i1 to i32
        %parallel_loop3A_177 = arith.constant 0 : i32
        %parallel_loop3A_178 = arith.cmpi slt, %parallel_loop3A_171, %parallel_loop3A_177 : i32
        %parallel_loop3A_179 = arith.extui %parallel_loop3A_178 : i1 to i32
        %parallel_loop3A_180 = arith.subi %parallel_loop3A_176, %parallel_loop3A_179 : i32
        %parallel_loop3A_181 = arith.constant 0 : i32
        %parallel_loop3A_182 = arith.cmpi sgt, %parallel_loop3A_172, %parallel_loop3A_181 : i32
        %parallel_loop3A_183 = arith.extui %parallel_loop3A_182 : i1 to i32
        %parallel_loop3A_184 = arith.constant 0 : i32
        %parallel_loop3A_185 = arith.cmpi slt, %parallel_loop3A_172, %parallel_loop3A_184 : i32
        %parallel_loop3A_186 = arith.extui %parallel_loop3A_185 : i1 to i32
        %parallel_loop3A_187 = arith.subi %parallel_loop3A_183, %parallel_loop3A_186 : i32
        %parallel_loop3A_188 = arith.cmpi ne, %parallel_loop3A_180, %parallel_loop3A_187 : i32
        %parallel_loop3A_189 = arith.remsi %parallel_loop3A_171, %parallel_loop3A_172 : i32
        %parallel_loop3A_190 = arith.constant 0 : i32
        %parallel_loop3A_191 = arith.cmpi ne, %parallel_loop3A_189, %parallel_loop3A_190 : i32
        %parallel_loop3A_192 = arith.andi %parallel_loop3A_188, %parallel_loop3A_191 : i1
        %parallel_loop3A_193 = arith.constant 1 : i32
        %parallel_loop3A_194 = arith.subi %parallel_loop3A_173, %parallel_loop3A_193 : i32
        %parallel_loop3A_195 = arith.select %parallel_loop3A_192, %parallel_loop3A_194, %parallel_loop3A_173 : i32
        %parallel_loop3A_196 = arith.constant 256 : i32
        %parallel_loop3A_197 = arith.constant 0 : i32
        %parallel_loop3A_198 = arith.cmpi eq, %parallel_loop3A_196, %parallel_loop3A_197 : i32
        %parallel_loop3A_199 = arith.constant 1 : i32
        %parallel_loop3A_200 = arith.select %parallel_loop3A_198, %parallel_loop3A_199, %parallel_loop3A_196 : i32
        %parallel_loop3A_201 = arith.remsi %parallel_loop3A_171, %parallel_loop3A_200 : i32
        %parallel_loop3A_202 = arith.constant 0 : i32
        %parallel_loop3A_203 = arith.cmpi ne, %parallel_loop3A_201, %parallel_loop3A_202 : i32
        %parallel_loop3A_204 = arith.constant 0 : i32
        %parallel_loop3A_205 = arith.cmpi slt, %parallel_loop3A_201, %parallel_loop3A_204 : i32
        %parallel_loop3A_206 = arith.constant 0 : i32
        %parallel_loop3A_207 = arith.cmpi slt, %parallel_loop3A_200, %parallel_loop3A_206 : i32
        %parallel_loop3A_208 = arith.xori %parallel_loop3A_205, %parallel_loop3A_207 : i1
        %parallel_loop3A_209 = arith.andi %parallel_loop3A_208, %parallel_loop3A_203 : i1
        %parallel_loop3A_210 = arith.addi %parallel_loop3A_201, %parallel_loop3A_200 : i32
        %parallel_loop3A_211 = arith.select %parallel_loop3A_209, %parallel_loop3A_210, %parallel_loop3A_201 : i32
        %parallel_loop3A_212 = arith.constant 16 : i32
        %parallel_loop3A_213 = arith.muli %parallel_loop3A_211, %parallel_loop3A_212 : i32
        %parallel_loop3A_214 = arith.constant 1 : i32
        %parallel_loop3A_215 = arith.constant 0 : i32
        %parallel_loop3A_216 = arith.cmpi eq, %parallel_loop3A_214, %parallel_loop3A_215 : i32
        %parallel_loop3A_217 = arith.constant 1 : i32
        %parallel_loop3A_218 = arith.select %parallel_loop3A_216, %parallel_loop3A_217, %parallel_loop3A_214 : i32
        %parallel_loop3A_219 = arith.remsi %parallel_loop3A_171, %parallel_loop3A_218 : i32
        %parallel_loop3A_220 = arith.constant 0 : i32
        %parallel_loop3A_221 = arith.cmpi ne, %parallel_loop3A_219, %parallel_loop3A_220 : i32
        %parallel_loop3A_222 = arith.constant 0 : i32
        %parallel_loop3A_223 = arith.cmpi slt, %parallel_loop3A_219, %parallel_loop3A_222 : i32
        %parallel_loop3A_224 = arith.constant 0 : i32
        %parallel_loop3A_225 = arith.cmpi slt, %parallel_loop3A_218, %parallel_loop3A_224 : i32
        %parallel_loop3A_226 = arith.xori %parallel_loop3A_223, %parallel_loop3A_225 : i1
        %parallel_loop3A_227 = arith.andi %parallel_loop3A_226, %parallel_loop3A_221 : i1
        %parallel_loop3A_228 = arith.addi %parallel_loop3A_219, %parallel_loop3A_218 : i32
        %parallel_loop3A_229 = arith.select %parallel_loop3A_227, %parallel_loop3A_228, %parallel_loop3A_219 : i32
        %parallel_loop3A_230 = arith.constant 1024 : i32
        %parallel_loop3A_231 = arith.muli %parallel_loop3A_229, %parallel_loop3A_230 : i32
        %parallel_loop3A_232 = arith.constant 1024 : i32
        %parallel_loop3A_233 = arith.addi %parallel_loop3A_231, %parallel_loop3A_232 : i32
        %parallel_loop3A_234 = arith.index_cast %parallel_loop3A_195 : i32 to index
        %parallel_loop3A_235 = arith.index_cast %parallel_loop3A_213 : i32 to index
        %parallel_loop3A_236 = tpu.vector_load %arg6[%parallel_loop3A_234, %parallel_loop3A_235] {strides = array<i32>} : memref<4x4096xf32, #tpu.memory_space<vmem>>, vector<16xf32>,
        %parallel_loop3A_237 = arith.subf %parallel_loop3A_236, %get3A_11 : vector<16xf32>
        %parallel_loop3A_238 = arith.mulf %parallel_loop3A_237, %get3A_15 : vector<16xf32>
        %parallel_loop3A_239 = arith.fptosi %parallel_loop3A_238 : vector<16xf32> to vector<16xi32>
        %parallel_loop3A_240 = arith.constant 4 : i32
        %parallel_loop3A_241 = vector.broadcast %parallel_loop3A_240 : i32 to vector<16xi32>
        %parallel_loop3A_242 = arith.shli %parallel_loop3A_239, %parallel_loop3A_241 : vector<16xi32>
        %parallel_loop3A_243 = arith.addi %parallel_loop3A_242, %iota3A : vector<16xi32>
        %parallel_loop3A_244 = tpu.memref_slice %arg12[%parallel_loop3A_233] : memref<2048xf32, #tpu.memory_space<vmem>> -> memref<1024xf32, #tpu.memory_space<vmem>>
        tpu.vector_store_idx %parallel_loop3A_244[%parallel_loop3A_243], %add3A_19 {add = true} : memref<1024xf32, #tpu.memory_space<vmem>>[vector<16xi32>], vector<16xf32>,
      } {sc.loop_unroll_factor = 8 : i64, sc.parallel_access}
      %add3A_102 = arith.constant 1 : i32
      %add3A_103 = arith.addi %mul3A_83, %add3A_102 : i32
      %add3A_104 = arith.constant 4 : i32
      %add3A_105 = arith.addi %add3A_103, %add3A_104 : i32
      %sub3A_106 = arith.constant 1 : i32
      %sub3A_107 = arith.subi %add3A_105, %sub3A_106 : i32
      %lt3A_108 = arith.constant 16 : i32
      %lt3A_109 = arith.cmpi slt, %sub3A_107, %lt3A_108 : i32
      %convert_element_type3A_110 = arith.extui %lt3A_109 : i1 to i32
      %cond3A_111 = arith.constant 0 : i32
      %cond3A_112 = arith.cmpi ne, %convert_element_type3A_110, %cond3A_111 : i32
      scf.if %cond3A_112 {
        %mul3A_171 = arith.constant 4 : i32
        %mul3A_172 = arith.muli %sub3A_107, %mul3A_171 : i32
        %add3A_173 = arith.addi %mul3A_47, %mul3A_172 : i32
        %dma_start3A_174 = arith.constant 0 : i32
        %dma_start3A_175 = tpu.memref_slice %arg3[%add3A_173, %dma_start3A_174] : memref<2048x4096xf32, #tpu.memory_space<hbm>> -> memref<4x4096xf32, #tpu.memory_space<hbm>>
        %dma_start3A_176 = arith.constant 0 : i32
        %dma_start3A_177 = tpu.memref_slice %arg3[%add3A_173, %dma_start3A_176] : memref<2048x4096xf32, #tpu.memory_space<hbm>> -> memref<4x4096xf32, #tpu.memory_space<hbm>>
        tpu.enqueue_dma source(%dma_start3A_177 : memref<4x4096xf32, #tpu.memory_space<hbm>>) target(%arg6 : memref<4x4096xf32, #tpu.memory_space<vmem>>) target_semaphore(%arg13 : memref<!tpu.dma_semaphore, #tpu.memory_space<semaphore_mem>>)
      } else {
      }
      %add3A_113 = arith.constant 1 : i32
      %add3A_114 = arith.addi %mul3A_83, %add3A_113 : i32
      %mul3A_115 = arith.constant 4 : i32
      %mul3A_116 = arith.muli %add3A_114, %mul3A_115 : i32
      %add3A_117 = arith.addi %mul3A_47, %mul3A_116 : i32
      %dma_wait3A_118 = arith.constant 0 : i32
      %dma_wait3A_119 = tpu.memref_slice %arg3[%add3A_117, %dma_wait3A_118] : memref<2048x4096xf32, #tpu.memory_space<hbm>> -> memref<4x4096xf32, #tpu.memory_space<hbm>>
      %dma_wait3A_120 = arith.constant 0 : i32
      %dma_wait3A_121 = tpu.memref_slice %arg3[%add3A_117, %dma_wait3A_120] : memref<2048x4096xf32, #tpu.memory_space<hbm>> -> memref<4x4096xf32, #tpu.memory_space<hbm>>
      tpu.wait_dma2 semaphore(%arg14 : memref<!tpu.dma_semaphore, #tpu.memory_space<semaphore_mem>>) src(%dma_wait3A_121 : memref<4x4096xf32, #tpu.memory_space<hbm>>) dst(%arg7 : memref<4x4096xf32, #tpu.memory_space<vmem>>)
      %parallel_loop3A_122 = arith.constant 0 : i32
      %parallel_loop3A_123 = arith.constant 1024 : i32
      %parallel_loop3A_124 = arith.constant 1 : i32
      scf.for %parallel_loop3A_171 = %parallel_loop3A_122 to %parallel_loop3A_123 step %parallel_loop3A_124  : i32 {
        %parallel_loop3A_172 = arith.constant 256 : i32
        %parallel_loop3A_173 = arith.divsi %parallel_loop3A_171, %parallel_loop3A_172 : i32
        %parallel_loop3A_174 = arith.constant 0 : i32
        %parallel_loop3A_175 = arith.cmpi sgt, %parallel_loop3A_171, %parallel_loop3A_174 : i32
        %parallel_loop3A_176 = arith.extui %parallel_loop3A_175 : i1 to i32
        %parallel_loop3A_177 = arith.constant 0 : i32
        %parallel_loop3A_178 = arith.cmpi slt, %parallel_loop3A_171, %parallel_loop3A_177 : i32
        %parallel_loop3A_179 = arith.extui %parallel_loop3A_178 : i1 to i32
        %parallel_loop3A_180 = arith.subi %parallel_loop3A_176, %parallel_loop3A_179 : i32
        %parallel_loop3A_181 = arith.constant 0 : i32
        %parallel_loop3A_182 = arith.cmpi sgt, %parallel_loop3A_172, %parallel_loop3A_181 : i32
        %parallel_loop3A_183 = arith.extui %parallel_loop3A_182 : i1 to i32
        %parallel_loop3A_184 = arith.constant 0 : i32
        %parallel_loop3A_185 = arith.cmpi slt, %parallel_loop3A_172, %parallel_loop3A_184 : i32
        %parallel_loop3A_186 = arith.extui %parallel_loop3A_185 : i1 to i32
        %parallel_loop3A_187 = arith.subi %parallel_loop3A_183, %parallel_loop3A_186 : i32
        %parallel_loop3A_188 = arith.cmpi ne, %parallel_loop3A_180, %parallel_loop3A_187 : i32
        %parallel_loop3A_189 = arith.remsi %parallel_loop3A_171, %parallel_loop3A_172 : i32
        %parallel_loop3A_190 = arith.constant 0 : i32
        %parallel_loop3A_191 = arith.cmpi ne, %parallel_loop3A_189, %parallel_loop3A_190 : i32
        %parallel_loop3A_192 = arith.andi %parallel_loop3A_188, %parallel_loop3A_191 : i1
        %parallel_loop3A_193 = arith.constant 1 : i32
        %parallel_loop3A_194 = arith.subi %parallel_loop3A_173, %parallel_loop3A_193 : i32
        %parallel_loop3A_195 = arith.select %parallel_loop3A_192, %parallel_loop3A_194, %parallel_loop3A_173 : i32
        %parallel_loop3A_196 = arith.constant 256 : i32
        %parallel_loop3A_197 = arith.constant 0 : i32
        %parallel_loop3A_198 = arith.cmpi eq, %parallel_loop3A_196, %parallel_loop3A_197 : i32
        %parallel_loop3A_199 = arith.constant 1 : i32
        %parallel_loop3A_200 = arith.select %parallel_loop3A_198, %parallel_loop3A_199, %parallel_loop3A_196 : i32
        %parallel_loop3A_201 = arith.remsi %parallel_loop3A_171, %parallel_loop3A_200 : i32
        %parallel_loop3A_202 = arith.constant 0 : i32
        %parallel_loop3A_203 = arith.cmpi ne, %parallel_loop3A_201, %parallel_loop3A_202 : i32
        %parallel_loop3A_204 = arith.constant 0 : i32
        %parallel_loop3A_205 = arith.cmpi slt, %parallel_loop3A_201, %parallel_loop3A_204 : i32
        %parallel_loop3A_206 = arith.constant 0 : i32
        %parallel_loop3A_207 = arith.cmpi slt, %parallel_loop3A_200, %parallel_loop3A_206 : i32
        %parallel_loop3A_208 = arith.xori %parallel_loop3A_205, %parallel_loop3A_207 : i1
        %parallel_loop3A_209 = arith.andi %parallel_loop3A_208, %parallel_loop3A_203 : i1
        %parallel_loop3A_210 = arith.addi %parallel_loop3A_201, %parallel_loop3A_200 : i32
        %parallel_loop3A_211 = arith.select %parallel_loop3A_209, %parallel_loop3A_210, %parallel_loop3A_201 : i32
        %parallel_loop3A_212 = arith.constant 16 : i32
        %parallel_loop3A_213 = arith.muli %parallel_loop3A_211, %parallel_loop3A_212 : i32
        %parallel_loop3A_214 = arith.constant 1 : i32
        %parallel_loop3A_215 = arith.constant 0 : i32
        %parallel_loop3A_216 = arith.cmpi eq, %parallel_loop3A_214, %parallel_loop3A_215 : i32
        %parallel_loop3A_217 = arith.constant 1 : i32
        %parallel_loop3A_218 = arith.select %parallel_loop3A_216, %parallel_loop3A_217, %parallel_loop3A_214 : i32
        %parallel_loop3A_219 = arith.remsi %parallel_loop3A_171, %parallel_loop3A_218 : i32
        %parallel_loop3A_220 = arith.constant 0 : i32
        %parallel_loop3A_221 = arith.cmpi ne, %parallel_loop3A_219, %parallel_loop3A_220 : i32
        %parallel_loop3A_222 = arith.constant 0 : i32
        %parallel_loop3A_223 = arith.cmpi slt, %parallel_loop3A_219, %parallel_loop3A_222 : i32
        %parallel_loop3A_224 = arith.constant 0 : i32
        %parallel_loop3A_225 = arith.cmpi slt, %parallel_loop3A_218, %parallel_loop3A_224 : i32
        %parallel_loop3A_226 = arith.xori %parallel_loop3A_223, %parallel_loop3A_225 : i1
        %parallel_loop3A_227 = arith.andi %parallel_loop3A_226, %parallel_loop3A_221 : i1
        %parallel_loop3A_228 = arith.addi %parallel_loop3A_219, %parallel_loop3A_218 : i32
        %parallel_loop3A_229 = arith.select %parallel_loop3A_227, %parallel_loop3A_228, %parallel_loop3A_219 : i32
        %parallel_loop3A_230 = arith.constant 1024 : i32
        %parallel_loop3A_231 = arith.muli %parallel_loop3A_229, %parallel_loop3A_230 : i32
        %parallel_loop3A_232 = arith.constant 1024 : i32
        %parallel_loop3A_233 = arith.addi %parallel_loop3A_231, %parallel_loop3A_232 : i32
        %parallel_loop3A_234 = arith.index_cast %parallel_loop3A_195 : i32 to index
        %parallel_loop3A_235 = arith.index_cast %parallel_loop3A_213 : i32 to index
        %parallel_loop3A_236 = tpu.vector_load %arg7[%parallel_loop3A_234, %parallel_loop3A_235] {strides = array<i32>} : memref<4x4096xf32, #tpu.memory_space<vmem>>, vector<16xf32>,
        %parallel_loop3A_237 = arith.subf %parallel_loop3A_236, %get3A_11 : vector<16xf32>
        %parallel_loop3A_238 = arith.mulf %parallel_loop3A_237, %get3A_15 : vector<16xf32>
        %parallel_loop3A_239 = arith.fptosi %parallel_loop3A_238 : vector<16xf32> to vector<16xi32>
        %parallel_loop3A_240 = arith.constant 4 : i32
        %parallel_loop3A_241 = vector.broadcast %parallel_loop3A_240 : i32 to vector<16xi32>
        %parallel_loop3A_242 = arith.shli %parallel_loop3A_239, %parallel_loop3A_241 : vector<16xi32>
        %parallel_loop3A_243 = arith.addi %parallel_loop3A_242, %iota3A : vector<16xi32>
        %parallel_loop3A_244 = tpu.memref_slice %arg12[%parallel_loop3A_233] : memref<2048xf32, #tpu.memory_space<vmem>> -> memref<1024xf32, #tpu.memory_space<vmem>>
        tpu.vector_store_idx %parallel_loop3A_244[%parallel_loop3A_243], %add3A_19 {add = true} : memref<1024xf32, #tpu.memory_space<vmem>>[vector<16xi32>], vector<16xf32>,
      } {sc.loop_unroll_factor = 8 : i64, sc.parallel_access}
      %add3A_125 = arith.constant 2 : i32
      %add3A_126 = arith.addi %mul3A_83, %add3A_125 : i32
      %add3A_127 = arith.constant 4 : i32
      %add3A_128 = arith.addi %add3A_126, %add3A_127 : i32
      %sub3A_129 = arith.constant 1 : i32
      %sub3A_130 = arith.subi %add3A_128, %sub3A_129 : i32
      %lt3A_131 = arith.constant 16 : i32
      %lt3A_132 = arith.cmpi slt, %sub3A_130, %lt3A_131 : i32
      %convert_element_type3A_133 = arith.extui %lt3A_132 : i1 to i32
      %cond3A_134 = arith.constant 0 : i32
      %cond3A_135 = arith.cmpi ne, %convert_element_type3A_133, %cond3A_134 : i32
      scf.if %cond3A_135 {
        %mul3A_171 = arith.constant 4 : i32
        %mul3A_172 = arith.muli %sub3A_130, %mul3A_171 : i32
        %add3A_173 = arith.addi %mul3A_47, %mul3A_172 : i32
        %dma_start3A_174 = arith.constant 0 : i32
        %dma_start3A_175 = tpu.memref_slice %arg3[%add3A_173, %dma_start3A_174] : memref<2048x4096xf32, #tpu.memory_space<hbm>> -> memref<4x4096xf32, #tpu.memory_space<hbm>>
        %dma_start3A_176 = arith.constant 0 : i32
        %dma_start3A_177 = tpu.memref_slice %arg3[%add3A_173, %dma_start3A_176] : memref<2048x4096xf32, #tpu.memory_space<hbm>> -> memref<4x4096xf32, #tpu.memory_space<hbm>>
        tpu.enqueue_dma source(%dma_start3A_177 : memref<4x4096xf32, #tpu.memory_space<hbm>>) target(%arg7 : memref<4x4096xf32, #tpu.memory_space<vmem>>) target_semaphore(%arg14 : memref<!tpu.dma_semaphore, #tpu.memory_space<semaphore_mem>>)
      } else {
      }
      %add3A_136 = arith.constant 2 : i32
      %add3A_137 = arith.addi %mul3A_83, %add3A_136 : i32
      %mul3A_138 = arith.constant 4 : i32
      %mul3A_139 = arith.muli %add3A_137, %mul3A_138 : i32
      %add3A_140 = arith.addi %mul3A_47, %mul3A_139 : i32
      %dma_wait3A_141 = arith.constant 0 : i32
      %dma_wait3A_142 = tpu.memref_slice %arg3[%add3A_140, %dma_wait3A_141] : memref<2048x4096xf32, #tpu.memory_space<hbm>> -> memref<4x4096xf32, #tpu.memory_space<hbm>>
      %dma_wait3A_143 = arith.constant 0 : i32
      %dma_wait3A_144 = tpu.memref_slice %arg3[%add3A_140, %dma_wait3A_143] : memref<2048x4096xf32, #tpu.memory_space<hbm>> -> memref<4x4096xf32, #tpu.memory_space<hbm>>
      tpu.wait_dma2 semaphore(%arg15 : memref<!tpu.dma_semaphore, #tpu.memory_space<semaphore_mem>>) src(%dma_wait3A_144 : memref<4x4096xf32, #tpu.memory_space<hbm>>) dst(%arg8 : memref<4x4096xf32, #tpu.memory_space<vmem>>)
      %parallel_loop3A_145 = arith.constant 0 : i32
      %parallel_loop3A_146 = arith.constant 1024 : i32
      %parallel_loop3A_147 = arith.constant 1 : i32
      scf.for %parallel_loop3A_171 = %parallel_loop3A_145 to %parallel_loop3A_146 step %parallel_loop3A_147  : i32 {
        %parallel_loop3A_172 = arith.constant 256 : i32
        %parallel_loop3A_173 = arith.divsi %parallel_loop3A_171, %parallel_loop3A_172 : i32
        %parallel_loop3A_174 = arith.constant 0 : i32
        %parallel_loop3A_175 = arith.cmpi sgt, %parallel_loop3A_171, %parallel_loop3A_174 : i32
        %parallel_loop3A_176 = arith.extui %parallel_loop3A_175 : i1 to i32
        %parallel_loop3A_177 = arith.constant 0 : i32
        %parallel_loop3A_178 = arith.cmpi slt, %parallel_loop3A_171, %parallel_loop3A_177 : i32
        %parallel_loop3A_179 = arith.extui %parallel_loop3A_178 : i1 to i32
        %parallel_loop3A_180 = arith.subi %parallel_loop3A_176, %parallel_loop3A_179 : i32
        %parallel_loop3A_181 = arith.constant 0 : i32
        %parallel_loop3A_182 = arith.cmpi sgt, %parallel_loop3A_172, %parallel_loop3A_181 : i32
        %parallel_loop3A_183 = arith.extui %parallel_loop3A_182 : i1 to i32
        %parallel_loop3A_184 = arith.constant 0 : i32
        %parallel_loop3A_185 = arith.cmpi slt, %parallel_loop3A_172, %parallel_loop3A_184 : i32
        %parallel_loop3A_186 = arith.extui %parallel_loop3A_185 : i1 to i32
        %parallel_loop3A_187 = arith.subi %parallel_loop3A_183, %parallel_loop3A_186 : i32
        %parallel_loop3A_188 = arith.cmpi ne, %parallel_loop3A_180, %parallel_loop3A_187 : i32
        %parallel_loop3A_189 = arith.remsi %parallel_loop3A_171, %parallel_loop3A_172 : i32
        %parallel_loop3A_190 = arith.constant 0 : i32
        %parallel_loop3A_191 = arith.cmpi ne, %parallel_loop3A_189, %parallel_loop3A_190 : i32
        %parallel_loop3A_192 = arith.andi %parallel_loop3A_188, %parallel_loop3A_191 : i1
        %parallel_loop3A_193 = arith.constant 1 : i32
        %parallel_loop3A_194 = arith.subi %parallel_loop3A_173, %parallel_loop3A_193 : i32
        %parallel_loop3A_195 = arith.select %parallel_loop3A_192, %parallel_loop3A_194, %parallel_loop3A_173 : i32
        %parallel_loop3A_196 = arith.constant 256 : i32
        %parallel_loop3A_197 = arith.constant 0 : i32
        %parallel_loop3A_198 = arith.cmpi eq, %parallel_loop3A_196, %parallel_loop3A_197 : i32
        %parallel_loop3A_199 = arith.constant 1 : i32
        %parallel_loop3A_200 = arith.select %parallel_loop3A_198, %parallel_loop3A_199, %parallel_loop3A_196 : i32
        %parallel_loop3A_201 = arith.remsi %parallel_loop3A_171, %parallel_loop3A_200 : i32
        %parallel_loop3A_202 = arith.constant 0 : i32
        %parallel_loop3A_203 = arith.cmpi ne, %parallel_loop3A_201, %parallel_loop3A_202 : i32
        %parallel_loop3A_204 = arith.constant 0 : i32
        %parallel_loop3A_205 = arith.cmpi slt, %parallel_loop3A_201, %parallel_loop3A_204 : i32
        %parallel_loop3A_206 = arith.constant 0 : i32
        %parallel_loop3A_207 = arith.cmpi slt, %parallel_loop3A_200, %parallel_loop3A_206 : i32
        %parallel_loop3A_208 = arith.xori %parallel_loop3A_205, %parallel_loop3A_207 : i1
        %parallel_loop3A_209 = arith.andi %parallel_loop3A_208, %parallel_loop3A_203 : i1
        %parallel_loop3A_210 = arith.addi %parallel_loop3A_201, %parallel_loop3A_200 : i32
        %parallel_loop3A_211 = arith.select %parallel_loop3A_209, %parallel_loop3A_210, %parallel_loop3A_201 : i32
        %parallel_loop3A_212 = arith.constant 16 : i32
        %parallel_loop3A_213 = arith.muli %parallel_loop3A_211, %parallel_loop3A_212 : i32
        %parallel_loop3A_214 = arith.constant 1 : i32
        %parallel_loop3A_215 = arith.constant 0 : i32
        %parallel_loop3A_216 = arith.cmpi eq, %parallel_loop3A_214, %parallel_loop3A_215 : i32
        %parallel_loop3A_217 = arith.constant 1 : i32
        %parallel_loop3A_218 = arith.select %parallel_loop3A_216, %parallel_loop3A_217, %parallel_loop3A_214 : i32
        %parallel_loop3A_219 = arith.remsi %parallel_loop3A_171, %parallel_loop3A_218 : i32
        %parallel_loop3A_220 = arith.constant 0 : i32
        %parallel_loop3A_221 = arith.cmpi ne, %parallel_loop3A_219, %parallel_loop3A_220 : i32
        %parallel_loop3A_222 = arith.constant 0 : i32
        %parallel_loop3A_223 = arith.cmpi slt, %parallel_loop3A_219, %parallel_loop3A_222 : i32
        %parallel_loop3A_224 = arith.constant 0 : i32
        %parallel_loop3A_225 = arith.cmpi slt, %parallel_loop3A_218, %parallel_loop3A_224 : i32
        %parallel_loop3A_226 = arith.xori %parallel_loop3A_223, %parallel_loop3A_225 : i1
        %parallel_loop3A_227 = arith.andi %parallel_loop3A_226, %parallel_loop3A_221 : i1
        %parallel_loop3A_228 = arith.addi %parallel_loop3A_219, %parallel_loop3A_218 : i32
        %parallel_loop3A_229 = arith.select %parallel_loop3A_227, %parallel_loop3A_228, %parallel_loop3A_219 : i32
        %parallel_loop3A_230 = arith.constant 1024 : i32
        %parallel_loop3A_231 = arith.muli %parallel_loop3A_229, %parallel_loop3A_230 : i32
        %parallel_loop3A_232 = arith.constant 1024 : i32
        %parallel_loop3A_233 = arith.addi %parallel_loop3A_231, %parallel_loop3A_232 : i32
        %parallel_loop3A_234 = arith.index_cast %parallel_loop3A_195 : i32 to index
        %parallel_loop3A_235 = arith.index_cast %parallel_loop3A_213 : i32 to index
        %parallel_loop3A_236 = tpu.vector_load %arg8[%parallel_loop3A_234, %parallel_loop3A_235] {strides = array<i32>} : memref<4x4096xf32, #tpu.memory_space<vmem>>, vector<16xf32>,
        %parallel_loop3A_237 = arith.subf %parallel_loop3A_236, %get3A_11 : vector<16xf32>
        %parallel_loop3A_238 = arith.mulf %parallel_loop3A_237, %get3A_15 : vector<16xf32>
        %parallel_loop3A_239 = arith.fptosi %parallel_loop3A_238 : vector<16xf32> to vector<16xi32>
        %parallel_loop3A_240 = arith.constant 4 : i32
        %parallel_loop3A_241 = vector.broadcast %parallel_loop3A_240 : i32 to vector<16xi32>
        %parallel_loop3A_242 = arith.shli %parallel_loop3A_239, %parallel_loop3A_241 : vector<16xi32>
        %parallel_loop3A_243 = arith.addi %parallel_loop3A_242, %iota3A : vector<16xi32>
        %parallel_loop3A_244 = tpu.memref_slice %arg12[%parallel_loop3A_233] : memref<2048xf32, #tpu.memory_space<vmem>> -> memref<1024xf32, #tpu.memory_space<vmem>>
        tpu.vector_store_idx %parallel_loop3A_244[%parallel_loop3A_243], %add3A_19 {add = true} : memref<1024xf32, #tpu.memory_space<vmem>>[vector<16xi32>], vector<16xf32>,
      } {sc.loop_unroll_factor = 8 : i64, sc.parallel_access}
      %add3A_148 = arith.constant 3 : i32
      %add3A_149 = arith.addi %mul3A_83, %add3A_148 : i32
      %add3A_150 = arith.constant 4 : i32
      %add3A_151 = arith.addi %add3A_149, %add3A_150 : i32
      %sub3A_152 = arith.constant 1 : i32
      %sub3A_153 = arith.subi %add3A_151, %sub3A_152 : i32
      %lt3A_154 = arith.constant 16 : i32
      %lt3A_155 = arith.cmpi slt, %sub3A_153, %lt3A_154 : i32
      %convert_element_type3A_156 = arith.extui %lt3A_155 : i1 to i32
      %cond3A_157 = arith.constant 0 : i32
      %cond3A_158 = arith.cmpi ne, %convert_element_type3A_156, %cond3A_157 : i32
      scf.if %cond3A_158 {
        %mul3A_171 = arith.constant 4 : i32
        %mul3A_172 = arith.muli %sub3A_153, %mul3A_171 : i32
        %add3A_173 = arith.addi %mul3A_47, %mul3A_172 : i32
        %dma_start3A_174 = arith.constant 0 : i32
        %dma_start3A_175 = tpu.memref_slice %arg3[%add3A_173, %dma_start3A_174] : memref<2048x4096xf32, #tpu.memory_space<hbm>> -> memref<4x4096xf32, #tpu.memory_space<hbm>>
        %dma_start3A_176 = arith.constant 0 : i32
        %dma_start3A_177 = tpu.memref_slice %arg3[%add3A_173, %dma_start3A_176] : memref<2048x4096xf32, #tpu.memory_space<hbm>> -> memref<4x4096xf32, #tpu.memory_space<hbm>>
        tpu.enqueue_dma source(%dma_start3A_177 : memref<4x4096xf32, #tpu.memory_space<hbm>>) target(%arg8 : memref<4x4096xf32, #tpu.memory_space<vmem>>) target_semaphore(%arg15 : memref<!tpu.dma_semaphore, #tpu.memory_space<semaphore_mem>>)
      } else {
      }
      %add3A_159 = arith.constant 3 : i32
      %add3A_160 = arith.addi %mul3A_83, %add3A_159 : i32
      %mul3A_161 = arith.constant 4 : i32
      %mul3A_162 = arith.muli %add3A_160, %mul3A_161 : i32
      %add3A_163 = arith.addi %mul3A_47, %mul3A_162 : i32
      %dma_wait3A_164 = arith.constant 0 : i32
      %dma_wait3A_165 = tpu.memref_slice %arg3[%add3A_163, %dma_wait3A_164] : memref<2048x4096xf32, #tpu.memory_space<hbm>> -> memref<4x4096xf32, #tpu.memory_space<hbm>>
      %dma_wait3A_166 = arith.constant 0 : i32
      %dma_wait3A_167 = tpu.memref_slice %arg3[%add3A_163, %dma_wait3A_166] : memref<2048x4096xf32, #tpu.memory_space<hbm>> -> memref<4x4096xf32, #tpu.memory_space<hbm>>
      tpu.wait_dma2 semaphore(%arg16 : memref<!tpu.dma_semaphore, #tpu.memory_space<semaphore_mem>>) src(%dma_wait3A_167 : memref<4x4096xf32, #tpu.memory_space<hbm>>) dst(%arg9 : memref<4x4096xf32, #tpu.memory_space<vmem>>)
      %parallel_loop3A_168 = arith.constant 0 : i32
      %parallel_loop3A_169 = arith.constant 1024 : i32
      %parallel_loop3A_170 = arith.constant 1 : i32
      scf.for %parallel_loop3A_171 = %parallel_loop3A_168 to %parallel_loop3A_169 step %parallel_loop3A_170  : i32 {
        %parallel_loop3A_172 = arith.constant 256 : i32
        %parallel_loop3A_173 = arith.divsi %parallel_loop3A_171, %parallel_loop3A_172 : i32
        %parallel_loop3A_174 = arith.constant 0 : i32
        %parallel_loop3A_175 = arith.cmpi sgt, %parallel_loop3A_171, %parallel_loop3A_174 : i32
        %parallel_loop3A_176 = arith.extui %parallel_loop3A_175 : i1 to i32
        %parallel_loop3A_177 = arith.constant 0 : i32
        %parallel_loop3A_178 = arith.cmpi slt, %parallel_loop3A_171, %parallel_loop3A_177 : i32
        %parallel_loop3A_179 = arith.extui %parallel_loop3A_178 : i1 to i32
        %parallel_loop3A_180 = arith.subi %parallel_loop3A_176, %parallel_loop3A_179 : i32
        %parallel_loop3A_181 = arith.constant 0 : i32
        %parallel_loop3A_182 = arith.cmpi sgt, %parallel_loop3A_172, %parallel_loop3A_181 : i32
        %parallel_loop3A_183 = arith.extui %parallel_loop3A_182 : i1 to i32
        %parallel_loop3A_184 = arith.constant 0 : i32
        %parallel_loop3A_185 = arith.cmpi slt, %parallel_loop3A_172, %parallel_loop3A_184 : i32
        %parallel_loop3A_186 = arith.extui %parallel_loop3A_185 : i1 to i32
        %parallel_loop3A_187 = arith.subi %parallel_loop3A_183, %parallel_loop3A_186 : i32
        %parallel_loop3A_188 = arith.cmpi ne, %parallel_loop3A_180, %parallel_loop3A_187 : i32
        %parallel_loop3A_189 = arith.remsi %parallel_loop3A_171, %parallel_loop3A_172 : i32
        %parallel_loop3A_190 = arith.constant 0 : i32
        %parallel_loop3A_191 = arith.cmpi ne, %parallel_loop3A_189, %parallel_loop3A_190 : i32
        %parallel_loop3A_192 = arith.andi %parallel_loop3A_188, %parallel_loop3A_191 : i1
        %parallel_loop3A_193 = arith.constant 1 : i32
        %parallel_loop3A_194 = arith.subi %parallel_loop3A_173, %parallel_loop3A_193 : i32
        %parallel_loop3A_195 = arith.select %parallel_loop3A_192, %parallel_loop3A_194, %parallel_loop3A_173 : i32
        %parallel_loop3A_196 = arith.constant 256 : i32
        %parallel_loop3A_197 = arith.constant 0 : i32
        %parallel_loop3A_198 = arith.cmpi eq, %parallel_loop3A_196, %parallel_loop3A_197 : i32
        %parallel_loop3A_199 = arith.constant 1 : i32
        %parallel_loop3A_200 = arith.select %parallel_loop3A_198, %parallel_loop3A_199, %parallel_loop3A_196 : i32
        %parallel_loop3A_201 = arith.remsi %parallel_loop3A_171, %parallel_loop3A_200 : i32
        %parallel_loop3A_202 = arith.constant 0 : i32
        %parallel_loop3A_203 = arith.cmpi ne, %parallel_loop3A_201, %parallel_loop3A_202 : i32
        %parallel_loop3A_204 = arith.constant 0 : i32
        %parallel_loop3A_205 = arith.cmpi slt, %parallel_loop3A_201, %parallel_loop3A_204 : i32
        %parallel_loop3A_206 = arith.constant 0 : i32
        %parallel_loop3A_207 = arith.cmpi slt, %parallel_loop3A_200, %parallel_loop3A_206 : i32
        %parallel_loop3A_208 = arith.xori %parallel_loop3A_205, %parallel_loop3A_207 : i1
        %parallel_loop3A_209 = arith.andi %parallel_loop3A_208, %parallel_loop3A_203 : i1
        %parallel_loop3A_210 = arith.addi %parallel_loop3A_201, %parallel_loop3A_200 : i32
        %parallel_loop3A_211 = arith.select %parallel_loop3A_209, %parallel_loop3A_210, %parallel_loop3A_201 : i32
        %parallel_loop3A_212 = arith.constant 16 : i32
        %parallel_loop3A_213 = arith.muli %parallel_loop3A_211, %parallel_loop3A_212 : i32
        %parallel_loop3A_214 = arith.constant 1 : i32
        %parallel_loop3A_215 = arith.constant 0 : i32
        %parallel_loop3A_216 = arith.cmpi eq, %parallel_loop3A_214, %parallel_loop3A_215 : i32
        %parallel_loop3A_217 = arith.constant 1 : i32
        %parallel_loop3A_218 = arith.select %parallel_loop3A_216, %parallel_loop3A_217, %parallel_loop3A_214 : i32
        %parallel_loop3A_219 = arith.remsi %parallel_loop3A_171, %parallel_loop3A_218 : i32
        %parallel_loop3A_220 = arith.constant 0 : i32
        %parallel_loop3A_221 = arith.cmpi ne, %parallel_loop3A_219, %parallel_loop3A_220 : i32
        %parallel_loop3A_222 = arith.constant 0 : i32
        %parallel_loop3A_223 = arith.cmpi slt, %parallel_loop3A_219, %parallel_loop3A_222 : i32
        %parallel_loop3A_224 = arith.constant 0 : i32
        %parallel_loop3A_225 = arith.cmpi slt, %parallel_loop3A_218, %parallel_loop3A_224 : i32
        %parallel_loop3A_226 = arith.xori %parallel_loop3A_223, %parallel_loop3A_225 : i1
        %parallel_loop3A_227 = arith.andi %parallel_loop3A_226, %parallel_loop3A_221 : i1
        %parallel_loop3A_228 = arith.addi %parallel_loop3A_219, %parallel_loop3A_218 : i32
        %parallel_loop3A_229 = arith.select %parallel_loop3A_227, %parallel_loop3A_228, %parallel_loop3A_219 : i32
        %parallel_loop3A_230 = arith.constant 1024 : i32
        %parallel_loop3A_231 = arith.muli %parallel_loop3A_229, %parallel_loop3A_230 : i32
        %parallel_loop3A_232 = arith.constant 1024 : i32
        %parallel_loop3A_233 = arith.addi %parallel_loop3A_231, %parallel_loop3A_232 : i32
        %parallel_loop3A_234 = arith.index_cast %parallel_loop3A_195 : i32 to index
        %parallel_loop3A_235 = arith.index_cast %parallel_loop3A_213 : i32 to index
        %parallel_loop3A_236 = tpu.vector_load %arg9[%parallel_loop3A_234, %parallel_loop3A_235] {strides = array<i32>} : memref<4x4096xf32, #tpu.memory_space<vmem>>, vector<16xf32>,
        %parallel_loop3A_237 = arith.subf %parallel_loop3A_236, %get3A_11 : vector<16xf32>
        %parallel_loop3A_238 = arith.mulf %parallel_loop3A_237, %get3A_15 : vector<16xf32>
        %parallel_loop3A_239 = arith.fptosi %parallel_loop3A_238 : vector<16xf32> to vector<16xi32>
        %parallel_loop3A_240 = arith.constant 4 : i32
        %parallel_loop3A_241 = vector.broadcast %parallel_loop3A_240 : i32 to vector<16xi32>
        %parallel_loop3A_242 = arith.shli %parallel_loop3A_239, %parallel_loop3A_241 : vector<16xi32>
        %parallel_loop3A_243 = arith.addi %parallel_loop3A_242, %iota3A : vector<16xi32>
        %parallel_loop3A_244 = tpu.memref_slice %arg12[%parallel_loop3A_233] : memref<2048xf32, #tpu.memory_space<vmem>> -> memref<1024xf32, #tpu.memory_space<vmem>>
        tpu.vector_store_idx %parallel_loop3A_244[%parallel_loop3A_243], %add3A_19 {add = true} : memref<1024xf32, #tpu.memory_space<vmem>>[vector<16xi32>], vector<16xf32>,
      } {sc.loop_unroll_factor = 8 : i64, sc.parallel_access}
    }
    %scan3A_71 = arith.constant 4 : i32
    %mul3A_72 = arith.constant 128 : i32
    %mul3A_73 = vector.broadcast %mul3A_72 : i32 to vector<16xi32>
    %mul3A_74 = arith.muli %iota3A, %mul3A_73 : vector<16xi32>
    %scan3A_75 = arith.constant 0 : i32
    %scan3A_76 = arith.constant 0 : i32
    %scan3A_77 = arith.constant 64 : i32
    %scan3A_78 = arith.addi %scan3A_76, %scan3A_77 : i32
    %scan3A_79 = arith.constant 1 : i32
    scf.for %scan3A_81 = %scan3A_76 to %scan3A_78 step %scan3A_79  : i32 {
      %mul3A_82 = arith.constant 16 : i32
      %mul3A_83 = arith.muli %scan3A_81, %mul3A_82 : i32
      %add3A_84 = arith.constant 0 : i32
      %add3A_85 = arith.addi %add3A_84, %mul3A_83 : i32
      %get3A_86 = arith.index_cast %add3A_85 : i32 to index
      %get3A_87 = tpu.vector_load %arg12[%get3A_86] {strides = array<i32>} : memref<2048xf32, #tpu.memory_space<vmem>>, vector<16xf32>,
      %add3A_88 = arith.addf %broadcast_in_dim3A_16, %get3A_87 : vector<16xf32>
      %add3A_89 = arith.addf %add3A_88, %broadcast_in_dim3A_16 : vector<16xf32>
      %add3A_90 = arith.addf %broadcast_in_dim3A_16, %broadcast_in_dim3A_16 : vector<16xf32>
      %add3A_91 = arith.addf %add3A_89, %add3A_90 : vector<16xf32>
      %add3A_92 = arith.constant 0 : i32
      %add3A_93 = arith.addi %add3A_92, %scan3A_81 : i32
      %add3A_94 = vector.broadcast %add3A_93 : i32 to vector<16xi32>
      %add3A_95 = arith.addi %mul3A_74, %add3A_94 : vector<16xi32>
      tpu.vector_store_idx %arg11[%add3A_95], %add3A_91 : memref<2048xf32, #tpu.memory_space<vmem>>[vector<16xi32>], vector<16xf32>,
      %mul3A_96 = arith.constant 16 : i32
      %mul3A_97 = arith.muli %scan3A_81, %mul3A_96 : i32
      %add3A_98 = arith.constant 1024 : i32
      %add3A_99 = arith.addi %add3A_98, %mul3A_97 : i32
      %get3A_100 = arith.index_cast %add3A_99 : i32 to index
      %get3A_101 = tpu.vector_load %arg12[%get3A_100] {strides = array<i32>} : memref<2048xf32, #tpu.memory_space<vmem>>, vector<16xf32>,
      %add3A_102 = arith.addf %broadcast_in_dim3A_16, %get3A_101 : vector<16xf32>
      %add3A_103 = arith.addf %add3A_102, %broadcast_in_dim3A_16 : vector<16xf32>
      %add3A_104 = arith.addf %broadcast_in_dim3A_16, %broadcast_in_dim3A_16 : vector<16xf32>
      %add3A_105 = arith.addf %add3A_103, %add3A_104 : vector<16xf32>
      %add3A_106 = arith.constant 64 : i32
      %add3A_107 = arith.addi %add3A_106, %scan3A_81 : i32
      %add3A_108 = vector.broadcast %add3A_107 : i32 to vector<16xi32>
      %add3A_109 = arith.addi %mul3A_74, %add3A_108 : vector<16xi32>
      tpu.vector_store_idx %arg11[%add3A_109], %add3A_105 : memref<2048xf32, #tpu.memory_space<vmem>>[vector<16xi32>], vector<16xf32>,
    }
    %scan3A_80 = arith.constant 64 : i32
    "tpu.region"() ({
      %run_scoped3A = tpu.sem_alloc : memref<!tpu.dma_semaphore, #tpu.memory_space<semaphore_mem>>
      %dma_start3A_81 = arith.constant 0 : i32
      %dma_start3A_82 = tpu.memref_slice %arg5[%add3A, %dma_start3A_81] : memref<32x2048xf32, #tpu.memory_space<hbm>> -> memref<1x2048xf32, #tpu.memory_space<hbm>>
      %dma_start3A_83 = tpu.memref_squeeze %dma_start3A_82 : memref<1x2048xf32, #tpu.memory_space<hbm>> -> memref<2048xf32, #tpu.memory_space<hbm>>
      %dma_start3A_84 = arith.constant 0 : i32
      %dma_start3A_85 = tpu.memref_slice %arg5[%add3A, %dma_start3A_84] : memref<32x2048xf32, #tpu.memory_space<hbm>> -> memref<1x2048xf32, #tpu.memory_space<hbm>>
      %dma_start3A_86 = tpu.memref_squeeze %dma_start3A_85 : memref<1x2048xf32, #tpu.memory_space<hbm>> -> memref<2048xf32, #tpu.memory_space<hbm>>
      tpu.enqueue_dma source(%arg11 : memref<2048xf32, #tpu.memory_space<vmem>>) target(%dma_start3A_86 : memref<2048xf32, #tpu.memory_space<hbm>>) target_semaphore(%run_scoped3A : memref<!tpu.dma_semaphore, #tpu.memory_space<semaphore_mem>>)
      %dma_wait3A = arith.constant 0 : i32
      %dma_wait3A_87 = tpu.memref_slice %arg5[%add3A, %dma_wait3A] : memref<32x2048xf32, #tpu.memory_space<hbm>> -> memref<1x2048xf32, #tpu.memory_space<hbm>>
      %dma_wait3A_88 = tpu.memref_squeeze %dma_wait3A_87 : memref<1x2048xf32, #tpu.memory_space<hbm>> -> memref<2048xf32, #tpu.memory_space<hbm>>
      %dma_wait3A_89 = arith.constant 0 : i32
      %dma_wait3A_90 = tpu.memref_slice %arg5[%add3A, %dma_wait3A_89] : memref<32x2048xf32, #tpu.memory_space<hbm>> -> memref<1x2048xf32, #tpu.memory_space<hbm>>
      %dma_wait3A_91 = tpu.memref_squeeze %dma_wait3A_90 : memref<1x2048xf32, #tpu.memory_space<hbm>> -> memref<2048xf32, #tpu.memory_space<hbm>>
      tpu.wait_dma2 semaphore(%run_scoped3A : memref<!tpu.dma_semaphore, #tpu.memory_space<semaphore_mem>>) src(%arg11 : memref<2048xf32, #tpu.memory_space<vmem>>) dst(%dma_wait3A_91 : memref<2048xf32, #tpu.memory_space<hbm>>)
      tpu.yield
    }) : () -> ()
    return
  }
}

module attributes {stable_mosaic.version = 14 : i64} {
  func.func @_tc_final_kernel(%arg0: memref<2xf32, #tpu.memory_space<smem>>, %arg1: memref<32x2048xf32, #tpu.memory_space<vmem>>, %arg2: memref<4xf32, #tpu.memory_space<smem>>) attributes {dimension_semantics = [], scalar_prefetch = 0 : i64, scratch_operands = 0 : i64, tpu.core_type = #tpu.core_type<tc>} {
    %get3A = arith.constant 0 : index
    %get3A_0 = arith.constant 0 : index
    %get3A_1 = vector.load %arg1[%get3A, %get3A_0] : memref<32x2048xf32, #tpu.memory_space<vmem>>, vector<32x2048xf32>
    %reshape3A = vector.shape_cast %get3A_1 : vector<32x2048xf32> to vector<512x128xf32>
    %reduce_sum3A = arith.constant dense<0.000000e+00> : vector<128xf32>
    %reduce_sum3A_2 = vector.multi_reduction <add>, %reshape3A, %reduce_sum3A [0] : vector<512x128xf32> to vector<128xf32>
    %broadcast_in_dim3A = vector.shape_cast %reduce_sum3A_2 : vector<128xf32> to vector<1x128xf32>
    %iota3A = tpu.iota {dimensions = array<i32: 1>} : vector<1x128xi32>
    %eq3A = arith.constant 50 : i32
    %eq3A_3 = vector.broadcast %eq3A : i32 to vector<1x128xi32>
    %eq3A_4 = arith.cmpi eq, %iota3A, %eq3A_3 : vector<1x128xi32>
    %jit3A = arith.constant 0.000000e+00 : f32
    %broadcast_in_dim3A_5 = vector.broadcast %jit3A : f32 to vector<1x128xf32>
    %select_n3A = arith.select %eq3A_4, %broadcast_in_dim3A, %broadcast_in_dim3A_5 : vector<1x128xi1>, vector<1x128xf32>
    %reduce_sum3A_6 = vector.shape_cast %select_n3A : vector<1x128xf32> to vector<1x1x128xf32>
    %reduce_sum3A_7 = arith.constant dense<0.000000e+00> : vector<1xf32>
    %reduce_sum3A_8 = vector.multi_reduction <add>, %reduce_sum3A_6, %reduce_sum3A_7 [1, 2] : vector<1x1x128xf32> to vector<1xf32>
    %reduce_sum3A_9 = vector.shape_cast %reduce_sum3A_8 : vector<1xf32> to vector<1x1x1xf32>
    %reduce_sum3A_10 = vector.extract %reduce_sum3A_9[0, 0, 0] : f32 from vector<1x1x1xf32>
    %eq3A_11 = arith.constant 114 : i32
    %eq3A_12 = vector.broadcast %eq3A_11 : i32 to vector<1x128xi32>
    %eq3A_13 = arith.cmpi eq, %iota3A, %eq3A_12 : vector<1x128xi32>
    %jit3A_14 = arith.constant 0.000000e+00 : f32
    %broadcast_in_dim3A_15 = vector.broadcast %jit3A_14 : f32 to vector<1x128xf32>
    %select_n3A_16 = arith.select %eq3A_13, %broadcast_in_dim3A, %broadcast_in_dim3A_15 : vector<1x128xi1>, vector<1x128xf32>
    %reduce_sum3A_17 = vector.shape_cast %select_n3A_16 : vector<1x128xf32> to vector<1x1x128xf32>
    %reduce_sum3A_18 = arith.constant dense<0.000000e+00> : vector<1xf32>
    %reduce_sum3A_19 = vector.multi_reduction <add>, %reduce_sum3A_17, %reduce_sum3A_18 [1, 2] : vector<1x1x128xf32> to vector<1xf32>
    %reduce_sum3A_20 = vector.shape_cast %reduce_sum3A_19 : vector<1xf32> to vector<1x1x1xf32>
    %reduce_sum3A_21 = vector.extract %reduce_sum3A_20[0, 0, 0] : f32 from vector<1x1x1xf32>
    %eq3A_22 = arith.constant 49 : i32
    %eq3A_23 = vector.broadcast %eq3A_22 : i32 to vector<1x128xi32>
    %eq3A_24 = arith.cmpi eq, %iota3A, %eq3A_23 : vector<1x128xi32>
    %jit3A_25 = arith.constant 0.000000e+00 : f32
    %broadcast_in_dim3A_26 = vector.broadcast %reduce_sum3A_10 : f32 to vector<1x128xf32>
    %broadcast_in_dim3A_27 = vector.broadcast %jit3A_25 : f32 to vector<1x128xf32>
    %select_n3A_28 = arith.select %eq3A_24, %broadcast_in_dim3A_26, %broadcast_in_dim3A_27 : vector<1x128xi1>, vector<1x128xf32>
    %add3A = arith.addf %broadcast_in_dim3A, %select_n3A_28 : vector<1x128xf32>
    %eq3A_29 = arith.constant 113 : i32
    %eq3A_30 = vector.broadcast %eq3A_29 : i32 to vector<1x128xi32>
    %eq3A_31 = arith.cmpi eq, %iota3A, %eq3A_30 : vector<1x128xi32>
    %jit3A_32 = arith.constant 0.000000e+00 : f32
    %broadcast_in_dim3A_33 = vector.broadcast %reduce_sum3A_21 : f32 to vector<1x128xf32>
    %broadcast_in_dim3A_34 = vector.broadcast %jit3A_32 : f32 to vector<1x128xf32>
    %select_n3A_35 = arith.select %eq3A_31, %broadcast_in_dim3A_33, %broadcast_in_dim3A_34 : vector<1x128xi1>, vector<1x128xf32>
    %add3A_36 = arith.addf %add3A, %select_n3A_35 : vector<1x128xf32>
    %jit3A_37 = arith.constant 64 : i32
    %eq3A_38 = arith.constant 0 : i32
    %eq3A_39 = arith.cmpi eq, %jit3A_37, %eq3A_38 : i32
    %jit3A_40 = arith.constant 1 : i32
    %select_n3A_41 = arith.select %eq3A_39, %jit3A_40, %jit3A_37 : i32
    %rem3A = vector.broadcast %select_n3A_41 : i32 to vector<1x128xi32>
    %rem3A_42 = arith.remsi %iota3A, %rem3A : vector<1x128xi32>
    %ne3A = arith.constant 0 : i32
    %ne3A_43 = vector.broadcast %ne3A : i32 to vector<1x128xi32>
    %ne3A_44 = arith.cmpi ne, %rem3A_42, %ne3A_43 : vector<1x128xi32>
    %lt3A = arith.constant 0 : i32
    %lt3A_45 = vector.broadcast %lt3A : i32 to vector<1x128xi32>
    %lt3A_46 = arith.cmpi slt, %rem3A_42, %lt3A_45 : vector<1x128xi32>
    %lt3A_47 = arith.constant 0 : i32
    %lt3A_48 = arith.cmpi slt, %select_n3A_41, %lt3A_47 : i32
    %ne3A_49 = vector.broadcast %lt3A_48 : i1 to vector<1x128xi1>
    %ne3A_50 = vector.broadcast %ne3A_49 : vector<1x128xi1> to vector<1x128xi1>
    %ne3A_51 = arith.xori %lt3A_46, %ne3A_50 : vector<1x128xi1>
    %and3A = arith.andi %ne3A_51, %ne3A_44 : vector<1x128xi1>
    %add3A_52 = vector.broadcast %select_n3A_41 : i32 to vector<1x128xi32>
    %add3A_53 = arith.addi %rem3A_42, %add3A_52 : vector<1x128xi32>
    %select_n3A_54 = arith.select %and3A, %add3A_53, %rem3A_42 : vector<1x128xi1>, vector<1x128xi32>
    %eq3A_55 = arith.constant 50 : i32
    %eq3A_56 = vector.broadcast %eq3A_55 : i32 to vector<1x128xi32>
    %eq3A_57 = arith.cmpi eq, %select_n3A_54, %eq3A_56 : vector<1x128xi32>
    %jit3A_58 = arith.constant 0.000000e+00 : f32
    %broadcast_in_dim3A_59 = vector.broadcast %jit3A_58 : f32 to vector<1x128xf32>
    %select_n3A_60 = arith.select %eq3A_57, %broadcast_in_dim3A_59, %add3A_36 : vector<1x128xi1>, vector<1x128xf32>
    %slice3A = vector.extract_strided_slice %select_n3A_60 {offsets = [0, 0], sizes = [1, 64], strides = [1, 1]} : vector<1x128xf32> to vector<1x64xf32>
    %reduce_sum3A_61 = vector.shape_cast %slice3A : vector<1x64xf32> to vector<1x1x64xf32>
    %reduce_sum3A_62 = arith.constant dense<0.000000e+00> : vector<1xf32>
    %reduce_sum3A_63 = vector.multi_reduction <add>, %reduce_sum3A_61, %reduce_sum3A_62 [1, 2] : vector<1x1x64xf32> to vector<1xf32>
    %reduce_sum3A_64 = vector.shape_cast %reduce_sum3A_63 : vector<1xf32> to vector<1x1x1xf32>
    %reduce_sum3A_65 = vector.extract %reduce_sum3A_64[0, 0, 0] : f32 from vector<1x1x1xf32>
    %add3A_66 = arith.constant 1.000000e-10 : f32
    %add3A_67 = arith.addf %reduce_sum3A_65, %add3A_66 : f32
    %div3A = vector.broadcast %add3A_67 : f32 to vector<1x64xf32>
    %div3A_68 = arith.divf %slice3A, %div3A : vector<1x64xf32>
    %add3A_69 = arith.constant 1.000000e-10 : f32
    %add3A_70 = vector.broadcast %add3A_69 : f32 to vector<1x64xf32>
    %add3A_71 = arith.addf %div3A_68, %add3A_70 : vector<1x64xf32>
    %log3A = math.log %add3A_71 : vector<1x64xf32>
    %mul3A = arith.mulf %div3A_68, %log3A : vector<1x64xf32>
    %reduce_sum3A_72 = vector.shape_cast %mul3A : vector<1x64xf32> to vector<1x1x64xf32>
    %reduce_sum3A_73 = arith.constant dense<0.000000e+00> : vector<1xf32>
    %reduce_sum3A_74 = vector.multi_reduction <add>, %reduce_sum3A_72, %reduce_sum3A_73 [1, 2] : vector<1x1x64xf32> to vector<1xf32>
    %reduce_sum3A_75 = vector.shape_cast %reduce_sum3A_74 : vector<1xf32> to vector<1x1x1xf32>
    %reduce_sum3A_76 = vector.extract %reduce_sum3A_75[0, 0, 0] : f32 from vector<1x1x1xf32>
    %neg3A = arith.constant 0.000000e+00 : f32
    %neg3A_77 = arith.subf %neg3A, %reduce_sum3A_76 : f32
    %slice3A_78 = vector.extract_strided_slice %select_n3A_60 {offsets = [0, 64], sizes = [1, 64], strides = [1, 1]} : vector<1x128xf32> to vector<1x64xf32>
    %reduce_sum3A_79 = vector.shape_cast %slice3A_78 : vector<1x64xf32> to vector<1x1x64xf32>
    %reduce_sum3A_80 = arith.constant dense<0.000000e+00> : vector<1xf32>
    %reduce_sum3A_81 = vector.multi_reduction <add>, %reduce_sum3A_79, %reduce_sum3A_80 [1, 2] : vector<1x1x64xf32> to vector<1xf32>
    %reduce_sum3A_82 = vector.shape_cast %reduce_sum3A_81 : vector<1xf32> to vector<1x1x1xf32>
    %reduce_sum3A_83 = vector.extract %reduce_sum3A_82[0, 0, 0] : f32 from vector<1x1x1xf32>
    %add3A_84 = arith.constant 1.000000e-10 : f32
    %add3A_85 = arith.addf %reduce_sum3A_83, %add3A_84 : f32
    %div3A_86 = vector.broadcast %add3A_85 : f32 to vector<1x64xf32>
    %div3A_87 = arith.divf %slice3A_78, %div3A_86 : vector<1x64xf32>
    %add3A_88 = arith.constant 1.000000e-10 : f32
    %add3A_89 = vector.broadcast %add3A_88 : f32 to vector<1x64xf32>
    %add3A_90 = arith.addf %div3A_87, %add3A_89 : vector<1x64xf32>
    %log3A_91 = math.log %add3A_90 : vector<1x64xf32>
    %mul3A_92 = arith.mulf %div3A_87, %log3A_91 : vector<1x64xf32>
    %reduce_sum3A_93 = vector.shape_cast %mul3A_92 : vector<1x64xf32> to vector<1x1x64xf32>
    %reduce_sum3A_94 = arith.constant dense<0.000000e+00> : vector<1xf32>
    %reduce_sum3A_95 = vector.multi_reduction <add>, %reduce_sum3A_93, %reduce_sum3A_94 [1, 2] : vector<1x1x64xf32> to vector<1xf32>
    %reduce_sum3A_96 = vector.shape_cast %reduce_sum3A_95 : vector<1xf32> to vector<1x1x1xf32>
    %reduce_sum3A_97 = vector.extract %reduce_sum3A_96[0, 0, 0] : f32 from vector<1x1x1xf32>
    %neg3A_98 = arith.constant 0.000000e+00 : f32
    %neg3A_99 = arith.subf %neg3A_98, %reduce_sum3A_97 : f32
    %get3A_100 = arith.constant 0 : index
    %get3A_101 = memref.load %arg0[%get3A_100] : memref<2xf32, #tpu.memory_space<smem>>
    %add3A_102 = arith.constant 1.000000e+00 : f32
    %add3A_103 = arith.addf %add3A_102, %neg3A_77 : f32
    %div3A_104 = arith.divf %get3A_101, %add3A_103 : f32
    %get3A_105 = arith.constant 1 : index
    %get3A_106 = memref.load %arg0[%get3A_105] : memref<2xf32, #tpu.memory_space<smem>>
    %add3A_107 = arith.constant 1.000000e+00 : f32
    %add3A_108 = arith.addf %add3A_107, %neg3A_99 : f32
    %div3A_109 = arith.divf %get3A_106, %add3A_108 : f32
    %add3A_110 = arith.addf %div3A_104, %div3A_109 : f32
    %mul3A_111 = arith.constant 5.000000e-01 : f32
    %mul3A_112 = arith.mulf %mul3A_111, %add3A_110 : f32
    %add3A_113 = arith.constant 1.000000e-10 : f32
    %add3A_114 = arith.addf %mul3A_112, %add3A_113 : f32
    %log3A_115 = math.log %add3A_114 : f32
    %mul3A_116 = arith.constant -1.000000e-01 : f32
    %mul3A_117 = arith.mulf %mul3A_116, %log3A_115 : f32
    %swap3A = arith.constant 0 : index
    %swap3A_118 = memref.load %arg2[%swap3A] : memref<4xf32, #tpu.memory_space<smem>>
    memref.store %mul3A_117, %arg2[%swap3A] : memref<4xf32, #tpu.memory_space<smem>>
    %swap3A_119 = arith.constant 1 : index
    %swap3A_120 = memref.load %arg2[%swap3A_119] : memref<4xf32, #tpu.memory_space<smem>>
    memref.store %mul3A_112, %arg2[%swap3A_119] : memref<4xf32, #tpu.memory_space<smem>>
    %mul3A_121 = arith.constant 1.000000e-01 : f32
    %mul3A_122 = arith.mulf %mul3A_121, %mul3A_112 : f32
    %sub3A = arith.constant 1.000000e+00 : f32
    %sub3A_123 = arith.subf %sub3A, %mul3A_122 : f32
    %swap3A_124 = arith.constant 2 : index
    %swap3A_125 = memref.load %arg2[%swap3A_124] : memref<4xf32, #tpu.memory_space<smem>>
    memref.store %sub3A_123, %arg2[%swap3A_124] : memref<4xf32, #tpu.memory_space<smem>>
    return
  }
}

module attributes {stable_mosaic.version = 14 : i64} {
  func.func @_tc_sumsq_kernel(%arg0: i32, %arg1: memref<256x4096xf32, #tpu.memory_space<vmem>>, %arg2: memref<128x4096xf32, #tpu.memory_space<vmem>>, %arg3: memref<2xf32, #tpu.memory_space<smem>>, %arg4: memref<2xf32, #tpu.memory_space<smem>>) attributes {dimension_semantics = [#tpu.dimension_semantics<arbitrary>], iteration_bounds = array<i64: 16>, scalar_prefetch = 0 : i64, scratch_operands = 1 : i64, tpu.core_type = #tpu.core_type<tc>, window_params = [{transform_indices = @transform_0, window_bounds = array<i64: 256, 4096>}, {transform_indices = @transform_1, window_bounds = array<i64: 128, 4096>}, {transform_indices = @transform_2, window_bounds = array<i64: 2>}]} {
    %eq3A = arith.constant 0 : i32
    %eq3A_0 = arith.cmpi eq, %arg0, %eq3A : i32
    %convert_element_type3A = arith.extui %eq3A_0 : i1 to i32
    %cond3A = arith.constant 0 : i32
    %cond3A_1 = arith.cmpi ne, %convert_element_type3A, %cond3A : i32
    scf.if %cond3A_1 {
      %swap3A_30 = arith.constant 0.000000e+00 : f32
      %swap3A_31 = arith.constant 0 : index
      %swap3A_32 = memref.load %arg4[%swap3A_31] : memref<2xf32, #tpu.memory_space<smem>>
      memref.store %swap3A_30, %arg4[%swap3A_31] : memref<2xf32, #tpu.memory_space<smem>>
      %swap3A_33 = arith.constant 0.000000e+00 : f32
      %swap3A_34 = arith.constant 1 : index
      %swap3A_35 = memref.load %arg4[%swap3A_34] : memref<2xf32, #tpu.memory_space<smem>>
      memref.store %swap3A_33, %arg4[%swap3A_34] : memref<2xf32, #tpu.memory_space<smem>>
    } else {
    }
    %get3A = arith.constant 0 : index
    %get3A_2 = arith.constant 0 : index
    %get3A_3 = vector.load %arg1[%get3A, %get3A_2] : memref<256x4096xf32, #tpu.memory_space<vmem>>, vector<256x4096xf32>
    %get3A_4 = arith.constant 0 : index
    %get3A_5 = memref.load %arg4[%get3A_4] : memref<2xf32, #tpu.memory_space<smem>>
    %mul3A = arith.mulf %get3A_3, %get3A_3 : vector<256x4096xf32>
    %reduce_sum3A = vector.shape_cast %mul3A : vector<256x4096xf32> to vector<1x256x4096xf32>
    %reduce_sum3A_6 = arith.constant dense<0.000000e+00> : vector<1xf32>
    %reduce_sum3A_7 = vector.multi_reduction <add>, %reduce_sum3A, %reduce_sum3A_6 [1, 2] : vector<1x256x4096xf32> to vector<1xf32>
    %reduce_sum3A_8 = vector.shape_cast %reduce_sum3A_7 : vector<1xf32> to vector<1x1x1xf32>
    %reduce_sum3A_9 = vector.extract %reduce_sum3A_8[0, 0, 0] : f32 from vector<1x1x1xf32>
    %add3A = arith.addf %get3A_5, %reduce_sum3A_9 : f32
    %swap3A = arith.constant 0 : index
    %swap3A_10 = memref.load %arg4[%swap3A] : memref<2xf32, #tpu.memory_space<smem>>
    memref.store %add3A, %arg4[%swap3A] : memref<2xf32, #tpu.memory_space<smem>>
    %get3A_11 = arith.constant 0 : index
    %get3A_12 = arith.constant 0 : index
    %get3A_13 = vector.load %arg2[%get3A_11, %get3A_12] : memref<128x4096xf32, #tpu.memory_space<vmem>>, vector<128x4096xf32>
    %get3A_14 = arith.constant 1 : index
    %get3A_15 = memref.load %arg4[%get3A_14] : memref<2xf32, #tpu.memory_space<smem>>
    %mul3A_16 = arith.mulf %get3A_13, %get3A_13 : vector<128x4096xf32>
    %reduce_sum3A_17 = vector.shape_cast %mul3A_16 : vector<128x4096xf32> to vector<1x128x4096xf32>
    %reduce_sum3A_18 = arith.constant dense<0.000000e+00> : vector<1xf32>
    %reduce_sum3A_19 = vector.multi_reduction <add>, %reduce_sum3A_17, %reduce_sum3A_18 [1, 2] : vector<1x128x4096xf32> to vector<1xf32>
    %reduce_sum3A_20 = vector.shape_cast %reduce_sum3A_19 : vector<1xf32> to vector<1x1x1xf32>
    %reduce_sum3A_21 = vector.extract %reduce_sum3A_20[0, 0, 0] : f32 from vector<1x1x1xf32>
    %add3A_22 = arith.addf %get3A_15, %reduce_sum3A_21 : f32
    %swap3A_23 = arith.constant 1 : index
    %swap3A_24 = memref.load %arg4[%swap3A_23] : memref<2xf32, #tpu.memory_space<smem>>
    memref.store %add3A_22, %arg4[%swap3A_23] : memref<2xf32, #tpu.memory_space<smem>>
    %eq3A_25 = arith.constant 15 : i32
    %eq3A_26 = arith.cmpi eq, %arg0, %eq3A_25 : i32
    %convert_element_type3A_27 = arith.extui %eq3A_26 : i1 to i32
    %cond3A_28 = arith.constant 0 : i32
    %cond3A_29 = arith.cmpi ne, %convert_element_type3A_27, %cond3A_28 : i32
    scf.if %cond3A_29 {
      %get3A_30 = arith.constant 0 : index
      %get3A_31 = memref.load %arg4[%get3A_30] : memref<2xf32, #tpu.memory_space<smem>>
      %swap3A_32 = arith.constant 0 : index
      %swap3A_33 = memref.load %arg3[%swap3A_32] : memref<2xf32, #tpu.memory_space<smem>>
      memref.store %get3A_31, %arg3[%swap3A_32] : memref<2xf32, #tpu.memory_space<smem>>
      %get3A_34 = arith.constant 1 : index
      %get3A_35 = memref.load %arg4[%get3A_34] : memref<2xf32, #tpu.memory_space<smem>>
      %swap3A_36 = arith.constant 1 : index
      %swap3A_37 = memref.load %arg3[%swap3A_36] : memref<2xf32, #tpu.memory_space<smem>>
      memref.store %get3A_35, %arg3[%swap3A_36] : memref<2xf32, #tpu.memory_space<smem>>
    } else {
    }
    return
  }
  func.func @transform_0(%arg0: i32) -> (i32, i32) {
    %c0_i32 = arith.constant 0 : i32
    %c0_i32_0 = arith.constant 0 : i32
    return %arg0, %c0_i32 : i32, i32
  }
  func.func @transform_1(%arg0: i32) -> (i32, i32) {
    %c0_i32 = arith.constant 0 : i32
    %c0_i32_0 = arith.constant 0 : i32
    return %arg0, %c0_i32 : i32, i32
  }
  func.func @transform_2(%arg0: i32) -> i32 {
    %c0_i32 = arith.constant 0 : i32
    %c0_i32_0 = arith.constant 0 : i32
    return %c0_i32 : i32
  }
}

module attributes {stable_mosaic.version = 14 : i64} {
  func.func @_tc_minmax_kernel(%arg0: i32, %arg1: memref<256x4096xf32, #tpu.memory_space<vmem>>, %arg2: memref<128x4096xf32, #tpu.memory_space<vmem>>, %arg3: memref<8x128xf32, #tpu.memory_space<vmem>>, %arg4: memref<8xf32, #tpu.memory_space<smem>>) attributes {dimension_semantics = [#tpu.dimension_semantics<arbitrary>], iteration_bounds = array<i64: 16>, scalar_prefetch = 0 : i64, scratch_operands = 1 : i64, tpu.core_type = #tpu.core_type<tc>, window_params = [{transform_indices = @transform_0, window_bounds = array<i64: 256, 4096>}, {transform_indices = @transform_1, window_bounds = array<i64: 128, 4096>}, {pipeline_mode = #tpu.pipeline_mode<synchronous>, transform_indices = @transform_2, window_bounds = array<i64: 8, 128>}]} {
    %eq3A = arith.constant 0 : i32
    %eq3A_0 = arith.cmpi eq, %arg0, %eq3A : i32
    %convert_element_type3A = arith.extui %eq3A_0 : i1 to i32
    %cond3A = arith.constant 0 : i32
    %cond3A_1 = arith.cmpi ne, %convert_element_type3A, %cond3A : i32
    scf.if %cond3A_1 {
      %swap3A_47 = arith.constant 0x7F800000 : f32
      %swap3A_48 = arith.constant 0 : index
      %swap3A_49 = memref.load %arg4[%swap3A_48] : memref<8xf32, #tpu.memory_space<smem>>
      memref.store %swap3A_47, %arg4[%swap3A_48] : memref<8xf32, #tpu.memory_space<smem>>
      %swap3A_50 = arith.constant 0xFF800000 : f32
      %swap3A_51 = arith.constant 1 : index
      %swap3A_52 = memref.load %arg4[%swap3A_51] : memref<8xf32, #tpu.memory_space<smem>>
      memref.store %swap3A_50, %arg4[%swap3A_51] : memref<8xf32, #tpu.memory_space<smem>>
      %swap3A_53 = arith.constant 0x7F800000 : f32
      %swap3A_54 = arith.constant 2 : index
      %swap3A_55 = memref.load %arg4[%swap3A_54] : memref<8xf32, #tpu.memory_space<smem>>
      memref.store %swap3A_53, %arg4[%swap3A_54] : memref<8xf32, #tpu.memory_space<smem>>
      %swap3A_56 = arith.constant 0xFF800000 : f32
      %swap3A_57 = arith.constant 3 : index
      %swap3A_58 = memref.load %arg4[%swap3A_57] : memref<8xf32, #tpu.memory_space<smem>>
      memref.store %swap3A_56, %arg4[%swap3A_57] : memref<8xf32, #tpu.memory_space<smem>>
    } else {
    }
    %get3A = arith.constant 0 : index
    %get3A_2 = arith.constant 0 : index
    %get3A_3 = vector.load %arg1[%get3A, %get3A_2] : memref<256x4096xf32, #tpu.memory_space<vmem>>, vector<256x4096xf32>
    %get3A_4 = arith.constant 0 : index
    %get3A_5 = memref.load %arg4[%get3A_4] : memref<8xf32, #tpu.memory_space<smem>>
    %reduce_min3A = vector.shape_cast %get3A_3 : vector<256x4096xf32> to vector<1x256x4096xf32>
    %reduce_min3A_6 = arith.constant dense<0x7F800000> : vector<1xf32>
    %reduce_min3A_7 = vector.multi_reduction <minimumf>, %reduce_min3A, %reduce_min3A_6 [1, 2] : vector<1x256x4096xf32> to vector<1xf32>
    %reduce_min3A_8 = vector.shape_cast %reduce_min3A_7 : vector<1xf32> to vector<1x1x1xf32>
    %reduce_min3A_9 = vector.extract %reduce_min3A_8[0, 0, 0] : f32 from vector<1x1x1xf32>
    %min3A = arith.minimumf %get3A_5, %reduce_min3A_9 : f32
    %swap3A = arith.constant 0 : index
    %swap3A_10 = memref.load %arg4[%swap3A] : memref<8xf32, #tpu.memory_space<smem>>
    memref.store %min3A, %arg4[%swap3A] : memref<8xf32, #tpu.memory_space<smem>>
    %get3A_11 = arith.constant 1 : index
    %get3A_12 = memref.load %arg4[%get3A_11] : memref<8xf32, #tpu.memory_space<smem>>
    %reduce_max3A = vector.shape_cast %get3A_3 : vector<256x4096xf32> to vector<1x256x4096xf32>
    %reduce_max3A_13 = arith.constant dense<0xFF800000> : vector<1xf32>
    %reduce_max3A_14 = vector.multi_reduction <maximumf>, %reduce_max3A, %reduce_max3A_13 [1, 2] : vector<1x256x4096xf32> to vector<1xf32>
    %reduce_max3A_15 = vector.shape_cast %reduce_max3A_14 : vector<1xf32> to vector<1x1x1xf32>
    %reduce_max3A_16 = vector.extract %reduce_max3A_15[0, 0, 0] : f32 from vector<1x1x1xf32>
    %max3A = arith.maximumf %get3A_12, %reduce_max3A_16 : f32
    %swap3A_17 = arith.constant 1 : index
    %swap3A_18 = memref.load %arg4[%swap3A_17] : memref<8xf32, #tpu.memory_space<smem>>
    memref.store %max3A, %arg4[%swap3A_17] : memref<8xf32, #tpu.memory_space<smem>>
    %get3A_19 = arith.constant 0 : index
    %get3A_20 = arith.constant 0 : index
    %get3A_21 = vector.load %arg2[%get3A_19, %get3A_20] : memref<128x4096xf32, #tpu.memory_space<vmem>>, vector<128x4096xf32>
    %get3A_22 = arith.constant 2 : index
    %get3A_23 = memref.load %arg4[%get3A_22] : memref<8xf32, #tpu.memory_space<smem>>
    %reduce_min3A_24 = vector.shape_cast %get3A_21 : vector<128x4096xf32> to vector<1x128x4096xf32>
    %reduce_min3A_25 = arith.constant dense<0x7F800000> : vector<1xf32>
    %reduce_min3A_26 = vector.multi_reduction <minimumf>, %reduce_min3A_24, %reduce_min3A_25 [1, 2] : vector<1x128x4096xf32> to vector<1xf32>
    %reduce_min3A_27 = vector.shape_cast %reduce_min3A_26 : vector<1xf32> to vector<1x1x1xf32>
    %reduce_min3A_28 = vector.extract %reduce_min3A_27[0, 0, 0] : f32 from vector<1x1x1xf32>
    %min3A_29 = arith.minimumf %get3A_23, %reduce_min3A_28 : f32
    %swap3A_30 = arith.constant 2 : index
    %swap3A_31 = memref.load %arg4[%swap3A_30] : memref<8xf32, #tpu.memory_space<smem>>
    memref.store %min3A_29, %arg4[%swap3A_30] : memref<8xf32, #tpu.memory_space<smem>>
    %get3A_32 = arith.constant 3 : index
    %get3A_33 = memref.load %arg4[%get3A_32] : memref<8xf32, #tpu.memory_space<smem>>
    %reduce_max3A_34 = vector.shape_cast %get3A_21 : vector<128x4096xf32> to vector<1x128x4096xf32>
    %reduce_max3A_35 = arith.constant dense<0xFF800000> : vector<1xf32>
    %reduce_max3A_36 = vector.multi_reduction <maximumf>, %reduce_max3A_34, %reduce_max3A_35 [1, 2] : vector<1x128x4096xf32> to vector<1xf32>
    %reduce_max3A_37 = vector.shape_cast %reduce_max3A_36 : vector<1xf32> to vector<1x1x1xf32>
    %reduce_max3A_38 = vector.extract %reduce_max3A_37[0, 0, 0] : f32 from vector<1x1x1xf32>
    %max3A_39 = arith.maximumf %get3A_33, %reduce_max3A_38 : f32
    %swap3A_40 = arith.constant 3 : index
    %swap3A_41 = memref.load %arg4[%swap3A_40] : memref<8xf32, #tpu.memory_space<smem>>
    memref.store %max3A_39, %arg4[%swap3A_40] : memref<8xf32, #tpu.memory_space<smem>>
    %eq3A_42 = arith.constant 15 : i32
    %eq3A_43 = arith.cmpi eq, %arg0, %eq3A_42 : i32
    %convert_element_type3A_44 = arith.extui %eq3A_43 : i1 to i32
    %cond3A_45 = arith.constant 0 : i32
    %cond3A_46 = arith.cmpi ne, %convert_element_type3A_44, %cond3A_45 : i32
    scf.if %cond3A_46 {
      %get3A_47 = arith.constant 1 : index
      %get3A_48 = memref.load %arg4[%get3A_47] : memref<8xf32, #tpu.memory_space<smem>>
      %get3A_49 = arith.constant 0 : index
      %get3A_50 = memref.load %arg4[%get3A_49] : memref<8xf32, #tpu.memory_space<smem>>
      %sub3A = arith.subf %get3A_48, %get3A_50 : f32
      %add3A = arith.constant 9.99999996E-13 : f32
      %add3A_51 = arith.addf %sub3A, %add3A : f32
      %div3A = arith.constant 5.000000e+01 : f32
      %div3A_52 = arith.divf %div3A, %add3A_51 : f32
      %get3A_53 = arith.constant 3 : index
      %get3A_54 = memref.load %arg4[%get3A_53] : memref<8xf32, #tpu.memory_space<smem>>
      %get3A_55 = arith.constant 2 : index
      %get3A_56 = memref.load %arg4[%get3A_55] : memref<8xf32, #tpu.memory_space<smem>>
      %sub3A_57 = arith.subf %get3A_54, %get3A_56 : f32
      %add3A_58 = arith.constant 9.99999996E-13 : f32
      %add3A_59 = arith.addf %sub3A_57, %add3A_58 : f32
      %div3A_60 = arith.constant 5.000000e+01 : f32
      %div3A_61 = arith.divf %div3A_60, %add3A_59 : f32
      %broadcast_in_dim3A = arith.constant 0.000000e+00 : f32
      %broadcast_in_dim3A_62 = vector.broadcast %broadcast_in_dim3A : f32 to vector<8x128xf32>
      %swap3A_63 = arith.constant 0 : index
      %swap3A_64 = arith.constant 0 : index
      %swap3A_65 = vector.load %arg3[%swap3A_63, %swap3A_64] : memref<8x128xf32, #tpu.memory_space<vmem>>, vector<8x128xf32>
      tpu.vector_store %arg3[%swap3A_63, %swap3A_64], %broadcast_in_dim3A_62 {strides = array<i32>} : memref<8x128xf32, #tpu.memory_space<vmem>>, vector<8x128xf32>,
      %broadcast_in_dim3A_66 = arith.constant 0.000000e+00 : f32
      %broadcast_in_dim3A_67 = vector.broadcast %broadcast_in_dim3A_66 : f32 to vector<1x128xf32>
      %get3A_68 = arith.constant 0 : index
      %get3A_69 = memref.load %arg4[%get3A_68] : memref<8xf32, #tpu.memory_space<smem>>
      %add3A_70 = vector.broadcast %get3A_69 : f32 to vector<1x128xf32>
      %add3A_71 = arith.addf %broadcast_in_dim3A_67, %add3A_70 : vector<1x128xf32>
      %swap3A_72 = arith.constant 0 : index
      %swap3A_73 = arith.constant 0 : index
      %swap3A_74 = vector.load %arg3[%swap3A_72, %swap3A_73] : memref<8x128xf32, #tpu.memory_space<vmem>>, vector<1x128xf32>
      tpu.vector_store %arg3[%swap3A_72, %swap3A_73], %add3A_71 {strides = array<i32>} : memref<8x128xf32, #tpu.memory_space<vmem>>, vector<1x128xf32>,
      %add3A_75 = vector.broadcast %div3A_52 : f32 to vector<1x128xf32>
      %add3A_76 = arith.addf %broadcast_in_dim3A_67, %add3A_75 : vector<1x128xf32>
      %swap3A_77 = arith.constant 1 : index
      %swap3A_78 = arith.constant 0 : index
      %swap3A_79 = vector.load %arg3[%swap3A_77, %swap3A_78] : memref<8x128xf32, #tpu.memory_space<vmem>>, vector<1x128xf32>
      tpu.vector_store %arg3[%swap3A_77, %swap3A_78], %add3A_76 {strides = array<i32>} : memref<8x128xf32, #tpu.memory_space<vmem>>, vector<1x128xf32>,
      %get3A_80 = arith.constant 2 : index
      %get3A_81 = memref.load %arg4[%get3A_80] : memref<8xf32, #tpu.memory_space<smem>>
      %add3A_82 = vector.broadcast %get3A_81 : f32 to vector<1x128xf32>
      %add3A_83 = arith.addf %broadcast_in_dim3A_67, %add3A_82 : vector<1x128xf32>
      %swap3A_84 = arith.constant 2 : index
      %swap3A_85 = arith.constant 0 : index
      %swap3A_86 = vector.load %arg3[%swap3A_84, %swap3A_85] : memref<8x128xf32, #tpu.memory_space<vmem>>, vector<1x128xf32>
      tpu.vector_store %arg3[%swap3A_84, %swap3A_85], %add3A_83 {strides = array<i32>} : memref<8x128xf32, #tpu.memory_space<vmem>>, vector<1x128xf32>,
      %add3A_87 = vector.broadcast %div3A_61 : f32 to vector<1x128xf32>
      %add3A_88 = arith.addf %broadcast_in_dim3A_67, %add3A_87 : vector<1x128xf32>
      %swap3A_89 = arith.constant 3 : index
      %swap3A_90 = arith.constant 0 : index
      %swap3A_91 = vector.load %arg3[%swap3A_89, %swap3A_90] : memref<8x128xf32, #tpu.memory_space<vmem>>, vector<1x128xf32>
      tpu.vector_store %arg3[%swap3A_89, %swap3A_90], %add3A_88 {strides = array<i32>} : memref<8x128xf32, #tpu.memory_space<vmem>>, vector<1x128xf32>,
    } else {
    }
    return
  }
  func.func @transform_0(%arg0: i32) -> (i32, i32) {
    %c0_i32 = arith.constant 0 : i32
    %c0_i32_0 = arith.constant 0 : i32
    return %arg0, %c0_i32 : i32, i32
  }
  func.func @transform_1(%arg0: i32) -> (i32, i32) {
    %c0_i32 = arith.constant 0 : i32
    %c0_i32_0 = arith.constant 0 : i32
    return %arg0, %c0_i32 : i32, i32
  }
  func.func @transform_2(%arg0: i32) -> (i32, i32) {
    %c0_i32 = arith.constant 0 : i32
    %c0_i32_0 = arith.constant 0 : i32
    %c0_i32_1 = arith.constant 0 : i32
    return %c0_i32, %c0_i32_0 : i32, i32
  }
}

</mosaic_0001>

<sc_bundles>
// kernel: kernel.6.cloned.1.call-start
scs
__scs_entry_jumppad:
0x0: {  	(pc) =	sbr.rel $0x88, $3  }
0x1: {  	(tag) =	ssettag $0x0;
	lr =	simm.s32 $0x1  }
0x2: {  	[smem:$0x3F9D] =	sst lr;
	_ =	strace $0xD0000000  }
0x3: {  	_ = 	snop  }
0x4: {  	_ = 	snop  }
0x5: {  	_ = 	snop  }
0x6: {  	_ = 	snop  }
0x7: {  	_ = 	snop  }
__scs_overlays_trampoline_lowered:
0x8: {  	[smem:$0x3FAC] =	sst s0  }
0x9: {  	[smem:$0x3FAD] =	sst s1  }
0xa: {  	[smem:$0x3FAE] =	sst s2  }
0xb: {  	[smem:$0x3FAF] =	sst s3  }
0xc: {  	[smem:$0x3FB0] =	sst s4  }
0xd: {  	[smem:$0x3FB1] =	sst s5  }
0xe: {  	[smem:$0x3FB2] =	sst s6  }
0xf: {  	[smem:$0x3FB3] =	sst s7  }
0x10: {  	[smem:$0x3FB4] =	sst s8  }
0x11: {  	[smem:$0x3FB5] =	sst s9;
	s0 =	simm.s32 @!p0 $0x0  }
0x12: {  	s1 =	sld [smem:$0x3F9B];
	s0 =	simm.s32 @p0 $0x1  }
0x13: {  	[smem:$0x3FB6] =	sst s0;
	s0 =	simm.s32 @!p1 $0x0  }
0x14: {  	s2 =	sld [smem:$0x3F9A];
	s0 =	simm.s32 @p1 $0x1  }
0x15: {  	[smem:$0x3FB7] =	sst s0;
	s0 =	simm.s32 @!p2 $0x0  }
0x16: {  	s3 =	sld [smem:$0x3FDB];
	s0 =	simm.s32 @p2 $0x1  }
0x17: {  	s4 =	simm.s32 $0x1BF5;
	[smem:$0x3FB9] =	sst s0  }
0x18: {  	s0 =	sld [smem:$0x3F9C];
	_ =	swait.ge [sflag:s4], $0x0  }
0x19: {  	s7 =	sld [smem:$0x3F9D]  }
0x1a: {  	s8 =	sadd.s32 $0xFFFFE003, lr  }
0x1b: {  	s9 =	sadd.s32 $0xFFFFFEF7, lr;
	s5 =	simm.s32 $0xFFFFFFFF;
	p2 =	slt.u32 s8, $0xFFFFF086  }
0x1c: {  	p1 =	slt.u32 s9, $0xF7A;
	s5 =	simm.s32 @!p2 $0x0  }
0x1d: {  	s5 =	simm.s32 @p1 $0x1;
	p0 =	seq.s32 s7, s2  }
0x1e: {  	s7 =	smul.u32 @!p0 $0xF7A, s2;
	p2 =	seq.s32 @!p0 s5, $0x0  }
0x1f: {  	s9 =	smul.u32 $0xF7A, s1;
	s8 =	simm.s32 @!p0 $0x1BF5;
	p2 =	por !p2, p0  }
0x20: {  	[sflag:s8] =	ssyncset.s32 @!p0 $0xFFFFF086;
	s6 =	sadd.s32 @!p0 s3, s7;
	s7 =	simm.s32 @!p0 $0x108  }
0x21: {  	s3 =	sadd.s32 s3, s9;
	s6 =	sadd.s32 @!p0 $0x88, s6;
	s7 =	simm.s32 @p2 $0x1082  }
0x22: {  	[simem:s7], [sflag:s8] =	dma.local @!p0 [hbm:s6], $0xF7A  }
0x23: {  	s9 =	sor.u32 $0xD0000000, s2;
	s6 =	simm.s32 $0x108;
	_ =	swait.ge @!p0 [sflag:s8], $0x0  }
0x24: {  	s3 =	sadd.s32 $0x88, s3;
	s6 =	simm.s32 @!p1 $0x1082;
	[sflag:s4] =	ssyncset.s32 $0xFFFFF086  }
0x25: {  	[simem:s6], [sflag:s4] =	dma.local [hbm:s3], $0xF7A  }
0x26: {  	[smem:$0x3F9D] =	sst s1;
	(tag) =	ssettag s2;
	_ =	strace s9  }
0x27: {  	s1 =	sld [smem:$0x3FAD]  }
0x28: {  	s2 =	sld [smem:$0x3FAE]  }
0x29: {  	s4 =	sld [smem:$0x3FB0]  }
0x2a: {  	p0 =	seq.s32 s5, $0x0;
	s5 =	sld [smem:$0x3FB1]  }
0x2b: {  	s6 =	sld [smem:$0x3FB2]  }
0x2c: {  	s7 =	sld [smem:$0x3FB3]  }
0x2d: {  	s3 =	simm.s32 $0x108;
	s8 =	sld [smem:$0x3FB4]  }
0x2e: {  	s3 =	simm.s32 @!p0 $0x1082;
	s9 =	sld [smem:$0x3FB5]  }
0x2f: {  	lr =	sadd.s32 s0, s3;
	s0 =	sld [smem:$0x3FAC]  }
0x30: {  	s3 =	sld [smem:$0x3FAF]  }
0x31: {  	[smem:$0x3FB8] =	sst s10  }
0x32: {  	s10 =	sld [smem:$0x3FB6];
	_ =	sdelay $0x3  }
0x33: {  	p0 =	seq.s32 s10, $0x1;
	s10 =	sld [smem:$0x3FB8];
	_ =	sdelay $0x3  }
0x34: {  	[smem:$0x3FB8] =	sst s10  }
0x35: {  	s10 =	sld [smem:$0x3FB7];
	_ =	sdelay $0x3  }
0x36: {  	p1 =	seq.s32 s10, $0x1;
	s10 =	sld [smem:$0x3FB8];
	_ =	sdelay $0x3  }
0x37: {  	[smem:$0x3FB8] =	sst s10  }
0x38: {  	s10 =	sld [smem:$0x3FB9]  }
0x39: {  	_ = 	snop;
	(pc) =	sbr.ind lr, $3  }
0x3a: {  	_ = 	snop  }
0x3b: {  	_ = 	snop  }
0x3c: {  	p2 =	seq.s32 s10, $0x1;
	s10 =	sld [smem:$0x3FB8]  }
0x3d: {  	_ =	shalt  }
0x3e: {  	_ =	shalt  }
0x3f: {  	_ =	shalt  }
0x40: {  	_ =	shalt  }
0x41: {  	_ =	shalt  }
0x42: {  	_ =	shalt  }
0x43: {  	_ =	shalt  }
0x44: {  	_ =	shalt  }
0x45: {  	_ =	shalt  }
0x46: {  	_ =	shalt  }
0x47: {  	_ =	shalt  }
0x48: {  	_ =	shalt  }
0x49: {  	_ =	shalt  }
0x4a: {  	_ =	shalt  }
0x4b: {  	_ =	shalt  }
0x4c: {  	_ =	shalt  }
0x4d: {  	_ =	shalt  }
0x4e: {  	_ =	shalt  }
0x4f: {  	_ =	shalt  }
0x50: {  	_ =	shalt  }
0x51: {  	_ =	shalt  }
0x52: {  	_ =	shalt  }
0x53: {  	_ =	shalt  }
0x54: {  	_ =	shalt  }
0x55: {  	_ =	shalt  }
0x56: {  	_ =	shalt  }
0x57: {  	_ =	shalt  }
0x58: {  	_ =	shalt  }
0x59: {  	_ =	shalt  }
0x5a: {  	_ =	shalt  }
0x5b: {  	_ =	shalt  }
0x5c: {  	_ =	shalt  }
0x5d: {  	_ =	shalt  }
0x5e: {  	_ =	shalt  }
0x5f: {  	_ =	shalt  }
0x60: {  	_ =	shalt  }
0x61: {  	_ =	shalt  }
0x62: {  	_ =	shalt  }
0x63: {  	_ =	shalt  }
0x64: {  	_ =	shalt  }
0x65: {  	_ =	shalt  }
0x66: {  	_ =	shalt  }
0x67: {  	_ =	shalt  }
0x68: {  	_ =	shalt  }
0x69: {  	_ =	shalt  }
0x6a: {  	_ =	shalt  }
0x6b: {  	_ =	shalt  }
0x6c: {  	_ =	shalt  }
0x6d: {  	_ =	shalt  }
0x6e: {  	_ =	shalt  }
0x6f: {  	_ =	shalt  }
0x70: {  	_ =	shalt  }
0x71: {  	_ =	shalt  }
0x72: {  	_ =	shalt  }
0x73: {  	_ =	shalt  }
0x74: {  	_ =	shalt  }
0x75: {  	_ =	shalt  }
0x76: {  	_ =	shalt  }
0x77: {  	_ =	shalt  }
0x78: {  	_ =	shalt  }
0x79: {  	_ =	shalt  }
0x7a: {  	_ =	shalt  }
0x7b: {  	_ =	shalt  }
0x7c: {  	_ =	shalt  }
0x7d: {  	_ =	shalt  }
0x7e: {  	_ =	shalt  }
0x7f: {  	_ =	shalt  }
0x80: {  	_ =	shalt  }
0x81: {  	_ =	shalt  }
0x82: {  	_ =	shalt  }
0x83: {  	_ =	shalt  }
0x84: {  	_ =	shalt  }
0x85: {  	_ =	shalt  }
0x86: {  	_ =	shalt  }
0x87: {  	_ =	shalt  }
.Lfunc_end0:
.L_simem_size_0:
called_computation_lowered:
.L_overlay_start_0:
0x88: {  	s2 =	sld [smem:$0x3FD9]  }
0x89: {  	s3 =	sld [smem:$0x3FFE];
	_ =	sdelay $0x1  }
0x8a: {  	s1 =	srdreg.scid  }
0x8b: {  	s0 =	sand.u32 $0x1, s1  }
0x8c: {  	s17 =	sshll.u32 s0, $0xA;
	s2 =	sadd.s32 s3, s2  }
0x8d: {  	s2 =	sadd.s32 s2, s17  }
0x8e: {  	[smem:$0x3FC4] =	sst s2  }
0x8f: {  	_ = 	snop  }
0x90: {  	s2 =	sld [smem:$0x3FC9]  }
0x91: {  	s18 =	sld [smem:$0x3FC7];
	(tm) =	ssettm $0x1  }
0x92: {  	s4 =	sld [smem:$0x3FFB];
	_ =	sdelay $0x3  }
0x93: {  	_ =	strace s4  }
0x94: {  	s4 =	sld [smem:$0x3FFC];
	_ =	sdelay $0x3  }
0x95: {  	_ =	strace s4  }
0x96: {  	s4 =	sld [smem:$0x3FFD];
	_ =	sdelay $0x3  }
0x97: {  	_ =	strace s4  }
0x98: {  	_ =	strace $0x8FFFFFFF  }
0x99: {  	s19 =	sld [smem:$0x3FDB];
	_ =	sdelay $0x1  }
0x9a: {  	s5 =	simm.s32 $_scs_section_size  }
0x9b: {  	s6 =	simm.s32 $_size__tile_overlayer_lowered;
	s7 =	simm.s32 $_tile_overlayer_lowered  }
0x9c: {  	s22 =	simm.s32 $0x1BFF;
	s21 =	sshll.u32 s7, $0x1;
	s4 =	sadd.s32 s5, s19  }
0x9d: {  	s8 =	simm.s32 $0x0;
	s20 =	sshll.u32 s6, $0x1;
	s6 =	sadd.s32 s21, s4  }
0x9e: {  	[timem:s8], [sflag:s22] =	dma.local [hbm:s6], s20  }
0x9f: {  	_ =	swait.ge [sflag:s22], s20  }
0xa0: {  	s5 =	ssub.s32 $0x0, s20;
	[sflag:s22] =	ssyncset.done $0x0  }
0xa1: {  	[sflag:s22] =	ssyncadd.s32 s5;
	_ =	sdelay $0x1  }
0xa2: {  	s23 =	simm.s32 $0x1B8B  }
0xa3: {  	_ =	swait.ge [sflag:s23], $0x1  }
0xa4: {  	[sflag:s23] =	ssyncset.done $0x0  }
0xa5: {  	s25 =	simm.s32 $0x1B8E;
	s24 =	sld [smem:$0x3FFE];
	[sflag:s23] =	ssyncadd.s32 $0xFFFFFFFF  }
0xa6: {  	s26 =	simm.s32 $execute0_lowered;
	[smem:$0x3FD2] =	sst s25  }
0xa7: {  	s6 =	sshll.u32 s26, $0x1;
	_ =	strace $0x80000046;
	[dreg:$0x1] =	wrdreg $0xFFFFFFFF  }
0xa8: {  	s28 =	simm.s32 $_size_execute0_lowered;
	s4 =	sadd.s32 s4, s6;
	[dreg:$0x0] =	wrdreg $0x0  }
0xa9: {  	s6 =	sshll.u32 s28, $0x1;
	[dreg:$0x2] =	wrdreg s4  }
0xaa: {  	[dreg:$0x3] =	wrdreg s6  }
0xab: {  	[dreg:$0x4] =	wrdreg $0xC0  }
0xac: {  	_ =	task [dreg:s8], $0x5FFFF  }
0xad: {  	[dreg:$0x1] =	wrdreg $0xFFFFFFFF  }
0xae: {  	[dreg:$0x0] =	wrdreg $0x60  }
0xaf: {  	[dreg:$0x2] =	wrdreg s2  }
0xb0: {  	[dreg:$0x3] =	wrdreg s18  }
0xb1: {  	[dreg:$0x4] =	wrdreg s24  }
0xb2: {  	[dreg:$0x5] =	wrdreg $0x9  }
0xb3: {  	_ =	task.clear_ibuf [dreg:s8], $0x6FFFF;
	_ =	strace $0x90000046  }
0xb4: {  	s29 =	simm.s32 $0x9;
	_ =	strace $0x80000048  }
0xb5: {  	_ =	swait.ge [sflag:s29], $0x1  }
0xb6: {  	[sflag:s29] =	ssyncadd.s32 $0xFFFFFFFF  }
0xb7: {  	_ =	strace $0x90000048  }
0xb8: {  	_ =	sfence  }
0xb9: {  	s30 =	sld [smem:$0x0];
	_ =	sdelay $0x2  }
0xba: {  	s31 =	sshll.u32 s1, $0xD;
	s1 =	sshrl.u32 s1, $0x2  }
0xbb: {  	s3 =	sand.u32 $0x4000, s31;
	s1 =	sadd.s32 s1, s30  }
0xbc: {  	s0 =	sor.u32 s3, s0;
	s1 =	sshll.u32 s1, $0x11  }
0xbd: {  	s0 =	sor.u32 s1, s0  }
0xbe: {  	s0 =	sadd.s32 $0x8F2B, s0  }
0xbf: {  	[sflag:s0] =	ssyncadd.remote.s32 $0x1  }
0xc0: {  	_ =	sfence.sel $0xFFFF  }
0xc1: {  	[dreg:$0x0] =	wrdreg $0xFFFFFFFF;
	(pc) =	sbr.abs _section_cstart, $3  }
0xc2: {  	[dreg:$0x1] =	wrdreg $0xFFFFFFFF  }
0xc3: {  	_ =	task.clear_ibuf [dreg:s8], $0x2FFFF;
	_ =	strace $0x9FFFFFFF  }
0xc4: {  	(tm) =	ssettm $0x7FFFFFFF  }
0xc5: {  	_ =	shalt  }
tec
execute0_lowered:
.L_overlay_start_1:
0x0: {  	(tag) =	ssettag $0x1  }
0x1: {  	s0 =	rddreg [dreg:$0x0]  }
0x2: {  	s1 =	rddreg [dreg:$0x1]  }
0x3: {  	s2 =	rddreg [dreg:$0x2];
	s3 =	simm.s32 $0x0;
	s5 =	stileid.u32  }
0x4: {  	s19 =	srdreg.scid;
	s29 =	simm.s32 $0xC000;
	s30 =	simm.s32 $0x1  }
0x5: {  	s31 =	simm.s32 $0x10C00;
	[smem:$0x7FF] =	sst s3;
	s3 =	sand.u32 $0x1, s19  }
0x6: {  	s4 =	sshll.u32 s5, $0x1;
	s6 =	sadd.s32 $0xA00, s2;
	s5 =	sshll.u32 s5, $0x9  }
0x7: {  	s8 =	sadd.s32 $0x1040, s0;
	s16 =	sadd.s32 $0x1040, s1;
	_ =	strace $0x80000047  }
0x8: {  	[dreg:$0x4] =	wrdreg s6;
	s20 =	sor.u32 s3, s4;
	s5 =	sand.u32 $0x1800, s5  }
0x9: {  	s3 =	ssub.s32 $0x2, s3;
	s4 =	sshll.u32 s20, $0x10;
	s2 =	sadd.s32 s5, s2  }
0xa: {  	s7 =	sshrl.u32 s3, $0x1;
	s10 =	sshll.u32 s20, $0xF;
	s26 =	sshll.u32 s20, $0x4  }
0xb: {  	s21 =	sadd.s32 s0, s4;
	s3 =	ssub.s32 s3, s7;
	s13 =	sadd.s32 s1, s10  }
0xc: {  	s0 =	sand.u32 $0x70, s26;
	s1 =	simm.s32 $0x3;
	s26 =	simm.s32 $0x0  }
0xd: {  	s22 =	sadd.s32 $0x40, s21;
	s23 =	sadd.s32 $0x1000, s21;
	s9 =	sadd.s32 $0x2000, s21  }
0xe: {  	s11 =	sadd.s32 $0x2040, s21;
	[dreg:$0x5] =	wrdreg s21;
	s12 =	sadd.s32 $0x3000, s21  }
0xf: {  	s24 =	sadd.s32 $0x40, s13;
	s25 =	sadd.s32 $0x1000, s13;
	[dreg:$0x6] =	wrdreg s22  }
0x10: {  	s17 =	sadd.s32 $0x2000, s13;
	s18 =	sadd.s32 $0x2040, s13;
	[dreg:$0x7] =	wrdreg s23  }
0x11: {  	s19 =	sadd.s32 $0x3000, s13;
	s0 =	sadd.s32 s0, s2;
	[dreg:$0x8] =	wrdreg s24  }
0x12: {  	s28 =	smax.u32 s3, $0x1;
	s2 =	simm.s32 $0x11000;
	[dreg:$0x9] =	wrdreg s25  }
0x13: {  	s3 =	simm.s32 $0x10400;
	s0 =	sadd.s32 $0xC00, s0;
	[dreg:$0xb] =	wrdreg s28  }
0x14: {  	v0 =	vlaneseq.u32;
	s23 =	simm.s32 $0x5;
	s24 =	simm.s32 $0x200;
	s25 =	simm.s32 $0x400  }
0x15: {  	v1 =	vimm.f32 $0.0e+00;
	v2 =	vimm.f32 $1.000000000e+00;
	v3 =	vmul.u32 $0x80, v0;
	s22 =	simm.s32 $0x4;
	[dreg:$0xa] =	wrdreg s0;
	s0 =	simm.s32 $0x2  }
.LBB2_1:
0x16: {  	s5 =	simm.s32 $0x0;
	s6 =	rddreg [dreg:$0x4];
	s7 =	simm.s32 $0x10000  }
0x17: {  	[tilespmem:s7], [sflag:$0x5] =	stream.linear.gather [hbm4b:s6+s5], $0x400, $0x38;
	[tilespmem:$0x11400] =	vst v63  }
0x18: {  	_ =	swait.ge [sflag:s23], $0x400  }
0x19: {  	[sflag:s23] =	ssyncset.done $0x0  }
0x1a: {  	[sflag:s23] =	ssyncadd.s32 $0xFFFFFC00  }
0x1b: {  	v7 =	vld [tilespmem:$0x10080]  }
0x1c: {  	v5 =	vld [tilespmem:$0x10180];
	_ =	sdelay $0x1  }
0x1d: {  	v6 =	vld [tilespmem:$0x10000]  }
0x1e: {  	v4 =	vld [tilespmem:$0x10100]  }
0x1f: {  	s6 =	simm.s32 $0x40;
	s7 =	simm.s32 $0x0  }
.LBB2_2:
0x20: {  	p0 =	sne.s32 s6, $0x1FC0;
	[tilespmem:s7+$0x10C00] =	vst v1;
	s7 =	smov.u32 s6;
	s6 =	sadd.s32 $0x40, s6  }
.Ltmp0:
0x21: {  	(pc) =	sbr.rel @p0 .LBB2_2-.Ltmp0, $2  }
0x22: {  	_ =	sdelay $0x2  }
0x23: {  	s7 =	sshra.s32 s7, $0x2  }
0x24: {  	[tilespmem:s7+$0x10C00] =	vst v1  }
0x25: {  	s28 =	simm.s32 $0x0;
	s5 =	rddreg [dreg:$0x5]  }
0x26: {  	[tilespmem:s28], [sflag:$0x1] =	stream.strided.gather [hbm4b:s5+s24], $0x4000, s25, s24, $0x38;
	[tilespmem:$0x11400] =	vst v63  }
0x27: {  	s6 =	simm.s32 $0x4000;
	s15 =	rddreg [dreg:$0x6]  }
0x28: {  	[tilespmem:s6], [sflag:$0x2] =	stream.strided.gather [hbm4b:s15+s24], $0x4000, s25, s24, $0x38;
	[tilespmem:$0x11400] =	vst v63  }
0x29: {  	s21 =	simm.s32 $0x8000;
	s20 =	rddreg [dreg:$0x7];
	s6 =	simm.s32 $0x0  }
0x2a: {  	[tilespmem:s21], [sflag:$0x3] =	stream.strided.gather [hbm4b:s20+s24], $0x4000, s25, s24, $0x38;
	[tilespmem:$0x11400] =	vst v63  }
.LBB2_4:
0x2b: {  	s7 =	sshll.u32 s6, $0xD  }
0x2c: {  	s14 =	sor.u32 s7, s4  }
0x2d: {  	s14 =	sadd.s32 s14, s8  }
0x2e: {  	[tilespmem:s29], [sflag:$0x4] =	stream.strided.gather [hbm4b:s14+s24], $0x4000, s25, s24, $0x38;
	[tilespmem:$0x11400] =	vst v63  }
0x2f: {  	_ =	swait.ge [sflag:s30], $0x4000  }
0x30: {  	s20 =	sand.u32 $0x3E00, s28;
	s15 =	sand.u32 $0x180, s28;
	[sflag:s30] =	ssyncset.done $0x0  }
0x31: {  	s14 =	sor.u32 s15, s20;
	[sflag:s30] =	ssyncadd.s32 $0xFFFFC000  }
0x32: {  	v8 =	vld [tilespmem:s14+$0x0]  }
0x33: {  	v9 =	vld [tilespmem:s14+$0x40]  }
0x34: {  	v10 =	vld [tilespmem:s14+$0x20]  }
0x35: {  	v11 =	vld [tilespmem:s14+$0x70]  }
0x36: {  	v13 =	vld [tilespmem:s14+$0x50]  }
0x37: {  	v12 =	vld [tilespmem:s14+$0x60]  }
0x38: {  	v14 =	vld [tilespmem:s14+$0x10]  }
0x39: {  	v8 =	vsub.f32 v8, v6  }
0x3a: {  	v9 =	vsub.f32 v9, v6;
	v10 =	vsub.f32 v10, v6  }
0x3b: {  	s21 =	simm.s32 $0x200;
	s20 =	simm.s32 $0x4;
	v11 =	vsub.f32 v11, v6;
	v13 =	vsub.f32 v13, v6  }
0x3c: {  	s15 =	sand.u32 $0x3E00, s21;
	s20 =	sand.u32 $0x180, s20;
	v12 =	vsub.f32 v12, v6;
	v8 =	vmul.f32 v8, v7;
	v9 =	vmul.f32 v9, v7  }
0x3d: {  	s15 =	sor.u32 s20, s15;
	v14 =	vsub.f32 v14, v6;
	v10 =	vmul.f32 v10, v7;
	v11 =	vmul.f32 v11, v7  }
0x3e: {  	v17 =	vld [tilespmem:s15+$0x40];
	v13 =	vmul.f32 v13, v7;
	v12 =	vmul.f32 v12, v7  }
0x3f: {  	v14 =	vmul.f32 v14, v7;
	v8 =	vtrunc.f32 v8  }
0x40: {  	v18 =	vld [tilespmem:s14+$0x30];
	v9 =	vtrunc.f32 v9;
	v10 =	vtrunc.f32 v10  }
0x41: {  	v22 =	vld [tilespmem:s15+$0x70];
	v11 =	vtrunc.f32 v11;
	v13 =	vtrunc.f32 v13  }
0x42: {  	v8 =	vcvt.f32.s32 v8;
	v10 =	vcvt.f32.s32 v10  }
0x43: {  	v15 =	vld [tilespmem:s15+$0x0];
	v17 =	vsub.f32 v17, v6;
	v21 =	vtrunc.f32 v12;
	v14 =	vtrunc.f32 v14  }
0x44: {  	v23 =	vshll.u32 v8, $0x4;
	v8 =	vcvt.f32.s32 v11;
	v11 =	vld [tilespmem:s15+$0x20];
	v10 =	vshll.u32 v10, $0x4  }
0x45: {  	v12 =	vcvt.f32.s32 v9;
	v13 =	vcvt.f32.s32 v13;
	v10 =	vor.u32 v0, v10  }
0x46: {  	v18 =	vsub.f32 v18, v6;
	v22 =	vsub.f32 v22, v6;
	v14 =	vcvt.f32.s32 v14  }
0x47: {  	v24 =	vshll.u32 v12, $0x4;
	v13 =	vshll.u32 v13, $0x4;
	v8 =	vshll.u32 v8, $0x4  }
0x48: {  	v12 =	vld [tilespmem:s15+$0x30];
	v14 =	vshll.u32 v14, $0x4;
	v9 =	vor.u32 v0, v8;
	v8 =	vsub.f32 v15, v6  }
0x49: {  	v14 =	vor.u32 v0, v14;
	v15 =	vor.u32 v0, v13;
	v16 =	vsub.f32 v11, v6;
	v11 =	vld [tilespmem:s15+$0x60]  }
0x4a: {  	v8 =	vmul.f32 v8, v7;
	[tilespmem:v10+s31+$0x0] =	vst.idx.add.f32.msk $0xffff, v2;
	v10 =	vmul.f32 v17, v7  }
0x4b: {  	v19 =	vmul.f32 v18, v7;
	v21 =	vcvt.f32.s32 v21;
	v13 =	vor.u32 v0, v23;
	v17 =	vld [tilespmem:s15+$0x50]  }
0x4c: {  	s20 =	simm.s32 $0x8;
	s14 =	simm.s32 $0x8;
	v18 =	vld [tilespmem:s15+$0x10];
	s15 =	simm.s32 $0x400;
	v20 =	vtrunc.f32 v8;
	v8 =	vor.u32 v0, v24;
	v10 =	vtrunc.f32 v10  }
.LBB2_5:
0x4d: {  	s21 =	sand.u32 $0x3E00, s15;
	s5 =	sand.u32 $0x180, s20;
	s14 =	sadd.s32 $0x8, s14;
	v20 =	vcvt.f32.s32 v20;
	v16 =	vmul.f32 v16, v7;
	v21 =	vshll.u32 v21, $0x4;
	[tilespmem:v9+s31+$0x0] =	vst.idx.add.f32.msk $0xffff, v2;
	v23 =	vmovc v12  }
0x4e: {  	v12 =	vtrunc.f32 v19;
	s21 =	sor.u32 s5, s21;
	p0 =	slt.u32 s14, $0x3F8;
	v9 =	vmul.f32 v22, v7;
	[tilespmem:v15+s31+$0x0] =	vst.idx.add.f32.msk $0xffff, v2;
	v15 =	vor.u32 v0, v21  }
0x4f: {  	v12 =	vcvt.f32.s32 v12;
	v24 =	vshll.u32 v20, $0x4;
	v16 =	vtrunc.f32 v16;
	[tilespmem:v14+s31+$0x0] =	vst.idx.add.f32.msk $0xffff, v2  }
0x50: {  	v11 =	vsub.f32 v11, v6;
	v14 =	vld [tilespmem:s21+$0x0];
	v17 =	vsub.f32 v17, v6;
	v9 =	vtrunc.f32 v9  }
0x51: {  	v16 =	vcvt.f32.s32 v16;
	v19 =	vld [tilespmem:s21+$0x40];
	v18 =	vsub.f32 v18, v6;
	v9 =	vcvt.f32.s32 v9  }
0x52: {  	v11 =	vmul.f32 v11, v7;
	v12 =	vshll.u32 v12, $0x4;
	v20 =	vld [tilespmem:s21+$0x20];
	v17 =	vmul.f32 v17, v7  }
0x53: {  	v16 =	vshll.u32 v16, $0x4;
	v18 =	vmul.f32 v18, v7;
	v9 =	vshll.u32 v9, $0x4;
	[tilespmem:v13+s31+$0x0] =	vst.idx.add.f32.msk $0xffff, v2  }
0x54: {  	v21 =	vtrunc.f32 v11;
	v13 =	vor.u32 v0, v16;
	v16 =	vtrunc.f32 v17;
	[tilespmem:v8+s31+$0x0] =	vst.idx.add.f32.msk $0xffff, v2  }
0x55: {  	v8 =	vcvt.f32.s32 v10;
	v9 =	vor.u32 v0, v9;
	v10 =	vor.u32 v0, v12;
	v22 =	vld [tilespmem:s21+$0x70]  }
0x56: {  	v12 =	vsub.f32 v14, v6;
	v14 =	vtrunc.f32 v18;
	v17 =	vcvt.f32.s32 v16;
	v11 =	vld [tilespmem:s21+$0x60]  }
0x57: {  	v14 =	vcvt.f32.s32 v14;
	v8 =	vshll.u32 v8, $0x4;
	v16 =	vsub.f32 v20, v6;
	[tilespmem:v15+s31+$0x0] =	vst.idx.add.f32.msk $0xffff, v2  }
.Ltmp1:
0x58: {  	v19 =	vsub.f32 v19, v6;
	v18 =	vmul.f32 v12, v7;
	v15 =	vshll.u32 v17, $0x4;
	v12 =	vld [tilespmem:s21+$0x30];
	(pc) =	sbr.rel @p0 .LBB2_5-.Ltmp1, $4  }
0x59: {  	v14 =	vshll.u32 v14, $0x4;
	v15 =	vor.u32 v0, v15;
	[tilespmem:v13+s31+$0x0] =	vst.idx.add.f32.msk $0xffff, v2;
	v13 =	vsub.f32 v23, v6  }
0x5a: {  	v20 =	vtrunc.f32 v18;
	v23 =	vmul.f32 v19, v7;
	v14 =	vor.u32 v0, v14;
	[tilespmem:v10+s31+$0x0] =	vst.idx.add.f32.msk $0xffff, v2  }
0x5b: {  	v21 =	vcvt.f32.s32 v21;
	v8 =	vor.u32 v0, v8;
	v17 =	vld [tilespmem:s21+$0x50];
	v19 =	vmul.f32 v13, v7  }
0x5c: {  	s15 =	sadd.s32 $0x200, s15;
	s20 =	sadd.s32 $0x4, s20;
	v22 =	vsub.f32 v22, v6;
	v10 =	vtrunc.f32 v23;
	v13 =	vor.u32 v0, v24;
	v18 =	vld [tilespmem:s21+$0x10]  }
0x5d: {  	_ =	sdelay $0x1  }
0x5e: {  	v20 =	vcvt.f32.s32 v20;
	v16 =	vmul.f32 v16, v7  }
0x5f: {  	v21 =	vshll.u32 v21, $0x4;
	v19 =	vtrunc.f32 v19;
	v11 =	vsub.f32 v11, v6  }
0x60: {  	v12 =	vsub.f32 v12, v6;
	[tilespmem:v8+s31+$0x0] =	vst.idx.add.f32.msk $0xffff, v2;
	v8 =	vcvt.f32.s32 v10;
	v22 =	vmul.f32 v22, v7  }
0x61: {  	v21 =	vor.u32 v0, v21;
	v19 =	vcvt.f32.s32 v19;
	v16 =	vtrunc.f32 v16  }
0x62: {  	v20 =	vshll.u32 v20, $0x4;
	v11 =	vmul.f32 v11, v7;
	v17 =	vsub.f32 v17, v6  }
0x63: {  	v12 =	vmul.f32 v12, v7;
	v8 =	vshll.u32 v8, $0x4;
	v22 =	vtrunc.f32 v22  }
0x64: {  	v16 =	vcvt.f32.s32 v16;
	v18 =	vsub.f32 v18, v6;
	v17 =	vmul.f32 v17, v7  }
0x65: {  	v19 =	vshll.u32 v19, $0x4;
	v22 =	vcvt.f32.s32 v22;
	v11 =	vtrunc.f32 v11  }
0x66: {  	[tilespmem:v9+s31+$0x0] =	vst.idx.add.f32.msk $0xffff, v2;
	v8 =	vor.u32 v0, v8;
	v18 =	vmul.f32 v18, v7;
	v17 =	vtrunc.f32 v17  }
0x67: {  	[tilespmem:v14+s31+$0x0] =	vst.idx.add.f32.msk $0xffff, v2;
	v14 =	vor.u32 v0, v19;
	v9 =	vshll.u32 v22, $0x4;
	v17 =	vcvt.f32.s32 v17  }
0x68: {  	[tilespmem:v15+s31+$0x0] =	vst.idx.add.f32.msk $0xffff, v2;
	v16 =	vshll.u32 v16, $0x4;
	v9 =	vor.u32 v0, v9;
	v15 =	vtrunc.f32 v18  }
0x69: {  	[tilespmem:v13+s31+$0x0] =	vst.idx.add.f32.msk $0xffff, v2;
	v16 =	vor.u32 v0, v16;
	v15 =	vcvt.f32.s32 v15;
	v13 =	vshll.u32 v17, $0x4  }
0x6a: {  	v12 =	vtrunc.f32 v12;
	v11 =	vcvt.f32.s32 v11;
	[tilespmem:v21+s31+$0x0] =	vst.idx.add.f32.msk $0xffff, v2;
	v13 =	vor.u32 v0, v13  }
0x6b: {  	v12 =	vcvt.f32.s32 v12;
	[tilespmem:v8+s31+$0x0] =	vst.idx.add.f32.msk $0xffff, v2;
	v10 =	vshll.u32 v15, $0x4;
	v15 =	vor.u32 v0, v20  }
0x6c: {  	v11 =	vshll.u32 v11, $0x4;
	[tilespmem:v14+s31+$0x0] =	vst.idx.add.f32.msk $0xffff, v2;
	v10 =	vor.u32 v0, v10  }
0x6d: {  	[tilespmem:v9+s31+$0x0] =	vst.idx.add.f32.msk $0xffff, v2;
	v9 =	vor.u32 v0, v11;
	v11 =	vshll.u32 v12, $0x4  }
0x6e: {  	[tilespmem:v16+s31+$0x0] =	vst.idx.add.f32.msk $0xffff, v2;
	v11 =	vor.u32 v0, v11  }
0x6f: {  	[tilespmem:v13+s31+$0x0] =	vst.idx.add.f32.msk $0xffff, v2  }
0x70: {  	[tilespmem:v15+s31+$0x0] =	vst.idx.add.f32.msk $0xffff, v2  }
0x71: {  	p0 =	seq.s32 s6, $0x7;
	[tilespmem:v10+s31+$0x0] =	vst.idx.add.f32.msk $0xffff, v2  }
0x72: {  	s5 =	sadd.s32 @!p0 s7, s9;
	[tilespmem:v9+s31+$0x0] =	vst.idx.add.f32.msk $0xffff, v2  }
0x73: {  	s14 =	simm.s32 @!p0 $0x200;
	s15 =	simm.s32 @!p0 $0x400;
	s20 =	simm.s32 @!p0 $0x0;
	[tilespmem:v11+s31+$0x0] =	vst.idx.add.f32.msk $0xffff, v2  }
0x74: {  	[tilespmem:s20], [sflag:$0x1] =	stream.strided.gather @!p0 [hbm4b:s5+s14], $0x4000, s15, s14, $0x38;
	[tilespmem:$0x11400] =	vst v63  }
0x75: {  	s14 =	simm.s32 $0x0;
	_ =	swait.ge [sflag:s0], $0x4000  }
0x76: {  	s15 =	sand.u32 $0x3E00, s14;
	s5 =	sand.u32 $0x180, s14;
	[sflag:s0] =	ssyncset.done $0x0  }
0x77: {  	s5 =	sor.u32 s5, s15;
	[sflag:s0] =	ssyncadd.s32 $0xFFFFC000  }
0x78: {  	v8 =	vld [tilespmem:s5+$0x4000]  }
0x79: {  	v9 =	vld [tilespmem:s5+$0x4040]  }
0x7a: {  	v10 =	vld [tilespmem:s5+$0x4020]  }
0x7b: {  	v11 =	vld [tilespmem:s5+$0x4070]  }
0x7c: {  	v13 =	vld [tilespmem:s5+$0x4050]  }
0x7d: {  	v12 =	vld [tilespmem:s5+$0x4060]  }
0x7e: {  	v14 =	vld [tilespmem:s5+$0x4010]  }
0x7f: {  	v8 =	vsub.f32 v8, v6  }
0x80: {  	v9 =	vsub.f32 v9, v6;
	v10 =	vsub.f32 v10, v6  }
0x81: {  	s21 =	simm.s32 $0x4;
	s20 =	simm.s32 $0x200;
	v11 =	vsub.f32 v11, v6;
	v13 =	vsub.f32 v13, v6  }
0x82: {  	s14 =	sand.u32 $0x3E00, s20;
	s15 =	sand.u32 $0x180, s21;
	v12 =	vsub.f32 v12, v6;
	v8 =	vmul.f32 v8, v7;
	v9 =	vmul.f32 v9, v7  }
0x83: {  	s15 =	sor.u32 s15, s14;
	v14 =	vsub.f32 v14, v6;
	v10 =	vmul.f32 v10, v7;
	v11 =	vmul.f32 v11, v7  }
0x84: {  	v17 =	vld [tilespmem:s15+$0x4040];
	v13 =	vmul.f32 v13, v7;
	v12 =	vmul.f32 v12, v7  }
0x85: {  	v14 =	vmul.f32 v14, v7;
	v8 =	vtrunc.f32 v8  }
0x86: {  	v18 =	vld [tilespmem:s5+$0x4030];
	v9 =	vtrunc.f32 v9;
	v10 =	vtrunc.f32 v10  }
0x87: {  	v22 =	vld [tilespmem:s15+$0x4070];
	v11 =	vtrunc.f32 v11;
	v13 =	vtrunc.f32 v13  }
0x88: {  	v8 =	vcvt.f32.s32 v8;
	v10 =	vcvt.f32.s32 v10  }
0x89: {  	v15 =	vld [tilespmem:s15+$0x4000];
	v17 =	vsub.f32 v17, v6;
	v21 =	vtrunc.f32 v12;
	v14 =	vtrunc.f32 v14  }
0x8a: {  	v23 =	vshll.u32 v8, $0x4;
	v8 =	vcvt.f32.s32 v11;
	v11 =	vld [tilespmem:s15+$0x4020];
	v10 =	vshll.u32 v10, $0x4  }
0x8b: {  	v12 =	vcvt.f32.s32 v9;
	v13 =	vcvt.f32.s32 v13;
	v10 =	vor.u32 v0, v10  }
0x8c: {  	v18 =	vsub.f32 v18, v6;
	v22 =	vsub.f32 v22, v6;
	v14 =	vcvt.f32.s32 v14  }
0x8d: {  	v24 =	vshll.u32 v12, $0x4;
	v13 =	vshll.u32 v13, $0x4;
	v8 =	vshll.u32 v8, $0x4  }
0x8e: {  	v12 =	vld [tilespmem:s15+$0x4030];
	v14 =	vshll.u32 v14, $0x4;
	v9 =	vor.u32 v0, v8;
	v8 =	vsub.f32 v15, v6  }
0x8f: {  	v14 =	vor.u32 v0, v14;
	v15 =	vor.u32 v0, v13;
	v16 =	vsub.f32 v11, v6;
	v11 =	vld [tilespmem:s15+$0x4060]  }
0x90: {  	v8 =	vmul.f32 v8, v7;
	[tilespmem:v10+s31+$0x0] =	vst.idx.add.f32.msk $0xffff, v2;
	v10 =	vmul.f32 v17, v7  }
0x91: {  	v19 =	vmul.f32 v18, v7;
	v21 =	vcvt.f32.s32 v21;
	v13 =	vor.u32 v0, v23;
	v17 =	vld [tilespmem:s15+$0x4050]  }
0x92: {  	s20 =	simm.s32 $0x8;
	s14 =	simm.s32 $0x8;
	v18 =	vld [tilespmem:s15+$0x4010];
	s15 =	simm.s32 $0x400;
	v20 =	vtrunc.f32 v8;
	v8 =	vor.u32 v0, v24;
	v10 =	vtrunc.f32 v10  }
.LBB2_7:
0x93: {  	s5 =	sand.u32 $0x3E00, s15;
	s21 =	sand.u32 $0x180, s20;
	s14 =	sadd.s32 $0x8, s14;
	v20 =	vcvt.f32.s32 v20;
	v16 =	vmul.f32 v16, v7;
	v21 =	vshll.u32 v21, $0x4;
	[tilespmem:v9+s31+$0x0] =	vst.idx.add.f32.msk $0xffff, v2;
	v23 =	vmovc v12  }
0x94: {  	v12 =	vtrunc.f32 v19;
	s21 =	sor.u32 s21, s5;
	p1 =	slt.u32 s14, $0x3F8;
	v9 =	vmul.f32 v22, v7;
	[tilespmem:v15+s31+$0x0] =	vst.idx.add.f32.msk $0xffff, v2;
	v15 =	vor.u32 v0, v21  }
0x95: {  	v12 =	vcvt.f32.s32 v12;
	v24 =	vshll.u32 v20, $0x4;
	v16 =	vtrunc.f32 v16;
	[tilespmem:v14+s31+$0x0] =	vst.idx.add.f32.msk $0xffff, v2  }
0x96: {  	v11 =	vsub.f32 v11, v6;
	v14 =	vld [tilespmem:s21+$0x4000];
	v17 =	vsub.f32 v17, v6;
	v9 =	vtrunc.f32 v9  }
0x97: {  	v16 =	vcvt.f32.s32 v16;
	v19 =	vld [tilespmem:s21+$0x4040];
	v18 =	vsub.f32 v18, v6;
	v9 =	vcvt.f32.s32 v9  }
0x98: {  	v11 =	vmul.f32 v11, v7;
	v12 =	vshll.u32 v12, $0x4;
	v20 =	vld [tilespmem:s21+$0x4020];
	v17 =	vmul.f32 v17, v7  }
0x99: {  	v16 =	vshll.u32 v16, $0x4;
	v18 =	vmul.f32 v18, v7;
	v9 =	vshll.u32 v9, $0x4;
	[tilespmem:v13+s31+$0x0] =	vst.idx.add.f32.msk $0xffff, v2  }
0x9a: {  	v21 =	vtrunc.f32 v11;
	v13 =	vor.u32 v0, v16;
	v16 =	vtrunc.f32 v17;
	[tilespmem:v8+s31+$0x0] =	vst.idx.add.f32.msk $0xffff, v2  }
0x9b: {  	v8 =	vcvt.f32.s32 v10;
	v9 =	vor.u32 v0, v9;
	v10 =	vor.u32 v0, v12;
	v22 =	vld [tilespmem:s21+$0x4070]  }
0x9c: {  	v12 =	vsub.f32 v14, v6;
	v14 =	vtrunc.f32 v18;
	v17 =	vcvt.f32.s32 v16;
	v11 =	vld [tilespmem:s21+$0x4060]  }
0x9d: {  	v14 =	vcvt.f32.s32 v14;
	v8 =	vshll.u32 v8, $0x4;
	v16 =	vsub.f32 v20, v6;
	[tilespmem:v15+s31+$0x0] =	vst.idx.add.f32.msk $0xffff, v2  }
.Ltmp2:
0x9e: {  	v19 =	vsub.f32 v19, v6;
	v18 =	vmul.f32 v12, v7;
	v15 =	vshll.u32 v17, $0x4;
	v12 =	vld [tilespmem:s21+$0x4030];
	(pc) =	sbr.rel @p1 .LBB2_7-.Ltmp2, $4  }
0x9f: {  	v14 =	vshll.u32 v14, $0x4;
	v15 =	vor.u32 v0, v15;
	[tilespmem:v13+s31+$0x0] =	vst.idx.add.f32.msk $0xffff, v2;
	v13 =	vsub.f32 v23, v6  }
0xa0: {  	v20 =	vtrunc.f32 v18;
	v23 =	vmul.f32 v19, v7;
	v14 =	vor.u32 v0, v14;
	[tilespmem:v10+s31+$0x0] =	vst.idx.add.f32.msk $0xffff, v2  }
0xa1: {  	v21 =	vcvt.f32.s32 v21;
	v8 =	vor.u32 v0, v8;
	v17 =	vld [tilespmem:s21+$0x4050];
	v19 =	vmul.f32 v13, v7  }
0xa2: {  	s15 =	sadd.s32 $0x200, s15;
	s20 =	sadd.s32 $0x4, s20;
	v22 =	vsub.f32 v22, v6;
	v10 =	vtrunc.f32 v23;
	v13 =	vor.u32 v0, v24;
	v18 =	vld [tilespmem:s21+$0x4010]  }
0xa3: {  	_ =	sdelay $0x1  }
0xa4: {  	v20 =	vcvt.f32.s32 v20;
	v16 =	vmul.f32 v16, v7  }
0xa5: {  	v21 =	vshll.u32 v21, $0x4;
	v19 =	vtrunc.f32 v19;
	v11 =	vsub.f32 v11, v6  }
0xa6: {  	v12 =	vsub.f32 v12, v6;
	[tilespmem:v8+s31+$0x0] =	vst.idx.add.f32.msk $0xffff, v2;
	v8 =	vcvt.f32.s32 v10;
	v22 =	vmul.f32 v22, v7  }
0xa7: {  	v21 =	vor.u32 v0, v21;
	v19 =	vcvt.f32.s32 v19;
	v16 =	vtrunc.f32 v16  }
0xa8: {  	v20 =	vshll.u32 v20, $0x4;
	v11 =	vmul.f32 v11, v7;
	v17 =	vsub.f32 v17, v6  }
0xa9: {  	v12 =	vmul.f32 v12, v7;
	v8 =	vshll.u32 v8, $0x4;
	v22 =	vtrunc.f32 v22  }
0xaa: {  	v16 =	vcvt.f32.s32 v16;
	v18 =	vsub.f32 v18, v6;
	v17 =	vmul.f32 v17, v7  }
0xab: {  	v19 =	vshll.u32 v19, $0x4;
	v22 =	vcvt.f32.s32 v22;
	v11 =	vtrunc.f32 v11  }
0xac: {  	[tilespmem:v9+s31+$0x0] =	vst.idx.add.f32.msk $0xffff, v2;
	v8 =	vor.u32 v0, v8;
	v18 =	vmul.f32 v18, v7;
	v17 =	vtrunc.f32 v17  }
0xad: {  	[tilespmem:v14+s31+$0x0] =	vst.idx.add.f32.msk $0xffff, v2;
	v14 =	vor.u32 v0, v19;
	v9 =	vshll.u32 v22, $0x4;
	v17 =	vcvt.f32.s32 v17  }
0xae: {  	[tilespmem:v15+s31+$0x0] =	vst.idx.add.f32.msk $0xffff, v2;
	v16 =	vshll.u32 v16, $0x4;
	v9 =	vor.u32 v0, v9;
	v15 =	vtrunc.f32 v18  }
0xaf: {  	[tilespmem:v13+s31+$0x0] =	vst.idx.add.f32.msk $0xffff, v2;
	v16 =	vor.u32 v0, v16;
	v15 =	vcvt.f32.s32 v15;
	v13 =	vshll.u32 v17, $0x4  }
0xb0: {  	v12 =	vtrunc.f32 v12;
	v11 =	vcvt.f32.s32 v11;
	[tilespmem:v21+s31+$0x0] =	vst.idx.add.f32.msk $0xffff, v2;
	v13 =	vor.u32 v0, v13  }
0xb1: {  	v12 =	vcvt.f32.s32 v12;
	[tilespmem:v8+s31+$0x0] =	vst.idx.add.f32.msk $0xffff, v2;
	v10 =	vshll.u32 v15, $0x4;
	v15 =	vor.u32 v0, v20  }
0xb2: {  	v11 =	vshll.u32 v11, $0x4;
	[tilespmem:v14+s31+$0x0] =	vst.idx.add.f32.msk $0xffff, v2;
	v10 =	vor.u32 v0, v10  }
0xb3: {  	[tilespmem:v9+s31+$0x0] =	vst.idx.add.f32.msk $0xffff, v2;
	v9 =	vor.u32 v0, v11;
	v11 =	vshll.u32 v12, $0x4  }
0xb4: {  	[tilespmem:v16+s31+$0x0] =	vst.idx.add.f32.msk $0xffff, v2;
	v11 =	vor.u32 v0, v11  }
0xb5: {  	[tilespmem:v13+s31+$0x0] =	vst.idx.add.f32.msk $0xffff, v2  }
0xb6: {  	[tilespmem:v15+s31+$0x0] =	vst.idx.add.f32.msk $0xffff, v2  }
0xb7: {  	[tilespmem:v10+s31+$0x0] =	vst.idx.add.f32.msk $0xffff, v2  }
0xb8: {  	s5 =	sadd.s32 @!p0 s7, s11;
	[tilespmem:v9+s31+$0x0] =	vst.idx.add.f32.msk $0xffff, v2  }
0xb9: {  	s14 =	simm.s32 @!p0 $0x200;
	s15 =	simm.s32 @!p0 $0x400;
	s20 =	simm.s32 @!p0 $0x4000;
	[tilespmem:v11+s31+$0x0] =	vst.idx.add.f32.msk $0xffff, v2  }
0xba: {  	[tilespmem:s20], [sflag:$0x2] =	stream.strided.gather @!p0 [hbm4b:s5+s14], $0x4000, s15, s14, $0x38;
	[tilespmem:$0x11400] =	vst v63  }
0xbb: {  	s14 =	simm.s32 $0x0;
	_ =	swait.ge [sflag:s1], $0x4000  }
0xbc: {  	s15 =	sand.u32 $0x3E00, s14;
	s5 =	sand.u32 $0x180, s14;
	[sflag:s1] =	ssyncset.done $0x0  }
0xbd: {  	s5 =	sor.u32 s5, s15;
	[sflag:s1] =	ssyncadd.s32 $0xFFFFC000  }
0xbe: {  	v8 =	vld [tilespmem:s5+$0x8000]  }
0xbf: {  	v9 =	vld [tilespmem:s5+$0x8040]  }
0xc0: {  	v10 =	vld [tilespmem:s5+$0x8020]  }
0xc1: {  	v11 =	vld [tilespmem:s5+$0x8070]  }
0xc2: {  	v13 =	vld [tilespmem:s5+$0x8050]  }
0xc3: {  	v12 =	vld [tilespmem:s5+$0x8060]  }
0xc4: {  	v14 =	vld [tilespmem:s5+$0x8010]  }
0xc5: {  	v8 =	vsub.f32 v8, v6  }
0xc6: {  	v9 =	vsub.f32 v9, v6;
	v10 =	vsub.f32 v10, v6  }
0xc7: {  	s21 =	simm.s32 $0x4;
	s20 =	simm.s32 $0x200;
	v11 =	vsub.f32 v11, v6;
	v13 =	vsub.f32 v13, v6  }
0xc8: {  	s14 =	sand.u32 $0x3E00, s20;
	s15 =	sand.u32 $0x180, s21;
	v12 =	vsub.f32 v12, v6;
	v8 =	vmul.f32 v8, v7;
	v9 =	vmul.f32 v9, v7  }
0xc9: {  	s15 =	sor.u32 s15, s14;
	v14 =	vsub.f32 v14, v6;
	v10 =	vmul.f32 v10, v7;
	v11 =	vmul.f32 v11, v7  }
0xca: {  	v17 =	vld [tilespmem:s15+$0x8040];
	v13 =	vmul.f32 v13, v7;
	v12 =	vmul.f32 v12, v7  }
0xcb: {  	v14 =	vmul.f32 v14, v7;
	v8 =	vtrunc.f32 v8  }
0xcc: {  	v18 =	vld [tilespmem:s5+$0x8030];
	v9 =	vtrunc.f32 v9;
	v10 =	vtrunc.f32 v10  }
0xcd: {  	v22 =	vld [tilespmem:s15+$0x8070];
	v11 =	vtrunc.f32 v11;
	v13 =	vtrunc.f32 v13  }
0xce: {  	v8 =	vcvt.f32.s32 v8;
	v10 =	vcvt.f32.s32 v10  }
0xcf: {  	v15 =	vld [tilespmem:s15+$0x8000];
	v17 =	vsub.f32 v17, v6;
	v21 =	vtrunc.f32 v12;
	v14 =	vtrunc.f32 v14  }
0xd0: {  	v23 =	vshll.u32 v8, $0x4;
	v8 =	vcvt.f32.s32 v11;
	v11 =	vld [tilespmem:s15+$0x8020];
	v10 =	vshll.u32 v10, $0x4  }
0xd1: {  	v12 =	vcvt.f32.s32 v9;
	v13 =	vcvt.f32.s32 v13;
	v10 =	vor.u32 v0, v10  }
0xd2: {  	v18 =	vsub.f32 v18, v6;
	v22 =	vsub.f32 v22, v6;
	v14 =	vcvt.f32.s32 v14  }
0xd3: {  	v24 =	vshll.u32 v12, $0x4;
	v13 =	vshll.u32 v13, $0x4;
	v8 =	vshll.u32 v8, $0x4  }
0xd4: {  	v12 =	vld [tilespmem:s15+$0x8030];
	v14 =	vshll.u32 v14, $0x4;
	v9 =	vor.u32 v0, v8;
	v8 =	vsub.f32 v15, v6  }
0xd5: {  	v14 =	vor.u32 v0, v14;
	v15 =	vor.u32 v0, v13;
	v16 =	vsub.f32 v11, v6;
	v11 =	vld [tilespmem:s15+$0x8060]  }
0xd6: {  	v8 =	vmul.f32 v8, v7;
	[tilespmem:v10+s31+$0x0] =	vst.idx.add.f32.msk $0xffff, v2;
	v10 =	vmul.f32 v17, v7  }
0xd7: {  	v19 =	vmul.f32 v18, v7;
	v21 =	vcvt.f32.s32 v21;
	v13 =	vor.u32 v0, v23;
	v17 =	vld [tilespmem:s15+$0x8050]  }
0xd8: {  	s20 =	simm.s32 $0x8;
	s14 =	simm.s32 $0x8;
	v18 =	vld [tilespmem:s15+$0x8010];
	s15 =	simm.s32 $0x400;
	v20 =	vtrunc.f32 v8;
	v8 =	vor.u32 v0, v24;
	v10 =	vtrunc.f32 v10  }
.LBB2_9:
0xd9: {  	s5 =	sand.u32 $0x3E00, s15;
	s21 =	sand.u32 $0x180, s20;
	s14 =	sadd.s32 $0x8, s14;
	v20 =	vcvt.f32.s32 v20;
	v16 =	vmul.f32 v16, v7;
	v21 =	vshll.u32 v21, $0x4;
	[tilespmem:v9+s31+$0x0] =	vst.idx.add.f32.msk $0xffff, v2;
	v23 =	vmovc v12  }
0xda: {  	v12 =	vtrunc.f32 v19;
	s21 =	sor.u32 s21, s5;
	p1 =	slt.u32 s14, $0x3F8;
	v9 =	vmul.f32 v22, v7;
	[tilespmem:v15+s31+$0x0] =	vst.idx.add.f32.msk $0xffff, v2;
	v15 =	vor.u32 v0, v21  }
0xdb: {  	v12 =	vcvt.f32.s32 v12;
	v24 =	vshll.u32 v20, $0x4;
	v16 =	vtrunc.f32 v16;
	[tilespmem:v14+s31+$0x0] =	vst.idx.add.f32.msk $0xffff, v2  }
0xdc: {  	v11 =	vsub.f32 v11, v6;
	v14 =	vld [tilespmem:s21+$0x8000];
	v17 =	vsub.f32 v17, v6;
	v9 =	vtrunc.f32 v9  }
0xdd: {  	v16 =	vcvt.f32.s32 v16;
	v19 =	vld [tilespmem:s21+$0x8040];
	v18 =	vsub.f32 v18, v6;
	v9 =	vcvt.f32.s32 v9  }
0xde: {  	v11 =	vmul.f32 v11, v7;
	v12 =	vshll.u32 v12, $0x4;
	v20 =	vld [tilespmem:s21+$0x8020];
	v17 =	vmul.f32 v17, v7  }
0xdf: {  	v16 =	vshll.u32 v16, $0x4;
	v18 =	vmul.f32 v18, v7;
	v9 =	vshll.u32 v9, $0x4;
	[tilespmem:v13+s31+$0x0] =	vst.idx.add.f32.msk $0xffff, v2  }
0xe0: {  	v21 =	vtrunc.f32 v11;
	v13 =	vor.u32 v0, v16;
	v16 =	vtrunc.f32 v17;
	[tilespmem:v8+s31+$0x0] =	vst.idx.add.f32.msk $0xffff, v2  }
0xe1: {  	v8 =	vcvt.f32.s32 v10;
	v9 =	vor.u32 v0, v9;
	v10 =	vor.u32 v0, v12;
	v22 =	vld [tilespmem:s21+$0x8070]  }
0xe2: {  	v12 =	vsub.f32 v14, v6;
	v14 =	vtrunc.f32 v18;
	v17 =	vcvt.f32.s32 v16;
	v11 =	vld [tilespmem:s21+$0x8060]  }
0xe3: {  	v14 =	vcvt.f32.s32 v14;
	v8 =	vshll.u32 v8, $0x4;
	v16 =	vsub.f32 v20, v6;
	[tilespmem:v15+s31+$0x0] =	vst.idx.add.f32.msk $0xffff, v2  }
.Ltmp3:
0xe4: {  	v19 =	vsub.f32 v19, v6;
	v18 =	vmul.f32 v12, v7;
	v15 =	vshll.u32 v17, $0x4;
	v12 =	vld [tilespmem:s21+$0x8030];
	(pc) =	sbr.rel @p1 .LBB2_9-.Ltmp3, $4  }
0xe5: {  	v14 =	vshll.u32 v14, $0x4;
	v15 =	vor.u32 v0, v15;
	[tilespmem:v13+s31+$0x0] =	vst.idx.add.f32.msk $0xffff, v2;
	v13 =	vsub.f32 v23, v6  }
0xe6: {  	v20 =	vtrunc.f32 v18;
	v23 =	vmul.f32 v19, v7;
	v14 =	vor.u32 v0, v14;
	[tilespmem:v10+s31+$0x0] =	vst.idx.add.f32.msk $0xffff, v2  }
0xe7: {  	v21 =	vcvt.f32.s32 v21;
	v8 =	vor.u32 v0, v8;
	v17 =	vld [tilespmem:s21+$0x8050];
	v19 =	vmul.f32 v13, v7  }
0xe8: {  	s15 =	sadd.s32 $0x200, s15;
	s20 =	sadd.s32 $0x4, s20;
	v22 =	vsub.f32 v22, v6;
	v10 =	vtrunc.f32 v23;
	v13 =	vor.u32 v0, v24;
	v18 =	vld [tilespmem:s21+$0x8010]  }
0xe9: {  	_ =	sdelay $0x1  }
0xea: {  	v20 =	vcvt.f32.s32 v20;
	v16 =	vmul.f32 v16, v7  }
0xeb: {  	v21 =	vshll.u32 v21, $0x4;
	v19 =	vtrunc.f32 v19;
	v11 =	vsub.f32 v11, v6  }
0xec: {  	v12 =	vsub.f32 v12, v6;
	[tilespmem:v8+s31+$0x0] =	vst.idx.add.f32.msk $0xffff, v2;
	v8 =	vcvt.f32.s32 v10;
	v22 =	vmul.f32 v22, v7  }
0xed: {  	v21 =	vor.u32 v0, v21;
	v19 =	vcvt.f32.s32 v19;
	v16 =	vtrunc.f32 v16  }
0xee: {  	v20 =	vshll.u32 v20, $0x4;
	v11 =	vmul.f32 v11, v7;
	v17 =	vsub.f32 v17, v6  }
0xef: {  	v12 =	vmul.f32 v12, v7;
	v8 =	vshll.u32 v8, $0x4;
	v22 =	vtrunc.f32 v22  }
0xf0: {  	v16 =	vcvt.f32.s32 v16;
	v18 =	vsub.f32 v18, v6;
	v17 =	vmul.f32 v17, v7  }
0xf1: {  	v19 =	vshll.u32 v19, $0x4;
	v22 =	vcvt.f32.s32 v22;
	v11 =	vtrunc.f32 v11  }
0xf2: {  	[tilespmem:v9+s31+$0x0] =	vst.idx.add.f32.msk $0xffff, v2;
	v8 =	vor.u32 v0, v8;
	v18 =	vmul.f32 v18, v7;
	v17 =	vtrunc.f32 v17  }
0xf3: {  	[tilespmem:v14+s31+$0x0] =	vst.idx.add.f32.msk $0xffff, v2;
	v14 =	vor.u32 v0, v19;
	v9 =	vshll.u32 v22, $0x4;
	v17 =	vcvt.f32.s32 v17  }
0xf4: {  	[tilespmem:v15+s31+$0x0] =	vst.idx.add.f32.msk $0xffff, v2;
	v16 =	vshll.u32 v16, $0x4;
	v9 =	vor.u32 v0, v9;
	v15 =	vtrunc.f32 v18  }
0xf5: {  	[tilespmem:v13+s31+$0x0] =	vst.idx.add.f32.msk $0xffff, v2;
	v16 =	vor.u32 v0, v16;
	v15 =	vcvt.f32.s32 v15;
	v13 =	vshll.u32 v17, $0x4  }
0xf6: {  	v12 =	vtrunc.f32 v12;
	v11 =	vcvt.f32.s32 v11;
	[tilespmem:v21+s31+$0x0] =	vst.idx.add.f32.msk $0xffff, v2;
	v13 =	vor.u32 v0, v13  }
0xf7: {  	v12 =	vcvt.f32.s32 v12;
	[tilespmem:v8+s31+$0x0] =	vst.idx.add.f32.msk $0xffff, v2;
	v10 =	vshll.u32 v15, $0x4;
	v15 =	vor.u32 v0, v20  }
0xf8: {  	v11 =	vshll.u32 v11, $0x4;
	[tilespmem:v14+s31+$0x0] =	vst.idx.add.f32.msk $0xffff, v2;
	v10 =	vor.u32 v0, v10  }
0xf9: {  	[tilespmem:v9+s31+$0x0] =	vst.idx.add.f32.msk $0xffff, v2;
	v9 =	vor.u32 v0, v11;
	v11 =	vshll.u32 v12, $0x4  }
0xfa: {  	[tilespmem:v16+s31+$0x0] =	vst.idx.add.f32.msk $0xffff, v2;
	v11 =	vor.u32 v0, v11  }
0xfb: {  	[tilespmem:v13+s31+$0x0] =	vst.idx.add.f32.msk $0xffff, v2  }
0xfc: {  	[tilespmem:v15+s31+$0x0] =	vst.idx.add.f32.msk $0xffff, v2  }
0xfd: {  	[tilespmem:v10+s31+$0x0] =	vst.idx.add.f32.msk $0xffff, v2  }
0xfe: {  	s5 =	sadd.s32 @!p0 s7, s12;
	[tilespmem:v9+s31+$0x0] =	vst.idx.add.f32.msk $0xffff, v2  }
0xff: {  	s7 =	simm.s32 @!p0 $0x200;
	s14 =	simm.s32 @!p0 $0x400;
	s15 =	simm.s32 @!p0 $0x8000;
	[tilespmem:v11+s31+$0x0] =	vst.idx.add.f32.msk $0xffff, v2  }
0x100: {  	[tilespmem:s15], [sflag:$0x3] =	stream.strided.gather @!p0 [hbm4b:s5+s7], $0x4000, s14, s7, $0x38;
	[tilespmem:$0x11400] =	vst v63  }
0x101: {  	s14 =	simm.s32 $0x0;
	_ =	swait.ge [sflag:s22], $0x4000  }
0x102: {  	s15 =	sand.u32 $0x3E00, s14;
	s5 =	sand.u32 $0x180, s14;
	[sflag:s22] =	ssyncset.done $0x0  }
0x103: {  	s5 =	sor.u32 s5, s15;
	[sflag:s22] =	ssyncadd.s32 $0xFFFFC000  }
0x104: {  	v8 =	vld [tilespmem:s5+$0xC000]  }
0x105: {  	v9 =	vld [tilespmem:s5+$0xC040]  }
0x106: {  	v10 =	vld [tilespmem:s5+$0xC020]  }
0x107: {  	v11 =	vld [tilespmem:s5+$0xC070]  }
0x108: {  	v13 =	vld [tilespmem:s5+$0xC050]  }
0x109: {  	v12 =	vld [tilespmem:s5+$0xC060]  }
0x10a: {  	v14 =	vld [tilespmem:s5+$0xC010]  }
0x10b: {  	v8 =	vsub.f32 v8, v6  }
0x10c: {  	v9 =	vsub.f32 v9, v6;
	v10 =	vsub.f32 v10, v6  }
0x10d: {  	s20 =	simm.s32 $0x200;
	s21 =	simm.s32 $0x4;
	v11 =	vsub.f32 v11, v6;
	v13 =	vsub.f32 v13, v6  }
0x10e: {  	s7 =	sand.u32 $0x3E00, s20;
	s14 =	sand.u32 $0x180, s21;
	v12 =	vsub.f32 v12, v6;
	v8 =	vmul.f32 v8, v7;
	v9 =	vmul.f32 v9, v7  }
0x10f: {  	s14 =	sor.u32 s14, s7;
	v14 =	vsub.f32 v14, v6;
	v10 =	vmul.f32 v10, v7;
	v11 =	vmul.f32 v11, v7  }
0x110: {  	v17 =	vld [tilespmem:s14+$0xC040];
	v13 =	vmul.f32 v13, v7;
	v12 =	vmul.f32 v12, v7  }
0x111: {  	v14 =	vmul.f32 v14, v7;
	v8 =	vtrunc.f32 v8  }
0x112: {  	v18 =	vld [tilespmem:s5+$0xC030];
	v9 =	vtrunc.f32 v9;
	v10 =	vtrunc.f32 v10  }
0x113: {  	v22 =	vld [tilespmem:s14+$0xC070];
	v11 =	vtrunc.f32 v11;
	v13 =	vtrunc.f32 v13  }
0x114: {  	v8 =	vcvt.f32.s32 v8;
	v10 =	vcvt.f32.s32 v10  }
0x115: {  	v15 =	vld [tilespmem:s14+$0xC000];
	v17 =	vsub.f32 v17, v6;
	v21 =	vtrunc.f32 v12;
	v14 =	vtrunc.f32 v14  }
0x116: {  	v23 =	vshll.u32 v8, $0x4;
	v8 =	vcvt.f32.s32 v11;
	v11 =	vld [tilespmem:s14+$0xC020];
	v10 =	vshll.u32 v10, $0x4  }
0x117: {  	v12 =	vcvt.f32.s32 v9;
	v13 =	vcvt.f32.s32 v13;
	v10 =	vor.u32 v0, v10  }
0x118: {  	v18 =	vsub.f32 v18, v6;
	v22 =	vsub.f32 v22, v6;
	v14 =	vcvt.f32.s32 v14  }
0x119: {  	v24 =	vshll.u32 v12, $0x4;
	v13 =	vshll.u32 v13, $0x4;
	v8 =	vshll.u32 v8, $0x4  }
0x11a: {  	v12 =	vld [tilespmem:s14+$0xC030];
	v14 =	vshll.u32 v14, $0x4;
	v9 =	vor.u32 v0, v8;
	v8 =	vsub.f32 v15, v6  }
0x11b: {  	v14 =	vor.u32 v0, v14;
	v15 =	vor.u32 v0, v13;
	v16 =	vsub.f32 v11, v6;
	v11 =	vld [tilespmem:s14+$0xC060]  }
0x11c: {  	v8 =	vmul.f32 v8, v7;
	[tilespmem:v10+s31+$0x0] =	vst.idx.add.f32.msk $0xffff, v2;
	v10 =	vmul.f32 v17, v7  }
0x11d: {  	v19 =	vmul.f32 v18, v7;
	v21 =	vcvt.f32.s32 v21;
	v13 =	vor.u32 v0, v23;
	v17 =	vld [tilespmem:s14+$0xC050]  }
0x11e: {  	s7 =	simm.s32 $0x8;
	s15 =	simm.s32 $0x8;
	v18 =	vld [tilespmem:s14+$0xC010];
	s14 =	simm.s32 $0x400;
	v20 =	vtrunc.f32 v8;
	v8 =	vor.u32 v0, v24;
	v10 =	vtrunc.f32 v10  }
.LBB2_11:
0x11f: {  	s5 =	sand.u32 $0x3E00, s14;
	s20 =	sand.u32 $0x180, s15;
	s7 =	sadd.s32 $0x8, s7;
	v20 =	vcvt.f32.s32 v20;
	v16 =	vmul.f32 v16, v7;
	v21 =	vshll.u32 v21, $0x4;
	[tilespmem:v9+s31+$0x0] =	vst.idx.add.f32.msk $0xffff, v2;
	v23 =	vmovc v12  }
0x120: {  	v12 =	vtrunc.f32 v19;
	s20 =	sor.u32 s20, s5;
	p0 =	slt.u32 s7, $0x3F8;
	v9 =	vmul.f32 v22, v7;
	[tilespmem:v15+s31+$0x0] =	vst.idx.add.f32.msk $0xffff, v2;
	v15 =	vor.u32 v0, v21  }
0x121: {  	v12 =	vcvt.f32.s32 v12;
	v24 =	vshll.u32 v20, $0x4;
	v16 =	vtrunc.f32 v16;
	[tilespmem:v14+s31+$0x0] =	vst.idx.add.f32.msk $0xffff, v2  }
0x122: {  	v11 =	vsub.f32 v11, v6;
	v14 =	vld [tilespmem:s20+$0xC000];
	v17 =	vsub.f32 v17, v6;
	v9 =	vtrunc.f32 v9  }
0x123: {  	v16 =	vcvt.f32.s32 v16;
	v19 =	vld [tilespmem:s20+$0xC040];
	v18 =	vsub.f32 v18, v6;
	v9 =	vcvt.f32.s32 v9  }
0x124: {  	v11 =	vmul.f32 v11, v7;
	v12 =	vshll.u32 v12, $0x4;
	v20 =	vld [tilespmem:s20+$0xC020];
	v17 =	vmul.f32 v17, v7  }
0x125: {  	v16 =	vshll.u32 v16, $0x4;
	v18 =	vmul.f32 v18, v7;
	v9 =	vshll.u32 v9, $0x4;
	[tilespmem:v13+s31+$0x0] =	vst.idx.add.f32.msk $0xffff, v2  }
0x126: {  	v21 =	vtrunc.f32 v11;
	v13 =	vor.u32 v0, v16;
	v16 =	vtrunc.f32 v17;
	[tilespmem:v8+s31+$0x0] =	vst.idx.add.f32.msk $0xffff, v2  }
0x127: {  	v8 =	vcvt.f32.s32 v10;
	v9 =	vor.u32 v0, v9;
	v10 =	vor.u32 v0, v12;
	v22 =	vld [tilespmem:s20+$0xC070]  }
0x128: {  	v12 =	vsub.f32 v14, v6;
	v14 =	vtrunc.f32 v18;
	v17 =	vcvt.f32.s32 v16;
	v11 =	vld [tilespmem:s20+$0xC060]  }
0x129: {  	v14 =	vcvt.f32.s32 v14;
	v8 =	vshll.u32 v8, $0x4;
	v16 =	vsub.f32 v20, v6;
	[tilespmem:v15+s31+$0x0] =	vst.idx.add.f32.msk $0xffff, v2  }
.Ltmp4:
0x12a: {  	v19 =	vsub.f32 v19, v6;
	v18 =	vmul.f32 v12, v7;
	v15 =	vshll.u32 v17, $0x4;
	v12 =	vld [tilespmem:s20+$0xC030];
	(pc) =	sbr.rel @p0 .LBB2_11-.Ltmp4, $4  }
0x12b: {  	v14 =	vshll.u32 v14, $0x4;
	v15 =	vor.u32 v0, v15;
	[tilespmem:v13+s31+$0x0] =	vst.idx.add.f32.msk $0xffff, v2;
	v13 =	vsub.f32 v23, v6  }
0x12c: {  	v20 =	vtrunc.f32 v18;
	v23 =	vmul.f32 v19, v7;
	v14 =	vor.u32 v0, v14;
	[tilespmem:v10+s31+$0x0] =	vst.idx.add.f32.msk $0xffff, v2  }
0x12d: {  	v21 =	vcvt.f32.s32 v21;
	v8 =	vor.u32 v0, v8;
	v17 =	vld [tilespmem:s20+$0xC050];
	v19 =	vmul.f32 v13, v7  }
0x12e: {  	s14 =	sadd.s32 $0x200, s14;
	s15 =	sadd.s32 $0x4, s15;
	v22 =	vsub.f32 v22, v6;
	v10 =	vtrunc.f32 v23;
	v13 =	vor.u32 v0, v24;
	v18 =	vld [tilespmem:s20+$0xC010]  }
0x12f: {  	_ =	sdelay $0x1  }
0x130: {  	v20 =	vcvt.f32.s32 v20;
	v16 =	vmul.f32 v16, v7  }
0x131: {  	v21 =	vshll.u32 v21, $0x4;
	v19 =	vtrunc.f32 v19;
	v11 =	vsub.f32 v11, v6  }
0x132: {  	v12 =	vsub.f32 v12, v6;
	[tilespmem:v8+s31+$0x0] =	vst.idx.add.f32.msk $0xffff, v2;
	v8 =	vcvt.f32.s32 v10;
	v22 =	vmul.f32 v22, v7  }
0x133: {  	v21 =	vor.u32 v0, v21;
	v19 =	vcvt.f32.s32 v19;
	v16 =	vtrunc.f32 v16  }
0x134: {  	v20 =	vshll.u32 v20, $0x4;
	v11 =	vmul.f32 v11, v7;
	v12 =	vmul.f32 v12, v7  }
0x135: {  	v8 =	vshll.u32 v8, $0x4;
	v17 =	vsub.f32 v17, v6;
	v22 =	vtrunc.f32 v22  }
0x136: {  	v16 =	vcvt.f32.s32 v16;
	v19 =	vshll.u32 v19, $0x4;
	v61 =	vor.u32 v0, v20  }
0x137: {  	v8 =	vor.u32 v0, v8;
	v18 =	vsub.f32 v18, v6;
	v22 =	vcvt.f32.s32 v22  }
0x138: {  	[tilespmem:v9+s31+$0x0] =	vst.idx.add.f32.msk $0xffff, v2;
	v11 =	vtrunc.f32 v11;
	v58 =	vor.u32 v0, v19;
	v12 =	vtrunc.f32 v12  }
0x139: {  	[tilespmem:v15+s31+$0x0] =	vst.idx.add.f32.msk $0xffff, v2;
	v17 =	vmul.f32 v17, v7;
	v16 =	vshll.u32 v16, $0x4;
	v11 =	vcvt.f32.s32 v11  }
0x13a: {  	[tilespmem:v14+s31+$0x0] =	vst.idx.add.f32.msk $0xffff, v2;
	v12 =	vcvt.f32.s32 v12;
	v18 =	vmul.f32 v18, v7;
	v56 =	vshll.u32 v22, $0x4  }
0x13b: {  	[tilespmem:v13+s31+$0x0] =	vst.idx.add.f32.msk $0xffff, v2;
	v16 =	vor.u32 v0, v16;
	v17 =	vtrunc.f32 v17;
	v9 =	vor.u32 v0, v56  }
0x13c: {  	[tilespmem:v21+s31+$0x0] =	vst.idx.add.f32.msk $0xffff, v2;
	v11 =	vshll.u32 v11, $0x4;
	v57 =	vtrunc.f32 v18;
	v17 =	vcvt.f32.s32 v17  }
0x13d: {  	v63 =	vshll.u32 v12, $0x4;
	v62 =	vor.u32 v0, v11;
	[tilespmem:v61+s31+$0x0] =	vst.idx.add.f32.msk $0xffff, v2;
	v15 =	vcvt.f32.s32 v57  }
0x13e: {  	v11 =	vor.u32 v0, v63;
	[tilespmem:v8+s31+$0x0] =	vst.idx.add.f32.msk $0xffff, v2;
	v59 =	vshll.u32 v17, $0x4  }
0x13f: {  	s6 =	sadd.s32 $0x1, s6;
	[tilespmem:v58+s31+$0x0] =	vst.idx.add.f32.msk $0xffff, v2;
	v60 =	vshll.u32 v15, $0x4;
	v13 =	vor.u32 v0, v59  }
0x140: {  	p0 =	sne.s32 s6, $0x8;
	[tilespmem:v16+s31+$0x0] =	vst.idx.add.f32.msk $0xffff, v2;
	v10 =	vor.u32 v0, v60  }
.Ltmp5:
0x141: {  	[tilespmem:v9+s31+$0x0] =	vst.idx.add.f32.msk $0xffff, v2;
	(pc) =	sbr.rel @p0 .LBB2_4-.Ltmp5, $4  }
0x142: {  	[tilespmem:v62+s31+$0x0] =	vst.idx.add.f32.msk $0xffff, v2  }
0x143: {  	[tilespmem:v11+s31+$0x0] =	vst.idx.add.f32.msk $0xffff, v2  }
0x144: {  	[tilespmem:v13+s31+$0x0] =	vst.idx.add.f32.msk $0xffff, v2  }
0x145: {  	[tilespmem:v10+s31+$0x0] =	vst.idx.add.f32.msk $0xffff, v2  }
0x146: {  	s28 =	simm.s32 $0x0  }
0x147: {  	[tilespmem:s28], [sflag:$0x1] =	stream.strided.gather [hbm4b:s13+s24], $0x4000, s25, s24, $0x38;
	[tilespmem:$0x11400] =	vst v63  }
0x148: {  	s5 =	rddreg [dreg:$0x8];
	s6 =	simm.s32 $0x4000  }
0x149: {  	[tilespmem:s6], [sflag:$0x2] =	stream.strided.gather [hbm4b:s5+s24], $0x4000, s25, s24, $0x38;
	[tilespmem:$0x11400] =	vst v63  }
0x14a: {  	s20 =	rddreg [dreg:$0x9];
	s21 =	simm.s32 $0x8000;
	s6 =	simm.s32 $0x0  }
0x14b: {  	[tilespmem:s21], [sflag:$0x3] =	stream.strided.gather [hbm4b:s20+s24], $0x4000, s25, s24, $0x38;
	[tilespmem:$0x11400] =	vst v63  }
.LBB2_14:
0x14c: {  	s7 =	sshll.u32 s6, $0xD  }
0x14d: {  	s5 =	sor.u32 s7, s10  }
0x14e: {  	s5 =	sadd.s32 s5, s16  }
0x14f: {  	[tilespmem:s29], [sflag:$0x4] =	stream.strided.gather [hbm4b:s5+s24], $0x4000, s25, s24, $0x38;
	[tilespmem:$0x11400] =	vst v63  }
0x150: {  	_ =	swait.ge [sflag:s30], $0x4000  }
0x151: {  	s20 =	sand.u32 $0x3E00, s28;
	s14 =	sand.u32 $0x180, s28;
	[sflag:s30] =	ssyncset.done $0x0  }
0x152: {  	s5 =	sor.u32 s14, s20;
	[sflag:s30] =	ssyncadd.s32 $0xFFFFC000  }
0x153: {  	v6 =	vld [tilespmem:s5+$0x0]  }
0x154: {  	v7 =	vld [tilespmem:s5+$0x40]  }
0x155: {  	v8 =	vld [tilespmem:s5+$0x20]  }
0x156: {  	v9 =	vld [tilespmem:s5+$0x70]  }
0x157: {  	v11 =	vld [tilespmem:s5+$0x50]  }
0x158: {  	v10 =	vld [tilespmem:s5+$0x60]  }
0x159: {  	v12 =	vld [tilespmem:s5+$0x10]  }
0x15a: {  	v6 =	vsub.f32 v6, v4  }
0x15b: {  	v7 =	vsub.f32 v7, v4;
	v8 =	vsub.f32 v8, v4  }
0x15c: {  	s21 =	simm.s32 $0x200;
	s15 =	simm.s32 $0x4;
	v9 =	vsub.f32 v9, v4;
	v11 =	vsub.f32 v11, v4  }
0x15d: {  	s15 =	sand.u32 $0x180, s15;
	s14 =	sand.u32 $0x3E00, s21;
	v10 =	vsub.f32 v10, v4;
	v6 =	vmul.f32 v6, v5;
	v7 =	vmul.f32 v7, v5  }
0x15e: {  	s15 =	sor.u32 s15, s14;
	v12 =	vsub.f32 v12, v4;
	v8 =	vmul.f32 v8, v5;
	v9 =	vmul.f32 v9, v5  }
0x15f: {  	v15 =	vld [tilespmem:s15+$0x40];
	v11 =	vmul.f32 v11, v5;
	v10 =	vmul.f32 v10, v5  }
0x160: {  	v12 =	vmul.f32 v12, v5;
	v6 =	vtrunc.f32 v6  }
0x161: {  	v16 =	vld [tilespmem:s5+$0x30];
	v7 =	vtrunc.f32 v7;
	v8 =	vtrunc.f32 v8  }
0x162: {  	v20 =	vld [tilespmem:s15+$0x70];
	v9 =	vtrunc.f32 v9;
	v11 =	vtrunc.f32 v11  }
0x163: {  	v6 =	vcvt.f32.s32 v6;
	v8 =	vcvt.f32.s32 v8  }
0x164: {  	v13 =	vld [tilespmem:s15+$0x0];
	v15 =	vsub.f32 v15, v4;
	v19 =	vtrunc.f32 v10;
	v12 =	vtrunc.f32 v12  }
0x165: {  	v21 =	vshll.u32 v6, $0x4;
	v6 =	vcvt.f32.s32 v9;
	v9 =	vld [tilespmem:s15+$0x20];
	v8 =	vshll.u32 v8, $0x4  }
0x166: {  	v10 =	vcvt.f32.s32 v7;
	v11 =	vcvt.f32.s32 v11;
	v8 =	vor.u32 v0, v8  }
0x167: {  	v16 =	vsub.f32 v16, v4;
	v20 =	vsub.f32 v20, v4;
	v12 =	vcvt.f32.s32 v12  }
0x168: {  	v22 =	vshll.u32 v10, $0x4;
	v11 =	vshll.u32 v11, $0x4;
	v6 =	vshll.u32 v6, $0x4  }
0x169: {  	v10 =	vld [tilespmem:s15+$0x30];
	v12 =	vshll.u32 v12, $0x4;
	v7 =	vor.u32 v0, v6;
	v6 =	vsub.f32 v13, v4  }
0x16a: {  	v12 =	vor.u32 v0, v12;
	v13 =	vor.u32 v0, v11;
	v14 =	vsub.f32 v9, v4;
	v9 =	vld [tilespmem:s15+$0x60]  }
0x16b: {  	v6 =	vmul.f32 v6, v5;
	[tilespmem:v8+s2+$0x0] =	vst.idx.add.f32.msk $0xffff, v2;
	v8 =	vmul.f32 v15, v5  }
0x16c: {  	v17 =	vmul.f32 v16, v5;
	v19 =	vcvt.f32.s32 v19;
	v11 =	vor.u32 v0, v21;
	v15 =	vld [tilespmem:s15+$0x50]  }
0x16d: {  	s20 =	simm.s32 $0x8;
	s14 =	simm.s32 $0x8;
	v16 =	vld [tilespmem:s15+$0x10];
	s15 =	simm.s32 $0x400;
	v18 =	vtrunc.f32 v6;
	v6 =	vor.u32 v0, v22;
	v8 =	vtrunc.f32 v8  }
.LBB2_15:
0x16e: {  	s5 =	sand.u32 $0x3E00, s15;
	s21 =	sand.u32 $0x180, s20;
	s14 =	sadd.s32 $0x8, s14;
	v18 =	vcvt.f32.s32 v18;
	v14 =	vmul.f32 v14, v5;
	v19 =	vshll.u32 v19, $0x4;
	[tilespmem:v7+s2+$0x0] =	vst.idx.add.f32.msk $0xffff, v2;
	v21 =	vmovc v10  }
0x16f: {  	v10 =	vtrunc.f32 v17;
	s21 =	sor.u32 s21, s5;
	p0 =	slt.u32 s14, $0x3F8;
	v7 =	vmul.f32 v20, v5;
	[tilespmem:v13+s2+$0x0] =	vst.idx.add.f32.msk $0xffff, v2;
	v13 =	vor.u32 v0, v19  }
0x170: {  	v10 =	vcvt.f32.s32 v10;
	v22 =	vshll.u32 v18, $0x4;
	v14 =	vtrunc.f32 v14;
	[tilespmem:v12+s2+$0x0] =	vst.idx.add.f32.msk $0xffff, v2  }
0x171: {  	v9 =	vsub.f32 v9, v4;
	v12 =	vld [tilespmem:s21+$0x0];
	v15 =	vsub.f32 v15, v4;
	v7 =	vtrunc.f32 v7  }
0x172: {  	v14 =	vcvt.f32.s32 v14;
	v17 =	vld [tilespmem:s21+$0x40];
	v16 =	vsub.f32 v16, v4;
	v7 =	vcvt.f32.s32 v7  }
0x173: {  	v9 =	vmul.f32 v9, v5;
	v10 =	vshll.u32 v10, $0x4;
	v18 =	vld [tilespmem:s21+$0x20];
	v15 =	vmul.f32 v15, v5  }
0x174: {  	v14 =	vshll.u32 v14, $0x4;
	v16 =	vmul.f32 v16, v5;
	v7 =	vshll.u32 v7, $0x4;
	[tilespmem:v11+s2+$0x0] =	vst.idx.add.f32.msk $0xffff, v2  }
0x175: {  	v19 =	vtrunc.f32 v9;
	v11 =	vor.u32 v0, v14;
	v14 =	vtrunc.f32 v15;
	[tilespmem:v6+s2+$0x0] =	vst.idx.add.f32.msk $0xffff, v2  }
0x176: {  	v6 =	vcvt.f32.s32 v8;
	v7 =	vor.u32 v0, v7;
	v8 =	vor.u32 v0, v10;
	v20 =	vld [tilespmem:s21+$0x70]  }
0x177: {  	v10 =	vsub.f32 v12, v4;
	v12 =	vtrunc.f32 v16;
	v15 =	vcvt.f32.s32 v14;
	v9 =	vld [tilespmem:s21+$0x60]  }
0x178: {  	v12 =	vcvt.f32.s32 v12;
	v6 =	vshll.u32 v6, $0x4;
	v14 =	vsub.f32 v18, v4;
	[tilespmem:v13+s2+$0x0] =	vst.idx.add.f32.msk $0xffff, v2  }
.Ltmp6:
0x179: {  	v17 =	vsub.f32 v17, v4;
	v16 =	vmul.f32 v10, v5;
	v13 =	vshll.u32 v15, $0x4;
	v10 =	vld [tilespmem:s21+$0x30];
	(pc) =	sbr.rel @p0 .LBB2_15-.Ltmp6, $4  }
0x17a: {  	v12 =	vshll.u32 v12, $0x4;
	v13 =	vor.u32 v0, v13;
	[tilespmem:v11+s2+$0x0] =	vst.idx.add.f32.msk $0xffff, v2;
	v11 =	vsub.f32 v21, v4  }
0x17b: {  	v18 =	vtrunc.f32 v16;
	v21 =	vmul.f32 v17, v5;
	v12 =	vor.u32 v0, v12;
	[tilespmem:v8+s2+$0x0] =	vst.idx.add.f32.msk $0xffff, v2  }
0x17c: {  	v19 =	vcvt.f32.s32 v19;
	v6 =	vor.u32 v0, v6;
	v15 =	vld [tilespmem:s21+$0x50];
	v17 =	vmul.f32 v11, v5  }
0x17d: {  	s15 =	sadd.s32 $0x200, s15;
	s20 =	sadd.s32 $0x4, s20;
	v20 =	vsub.f32 v20, v4;
	v8 =	vtrunc.f32 v21;
	v11 =	vor.u32 v0, v22;
	v16 =	vld [tilespmem:s21+$0x10]  }
0x17e: {  	_ =	sdelay $0x1  }
0x17f: {  	v18 =	vcvt.f32.s32 v18;
	v14 =	vmul.f32 v14, v5  }
0x180: {  	v19 =	vshll.u32 v19, $0x4;
	v17 =	vtrunc.f32 v17;
	v9 =	vsub.f32 v9, v4  }
0x181: {  	v10 =	vsub.f32 v10, v4;
	[tilespmem:v6+s2+$0x0] =	vst.idx.add.f32.msk $0xffff, v2;
	v6 =	vcvt.f32.s32 v8;
	v20 =	vmul.f32 v20, v5  }
0x182: {  	v19 =	vor.u32 v0, v19;
	v17 =	vcvt.f32.s32 v17;
	v14 =	vtrunc.f32 v14  }
0x183: {  	v18 =	vshll.u32 v18, $0x4;
	v9 =	vmul.f32 v9, v5;
	v15 =	vsub.f32 v15, v4  }
0x184: {  	v10 =	vmul.f32 v10, v5;
	v6 =	vshll.u32 v6, $0x4;
	v20 =	vtrunc.f32 v20  }
0x185: {  	v14 =	vcvt.f32.s32 v14;
	v16 =	vsub.f32 v16, v4;
	v15 =	vmul.f32 v15, v5  }
0x186: {  	v17 =	vshll.u32 v17, $0x4;
	v20 =	vcvt.f32.s32 v20;
	v9 =	vtrunc.f32 v9  }
0x187: {  	[tilespmem:v7+s2+$0x0] =	vst.idx.add.f32.msk $0xffff, v2;
	v6 =	vor.u32 v0, v6;
	v16 =	vmul.f32 v16, v5;
	v15 =	vtrunc.f32 v15  }
0x188: {  	[tilespmem:v12+s2+$0x0] =	vst.idx.add.f32.msk $0xffff, v2;
	v12 =	vor.u32 v0, v17;
	v7 =	vshll.u32 v20, $0x4;
	v15 =	vcvt.f32.s32 v15  }
0x189: {  	[tilespmem:v13+s2+$0x0] =	vst.idx.add.f32.msk $0xffff, v2;
	v14 =	vshll.u32 v14, $0x4;
	v7 =	vor.u32 v0, v7;
	v13 =	vtrunc.f32 v16  }
0x18a: {  	[tilespmem:v11+s2+$0x0] =	vst.idx.add.f32.msk $0xffff, v2;
	v14 =	vor.u32 v0, v14;
	v13 =	vcvt.f32.s32 v13;
	v11 =	vshll.u32 v15, $0x4  }
0x18b: {  	v10 =	vtrunc.f32 v10;
	v9 =	vcvt.f32.s32 v9;
	[tilespmem:v19+s2+$0x0] =	vst.idx.add.f32.msk $0xffff, v2;
	v11 =	vor.u32 v0, v11  }
0x18c: {  	v10 =	vcvt.f32.s32 v10;
	[tilespmem:v6+s2+$0x0] =	vst.idx.add.f32.msk $0xffff, v2;
	v8 =	vshll.u32 v13, $0x4;
	v13 =	vor.u32 v0, v18  }
0x18d: {  	v9 =	vshll.u32 v9, $0x4;
	[tilespmem:v12+s2+$0x0] =	vst.idx.add.f32.msk $0xffff, v2;
	v8 =	vor.u32 v0, v8  }
0x18e: {  	[tilespmem:v7+s2+$0x0] =	vst.idx.add.f32.msk $0xffff, v2;
	v7 =	vor.u32 v0, v9;
	v9 =	vshll.u32 v10, $0x4  }
0x18f: {  	[tilespmem:v14+s2+$0x0] =	vst.idx.add.f32.msk $0xffff, v2;
	v9 =	vor.u32 v0, v9  }
0x190: {  	[tilespmem:v11+s2+$0x0] =	vst.idx.add.f32.msk $0xffff, v2  }
0x191: {  	[tilespmem:v13+s2+$0x0] =	vst.idx.add.f32.msk $0xffff, v2  }
0x192: {  	p0 =	seq.s32 s6, $0x3;
	[tilespmem:v8+s2+$0x0] =	vst.idx.add.f32.msk $0xffff, v2  }
0x193: {  	s5 =	sadd.s32 @!p0 s7, s17;
	[tilespmem:v7+s2+$0x0] =	vst.idx.add.f32.msk $0xffff, v2  }
0x194: {  	s14 =	simm.s32 @!p0 $0x200;
	s15 =	simm.s32 @!p0 $0x400;
	s20 =	simm.s32 @!p0 $0x0;
	[tilespmem:v9+s2+$0x0] =	vst.idx.add.f32.msk $0xffff, v2  }
0x195: {  	[tilespmem:s20], [sflag:$0x1] =	stream.strided.gather @!p0 [hbm4b:s5+s14], $0x4000, s15, s14, $0x38;
	[tilespmem:$0x11400] =	vst v63  }
0x196: {  	s14 =	simm.s32 $0x0;
	_ =	swait.ge [sflag:s0], $0x4000  }
0x197: {  	s15 =	sand.u32 $0x3E00, s14;
	s5 =	sand.u32 $0x180, s14;
	[sflag:s0] =	ssyncset.done $0x0  }
0x198: {  	s5 =	sor.u32 s5, s15;
	[sflag:s0] =	ssyncadd.s32 $0xFFFFC000  }
0x199: {  	v6 =	vld [tilespmem:s5+$0x4000]  }
0x19a: {  	v7 =	vld [tilespmem:s5+$0x4040]  }
0x19b: {  	v8 =	vld [tilespmem:s5+$0x4020]  }
0x19c: {  	v9 =	vld [tilespmem:s5+$0x4070]  }
0x19d: {  	v11 =	vld [tilespmem:s5+$0x4050]  }
0x19e: {  	v10 =	vld [tilespmem:s5+$0x4060]  }
0x19f: {  	v12 =	vld [tilespmem:s5+$0x4010]  }
0x1a0: {  	v6 =	vsub.f32 v6, v4  }
0x1a1: {  	v7 =	vsub.f32 v7, v4;
	v8 =	vsub.f32 v8, v4  }
0x1a2: {  	s21 =	simm.s32 $0x4;
	s20 =	simm.s32 $0x200;
	v9 =	vsub.f32 v9, v4;
	v11 =	vsub.f32 v11, v4  }
0x1a3: {  	s14 =	sand.u32 $0x3E00, s20;
	s15 =	sand.u32 $0x180, s21;
	v10 =	vsub.f32 v10, v4;
	v6 =	vmul.f32 v6, v5;
	v7 =	vmul.f32 v7, v5  }
0x1a4: {  	s15 =	sor.u32 s15, s14;
	v12 =	vsub.f32 v12, v4;
	v8 =	vmul.f32 v8, v5;
	v9 =	vmul.f32 v9, v5  }
0x1a5: {  	v15 =	vld [tilespmem:s15+$0x4040];
	v11 =	vmul.f32 v11, v5;
	v10 =	vmul.f32 v10, v5  }
0x1a6: {  	v12 =	vmul.f32 v12, v5;
	v6 =	vtrunc.f32 v6  }
0x1a7: {  	v16 =	vld [tilespmem:s5+$0x4030];
	v7 =	vtrunc.f32 v7;
	v8 =	vtrunc.f32 v8  }
0x1a8: {  	v20 =	vld [tilespmem:s15+$0x4070];
	v9 =	vtrunc.f32 v9;
	v11 =	vtrunc.f32 v11  }
0x1a9: {  	v6 =	vcvt.f32.s32 v6;
	v8 =	vcvt.f32.s32 v8  }
0x1aa: {  	v13 =	vld [tilespmem:s15+$0x4000];
	v15 =	vsub.f32 v15, v4;
	v19 =	vtrunc.f32 v10;
	v12 =	vtrunc.f32 v12  }
0x1ab: {  	v21 =	vshll.u32 v6, $0x4;
	v6 =	vcvt.f32.s32 v9;
	v9 =	vld [tilespmem:s15+$0x4020];
	v8 =	vshll.u32 v8, $0x4  }
0x1ac: {  	v10 =	vcvt.f32.s32 v7;
	v11 =	vcvt.f32.s32 v11;
	v8 =	vor.u32 v0, v8  }
0x1ad: {  	v16 =	vsub.f32 v16, v4;
	v20 =	vsub.f32 v20, v4;
	v12 =	vcvt.f32.s32 v12  }
0x1ae: {  	v22 =	vshll.u32 v10, $0x4;
	v11 =	vshll.u32 v11, $0x4;
	v6 =	vshll.u32 v6, $0x4  }
0x1af: {  	v10 =	vld [tilespmem:s15+$0x4030];
	v12 =	vshll.u32 v12, $0x4;
	v7 =	vor.u32 v0, v6;
	v6 =	vsub.f32 v13, v4  }
0x1b0: {  	v12 =	vor.u32 v0, v12;
	v13 =	vor.u32 v0, v11;
	v14 =	vsub.f32 v9, v4;
	v9 =	vld [tilespmem:s15+$0x4060]  }
0x1b1: {  	v6 =	vmul.f32 v6, v5;
	[tilespmem:v8+s2+$0x0] =	vst.idx.add.f32.msk $0xffff, v2;
	v8 =	vmul.f32 v15, v5  }
0x1b2: {  	v17 =	vmul.f32 v16, v5;
	v19 =	vcvt.f32.s32 v19;
	v11 =	vor.u32 v0, v21;
	v15 =	vld [tilespmem:s15+$0x4050]  }
0x1b3: {  	s20 =	simm.s32 $0x8;
	s14 =	simm.s32 $0x8;
	v16 =	vld [tilespmem:s15+$0x4010];
	s15 =	simm.s32 $0x400;
	v18 =	vtrunc.f32 v6;
	v6 =	vor.u32 v0, v22;
	v8 =	vtrunc.f32 v8  }
.LBB2_17:
0x1b4: {  	s5 =	sand.u32 $0x3E00, s15;
	s21 =	sand.u32 $0x180, s20;
	s14 =	sadd.s32 $0x8, s14;
	v18 =	vcvt.f32.s32 v18;
	v14 =	vmul.f32 v14, v5;
	v19 =	vshll.u32 v19, $0x4;
	[tilespmem:v7+s2+$0x0] =	vst.idx.add.f32.msk $0xffff, v2;
	v21 =	vmovc v10  }
0x1b5: {  	v10 =	vtrunc.f32 v17;
	s21 =	sor.u32 s21, s5;
	p1 =	slt.u32 s14, $0x3F8;
	v7 =	vmul.f32 v20, v5;
	[tilespmem:v13+s2+$0x0] =	vst.idx.add.f32.msk $0xffff, v2;
	v13 =	vor.u32 v0, v19  }
0x1b6: {  	v10 =	vcvt.f32.s32 v10;
	v22 =	vshll.u32 v18, $0x4;
	v14 =	vtrunc.f32 v14;
	[tilespmem:v12+s2+$0x0] =	vst.idx.add.f32.msk $0xffff, v2  }
0x1b7: {  	v9 =	vsub.f32 v9, v4;
	v12 =	vld [tilespmem:s21+$0x4000];
	v15 =	vsub.f32 v15, v4;
	v7 =	vtrunc.f32 v7  }
0x1b8: {  	v14 =	vcvt.f32.s32 v14;
	v17 =	vld [tilespmem:s21+$0x4040];
	v16 =	vsub.f32 v16, v4;
	v7 =	vcvt.f32.s32 v7  }
0x1b9: {  	v9 =	vmul.f32 v9, v5;
	v10 =	vshll.u32 v10, $0x4;
	v18 =	vld [tilespmem:s21+$0x4020];
	v15 =	vmul.f32 v15, v5  }
0x1ba: {  	v14 =	vshll.u32 v14, $0x4;
	v16 =	vmul.f32 v16, v5;
	v7 =	vshll.u32 v7, $0x4;
	[tilespmem:v11+s2+$0x0] =	vst.idx.add.f32.msk $0xffff, v2  }
0x1bb: {  	v19 =	vtrunc.f32 v9;
	v11 =	vor.u32 v0, v14;
	v14 =	vtrunc.f32 v15;
	[tilespmem:v6+s2+$0x0] =	vst.idx.add.f32.msk $0xffff, v2  }
0x1bc: {  	v6 =	vcvt.f32.s32 v8;
	v7 =	vor.u32 v0, v7;
	v8 =	vor.u32 v0, v10;
	v20 =	vld [tilespmem:s21+$0x4070]  }
0x1bd: {  	v10 =	vsub.f32 v12, v4;
	v12 =	vtrunc.f32 v16;
	v15 =	vcvt.f32.s32 v14;
	v9 =	vld [tilespmem:s21+$0x4060]  }
0x1be: {  	v12 =	vcvt.f32.s32 v12;
	v6 =	vshll.u32 v6, $0x4;
	v14 =	vsub.f32 v18, v4;
	[tilespmem:v13+s2+$0x0] =	vst.idx.add.f32.msk $0xffff, v2  }
.Ltmp7:
0x1bf: {  	v17 =	vsub.f32 v17, v4;
	v16 =	vmul.f32 v10, v5;
	v13 =	vshll.u32 v15, $0x4;
	v10 =	vld [tilespmem:s21+$0x4030];
	(pc) =	sbr.rel @p1 .LBB2_17-.Ltmp7, $4  }
0x1c0: {  	v12 =	vshll.u32 v12, $0x4;
	v13 =	vor.u32 v0, v13;
	[tilespmem:v11+s2+$0x0] =	vst.idx.add.f32.msk $0xffff, v2;
	v11 =	vsub.f32 v21, v4  }
0x1c1: {  	v18 =	vtrunc.f32 v16;
	v21 =	vmul.f32 v17, v5;
	v12 =	vor.u32 v0, v12;
	[tilespmem:v8+s2+$0x0] =	vst.idx.add.f32.msk $0xffff, v2  }
0x1c2: {  	v19 =	vcvt.f32.s32 v19;
	v6 =	vor.u32 v0, v6;
	v15 =	vld [tilespmem:s21+$0x4050];
	v17 =	vmul.f32 v11, v5  }
0x1c3: {  	s15 =	sadd.s32 $0x200, s15;
	s20 =	sadd.s32 $0x4, s20;
	v20 =	vsub.f32 v20, v4;
	v8 =	vtrunc.f32 v21;
	v11 =	vor.u32 v0, v22;
	v16 =	vld [tilespmem:s21+$0x4010]  }
0x1c4: {  	_ =	sdelay $0x1  }
0x1c5: {  	v18 =	vcvt.f32.s32 v18;
	v14 =	vmul.f32 v14, v5  }
0x1c6: {  	v19 =	vshll.u32 v19, $0x4;
	v17 =	vtrunc.f32 v17;
	v9 =	vsub.f32 v9, v4  }
0x1c7: {  	v10 =	vsub.f32 v10, v4;
	[tilespmem:v6+s2+$0x0] =	vst.idx.add.f32.msk $0xffff, v2;
	v6 =	vcvt.f32.s32 v8;
	v20 =	vmul.f32 v20, v5  }
0x1c8: {  	v19 =	vor.u32 v0, v19;
	v17 =	vcvt.f32.s32 v17;
	v14 =	vtrunc.f32 v14  }
0x1c9: {  	v18 =	vshll.u32 v18, $0x4;
	v9 =	vmul.f32 v9, v5;
	v15 =	vsub.f32 v15, v4  }
0x1ca: {  	v10 =	vmul.f32 v10, v5;
	v6 =	vshll.u32 v6, $0x4;
	v20 =	vtrunc.f32 v20  }
0x1cb: {  	v14 =	vcvt.f32.s32 v14;
	v16 =	vsub.f32 v16, v4;
	v15 =	vmul.f32 v15, v5  }
0x1cc: {  	v17 =	vshll.u32 v17, $0x4;
	v20 =	vcvt.f32.s32 v20;
	v9 =	vtrunc.f32 v9  }
0x1cd: {  	[tilespmem:v7+s2+$0x0] =	vst.idx.add.f32.msk $0xffff, v2;
	v6 =	vor.u32 v0, v6;
	v16 =	vmul.f32 v16, v5;
	v15 =	vtrunc.f32 v15  }
0x1ce: {  	[tilespmem:v12+s2+$0x0] =	vst.idx.add.f32.msk $0xffff, v2;
	v12 =	vor.u32 v0, v17;
	v7 =	vshll.u32 v20, $0x4;
	v15 =	vcvt.f32.s32 v15  }
0x1cf: {  	[tilespmem:v13+s2+$0x0] =	vst.idx.add.f32.msk $0xffff, v2;
	v14 =	vshll.u32 v14, $0x4;
	v7 =	vor.u32 v0, v7;
	v13 =	vtrunc.f32 v16  }
0x1d0: {  	[tilespmem:v11+s2+$0x0] =	vst.idx.add.f32.msk $0xffff, v2;
	v14 =	vor.u32 v0, v14;
	v13 =	vcvt.f32.s32 v13;
	v11 =	vshll.u32 v15, $0x4  }
0x1d1: {  	v10 =	vtrunc.f32 v10;
	v9 =	vcvt.f32.s32 v9;
	[tilespmem:v19+s2+$0x0] =	vst.idx.add.f32.msk $0xffff, v2;
	v11 =	vor.u32 v0, v11  }
0x1d2: {  	v10 =	vcvt.f32.s32 v10;
	[tilespmem:v6+s2+$0x0] =	vst.idx.add.f32.msk $0xffff, v2;
	v8 =	vshll.u32 v13, $0x4;
	v13 =	vor.u32 v0, v18  }
0x1d3: {  	v9 =	vshll.u32 v9, $0x4;
	[tilespmem:v12+s2+$0x0] =	vst.idx.add.f32.msk $0xffff, v2;
	v8 =	vor.u32 v0, v8  }
0x1d4: {  	[tilespmem:v7+s2+$0x0] =	vst.idx.add.f32.msk $0xffff, v2;
	v7 =	vor.u32 v0, v9;
	v9 =	vshll.u32 v10, $0x4  }
0x1d5: {  	[tilespmem:v14+s2+$0x0] =	vst.idx.add.f32.msk $0xffff, v2;
	v9 =	vor.u32 v0, v9  }
0x1d6: {  	[tilespmem:v11+s2+$0x0] =	vst.idx.add.f32.msk $0xffff, v2  }
0x1d7: {  	[tilespmem:v13+s2+$0x0] =	vst.idx.add.f32.msk $0xffff, v2  }
0x1d8: {  	[tilespmem:v8+s2+$0x0] =	vst.idx.add.f32.msk $0xffff, v2  }
0x1d9: {  	s5 =	sadd.s32 @!p0 s7, s18;
	[tilespmem:v7+s2+$0x0] =	vst.idx.add.f32.msk $0xffff, v2  }
0x1da: {  	s14 =	simm.s32 @!p0 $0x200;
	s15 =	simm.s32 @!p0 $0x400;
	s20 =	simm.s32 @!p0 $0x4000;
	[tilespmem:v9+s2+$0x0] =	vst.idx.add.f32.msk $0xffff, v2  }
0x1db: {  	[tilespmem:s20], [sflag:$0x2] =	stream.strided.gather @!p0 [hbm4b:s5+s14], $0x4000, s15, s14, $0x38;
	[tilespmem:$0x11400] =	vst v63  }
0x1dc: {  	s14 =	simm.s32 $0x0;
	_ =	swait.ge [sflag:s1], $0x4000  }
0x1dd: {  	s15 =	sand.u32 $0x3E00, s14;
	s5 =	sand.u32 $0x180, s14;
	[sflag:s1] =	ssyncset.done $0x0  }
0x1de: {  	s5 =	sor.u32 s5, s15;
	[sflag:s1] =	ssyncadd.s32 $0xFFFFC000  }
0x1df: {  	v6 =	vld [tilespmem:s5+$0x8000]  }
0x1e0: {  	v7 =	vld [tilespmem:s5+$0x8040]  }
0x1e1: {  	v8 =	vld [tilespmem:s5+$0x8020]  }
0x1e2: {  	v9 =	vld [tilespmem:s5+$0x8070]  }
0x1e3: {  	v11 =	vld [tilespmem:s5+$0x8050]  }
0x1e4: {  	v10 =	vld [tilespmem:s5+$0x8060]  }
0x1e5: {  	v12 =	vld [tilespmem:s5+$0x8010]  }
0x1e6: {  	v6 =	vsub.f32 v6, v4  }
0x1e7: {  	v7 =	vsub.f32 v7, v4;
	v8 =	vsub.f32 v8, v4  }
0x1e8: {  	s21 =	simm.s32 $0x4;
	s20 =	simm.s32 $0x200;
	v9 =	vsub.f32 v9, v4;
	v11 =	vsub.f32 v11, v4  }
0x1e9: {  	s14 =	sand.u32 $0x3E00, s20;
	s15 =	sand.u32 $0x180, s21;
	v10 =	vsub.f32 v10, v4;
	v6 =	vmul.f32 v6, v5;
	v7 =	vmul.f32 v7, v5  }
0x1ea: {  	s15 =	sor.u32 s15, s14;
	v12 =	vsub.f32 v12, v4;
	v8 =	vmul.f32 v8, v5;
	v9 =	vmul.f32 v9, v5  }
0x1eb: {  	v15 =	vld [tilespmem:s15+$0x8040];
	v11 =	vmul.f32 v11, v5;
	v10 =	vmul.f32 v10, v5  }
0x1ec: {  	v12 =	vmul.f32 v12, v5;
	v6 =	vtrunc.f32 v6  }
0x1ed: {  	v16 =	vld [tilespmem:s5+$0x8030];
	v7 =	vtrunc.f32 v7;
	v8 =	vtrunc.f32 v8  }
0x1ee: {  	v20 =	vld [tilespmem:s15+$0x8070];
	v9 =	vtrunc.f32 v9;
	v11 =	vtrunc.f32 v11  }
0x1ef: {  	v6 =	vcvt.f32.s32 v6;
	v8 =	vcvt.f32.s32 v8  }
0x1f0: {  	v13 =	vld [tilespmem:s15+$0x8000];
	v15 =	vsub.f32 v15, v4;
	v19 =	vtrunc.f32 v10;
	v12 =	vtrunc.f32 v12  }
0x1f1: {  	v21 =	vshll.u32 v6, $0x4;
	v6 =	vcvt.f32.s32 v9;
	v9 =	vld [tilespmem:s15+$0x8020];
	v8 =	vshll.u32 v8, $0x4  }
0x1f2: {  	v10 =	vcvt.f32.s32 v7;
	v11 =	vcvt.f32.s32 v11;
	v8 =	vor.u32 v0, v8  }
0x1f3: {  	v16 =	vsub.f32 v16, v4;
	v20 =	vsub.f32 v20, v4;
	v12 =	vcvt.f32.s32 v12  }
0x1f4: {  	v22 =	vshll.u32 v10, $0x4;
	v11 =	vshll.u32 v11, $0x4;
	v6 =	vshll.u32 v6, $0x4  }
0x1f5: {  	v10 =	vld [tilespmem:s15+$0x8030];
	v12 =	vshll.u32 v12, $0x4;
	v7 =	vor.u32 v0, v6;
	v6 =	vsub.f32 v13, v4  }
0x1f6: {  	v12 =	vor.u32 v0, v12;
	v13 =	vor.u32 v0, v11;
	v14 =	vsub.f32 v9, v4;
	v9 =	vld [tilespmem:s15+$0x8060]  }
0x1f7: {  	v6 =	vmul.f32 v6, v5;
	[tilespmem:v8+s2+$0x0] =	vst.idx.add.f32.msk $0xffff, v2;
	v8 =	vmul.f32 v15, v5  }
0x1f8: {  	v17 =	vmul.f32 v16, v5;
	v19 =	vcvt.f32.s32 v19;
	v11 =	vor.u32 v0, v21;
	v15 =	vld [tilespmem:s15+$0x8050]  }
0x1f9: {  	s20 =	simm.s32 $0x8;
	s14 =	simm.s32 $0x8;
	v16 =	vld [tilespmem:s15+$0x8010];
	s15 =	simm.s32 $0x400;
	v18 =	vtrunc.f32 v6;
	v6 =	vor.u32 v0, v22;
	v8 =	vtrunc.f32 v8  }
.LBB2_19:
0x1fa: {  	s5 =	sand.u32 $0x3E00, s15;
	s21 =	sand.u32 $0x180, s20;
	s14 =	sadd.s32 $0x8, s14;
	v18 =	vcvt.f32.s32 v18;
	v14 =	vmul.f32 v14, v5;
	v19 =	vshll.u32 v19, $0x4;
	[tilespmem:v7+s2+$0x0] =	vst.idx.add.f32.msk $0xffff, v2;
	v21 =	vmovc v10  }
0x1fb: {  	v10 =	vtrunc.f32 v17;
	s21 =	sor.u32 s21, s5;
	p1 =	slt.u32 s14, $0x3F8;
	v7 =	vmul.f32 v20, v5;
	[tilespmem:v13+s2+$0x0] =	vst.idx.add.f32.msk $0xffff, v2;
	v13 =	vor.u32 v0, v19  }
0x1fc: {  	v10 =	vcvt.f32.s32 v10;
	v22 =	vshll.u32 v18, $0x4;
	v14 =	vtrunc.f32 v14;
	[tilespmem:v12+s2+$0x0] =	vst.idx.add.f32.msk $0xffff, v2  }
0x1fd: {  	v9 =	vsub.f32 v9, v4;
	v12 =	vld [tilespmem:s21+$0x8000];
	v15 =	vsub.f32 v15, v4;
	v7 =	vtrunc.f32 v7  }
0x1fe: {  	v14 =	vcvt.f32.s32 v14;
	v17 =	vld [tilespmem:s21+$0x8040];
	v16 =	vsub.f32 v16, v4;
	v7 =	vcvt.f32.s32 v7  }
0x1ff: {  	v9 =	vmul.f32 v9, v5;
	v10 =	vshll.u32 v10, $0x4;
	v18 =	vld [tilespmem:s21+$0x8020];
	v15 =	vmul.f32 v15, v5  }
0x200: {  	v14 =	vshll.u32 v14, $0x4;
	v16 =	vmul.f32 v16, v5;
	v7 =	vshll.u32 v7, $0x4;
	[tilespmem:v11+s2+$0x0] =	vst.idx.add.f32.msk $0xffff, v2  }
0x201: {  	v19 =	vtrunc.f32 v9;
	v11 =	vor.u32 v0, v14;
	v14 =	vtrunc.f32 v15;
	[tilespmem:v6+s2+$0x0] =	vst.idx.add.f32.msk $0xffff, v2  }
0x202: {  	v6 =	vcvt.f32.s32 v8;
	v7 =	vor.u32 v0, v7;
	v8 =	vor.u32 v0, v10;
	v20 =	vld [tilespmem:s21+$0x8070]  }
0x203: {  	v10 =	vsub.f32 v12, v4;
	v12 =	vtrunc.f32 v16;
	v15 =	vcvt.f32.s32 v14;
	v9 =	vld [tilespmem:s21+$0x8060]  }
0x204: {  	v12 =	vcvt.f32.s32 v12;
	v6 =	vshll.u32 v6, $0x4;
	v14 =	vsub.f32 v18, v4;
	[tilespmem:v13+s2+$0x0] =	vst.idx.add.f32.msk $0xffff, v2  }
.Ltmp8:
0x205: {  	v17 =	vsub.f32 v17, v4;
	v16 =	vmul.f32 v10, v5;
	v13 =	vshll.u32 v15, $0x4;
	v10 =	vld [tilespmem:s21+$0x8030];
	(pc) =	sbr.rel @p1 .LBB2_19-.Ltmp8, $4  }
0x206: {  	v12 =	vshll.u32 v12, $0x4;
	v13 =	vor.u32 v0, v13;
	[tilespmem:v11+s2+$0x0] =	vst.idx.add.f32.msk $0xffff, v2;
	v11 =	vsub.f32 v21, v4  }
0x207: {  	v18 =	vtrunc.f32 v16;
	v21 =	vmul.f32 v17, v5;
	v12 =	vor.u32 v0, v12;
	[tilespmem:v8+s2+$0x0] =	vst.idx.add.f32.msk $0xffff, v2  }
0x208: {  	v19 =	vcvt.f32.s32 v19;
	v6 =	vor.u32 v0, v6;
	v15 =	vld [tilespmem:s21+$0x8050];
	v17 =	vmul.f32 v11, v5  }
0x209: {  	s15 =	sadd.s32 $0x200, s15;
	s20 =	sadd.s32 $0x4, s20;
	v20 =	vsub.f32 v20, v4;
	v8 =	vtrunc.f32 v21;
	v11 =	vor.u32 v0, v22;
	v16 =	vld [tilespmem:s21+$0x8010]  }
0x20a: {  	_ =	sdelay $0x1  }
0x20b: {  	v18 =	vcvt.f32.s32 v18;
	v14 =	vmul.f32 v14, v5  }
0x20c: {  	v19 =	vshll.u32 v19, $0x4;
	v17 =	vtrunc.f32 v17;
	v9 =	vsub.f32 v9, v4  }
0x20d: {  	v10 =	vsub.f32 v10, v4;
	[tilespmem:v6+s2+$0x0] =	vst.idx.add.f32.msk $0xffff, v2;
	v6 =	vcvt.f32.s32 v8;
	v20 =	vmul.f32 v20, v5  }
0x20e: {  	v19 =	vor.u32 v0, v19;
	v17 =	vcvt.f32.s32 v17;
	v14 =	vtrunc.f32 v14  }
0x20f: {  	v18 =	vshll.u32 v18, $0x4;
	v9 =	vmul.f32 v9, v5;
	v15 =	vsub.f32 v15, v4  }
0x210: {  	v10 =	vmul.f32 v10, v5;
	v6 =	vshll.u32 v6, $0x4;
	v20 =	vtrunc.f32 v20  }
0x211: {  	v14 =	vcvt.f32.s32 v14;
	v16 =	vsub.f32 v16, v4;
	v15 =	vmul.f32 v15, v5  }
0x212: {  	v17 =	vshll.u32 v17, $0x4;
	v20 =	vcvt.f32.s32 v20;
	v9 =	vtrunc.f32 v9  }
0x213: {  	[tilespmem:v7+s2+$0x0] =	vst.idx.add.f32.msk $0xffff, v2;
	v6 =	vor.u32 v0, v6;
	v16 =	vmul.f32 v16, v5;
	v15 =	vtrunc.f32 v15  }
0x214: {  	[tilespmem:v12+s2+$0x0] =	vst.idx.add.f32.msk $0xffff, v2;
	v12 =	vor.u32 v0, v17;
	v7 =	vshll.u32 v20, $0x4;
	v15 =	vcvt.f32.s32 v15  }
0x215: {  	[tilespmem:v13+s2+$0x0] =	vst.idx.add.f32.msk $0xffff, v2;
	v14 =	vshll.u32 v14, $0x4;
	v7 =	vor.u32 v0, v7;
	v13 =	vtrunc.f32 v16  }
0x216: {  	[tilespmem:v11+s2+$0x0] =	vst.idx.add.f32.msk $0xffff, v2;
	v14 =	vor.u32 v0, v14;
	v13 =	vcvt.f32.s32 v13;
	v11 =	vshll.u32 v15, $0x4  }
0x217: {  	v10 =	vtrunc.f32 v10;
	v9 =	vcvt.f32.s32 v9;
	[tilespmem:v19+s2+$0x0] =	vst.idx.add.f32.msk $0xffff, v2;
	v11 =	vor.u32 v0, v11  }
0x218: {  	v10 =	vcvt.f32.s32 v10;
	[tilespmem:v6+s2+$0x0] =	vst.idx.add.f32.msk $0xffff, v2;
	v8 =	vshll.u32 v13, $0x4;
	v13 =	vor.u32 v0, v18  }
0x219: {  	v9 =	vshll.u32 v9, $0x4;
	[tilespmem:v12+s2+$0x0] =	vst.idx.add.f32.msk $0xffff, v2;
	v8 =	vor.u32 v0, v8  }
0x21a: {  	[tilespmem:v7+s2+$0x0] =	vst.idx.add.f32.msk $0xffff, v2;
	v7 =	vor.u32 v0, v9;
	v9 =	vshll.u32 v10, $0x4  }
0x21b: {  	[tilespmem:v14+s2+$0x0] =	vst.idx.add.f32.msk $0xffff, v2;
	v9 =	vor.u32 v0, v9  }
0x21c: {  	[tilespmem:v11+s2+$0x0] =	vst.idx.add.f32.msk $0xffff, v2  }
0x21d: {  	[tilespmem:v13+s2+$0x0] =	vst.idx.add.f32.msk $0xffff, v2  }
0x21e: {  	[tilespmem:v8+s2+$0x0] =	vst.idx.add.f32.msk $0xffff, v2  }
0x21f: {  	s5 =	sadd.s32 @!p0 s7, s19;
	[tilespmem:v7+s2+$0x0] =	vst.idx.add.f32.msk $0xffff, v2  }
0x220: {  	s7 =	simm.s32 @!p0 $0x200;
	s14 =	simm.s32 @!p0 $0x400;
	s15 =	simm.s32 @!p0 $0x8000;
	[tilespmem:v9+s2+$0x0] =	vst.idx.add.f32.msk $0xffff, v2  }
0x221: {  	[tilespmem:s15], [sflag:$0x3] =	stream.strided.gather @!p0 [hbm4b:s5+s7], $0x4000, s14, s7, $0x38;
	[tilespmem:$0x11400] =	vst v63  }
0x222: {  	s14 =	simm.s32 $0x0;
	_ =	swait.ge [sflag:s22], $0x4000  }
0x223: {  	s15 =	sand.u32 $0x3E00, s14;
	s5 =	sand.u32 $0x180, s14;
	[sflag:s22] =	ssyncset.done $0x0  }
0x224: {  	s5 =	sor.u32 s5, s15;
	[sflag:s22] =	ssyncadd.s32 $0xFFFFC000  }
0x225: {  	v6 =	vld [tilespmem:s5+$0xC000]  }
0x226: {  	v7 =	vld [tilespmem:s5+$0xC040]  }
0x227: {  	v8 =	vld [tilespmem:s5+$0xC020]  }
0x228: {  	v9 =	vld [tilespmem:s5+$0xC070]  }
0x229: {  	v11 =	vld [tilespmem:s5+$0xC050]  }
0x22a: {  	v10 =	vld [tilespmem:s5+$0xC060]  }
0x22b: {  	v12 =	vld [tilespmem:s5+$0xC010]  }
0x22c: {  	v6 =	vsub.f32 v6, v4  }
0x22d: {  	v7 =	vsub.f32 v7, v4;
	v8 =	vsub.f32 v8, v4  }
0x22e: {  	s20 =	simm.s32 $0x200;
	s21 =	simm.s32 $0x4;
	v9 =	vsub.f32 v9, v4;
	v11 =	vsub.f32 v11, v4  }
0x22f: {  	s7 =	sand.u32 $0x3E00, s20;
	s14 =	sand.u32 $0x180, s21;
	v10 =	vsub.f32 v10, v4;
	v6 =	vmul.f32 v6, v5;
	v7 =	vmul.f32 v7, v5  }
0x230: {  	s14 =	sor.u32 s14, s7;
	v12 =	vsub.f32 v12, v4;
	v8 =	vmul.f32 v8, v5;
	v9 =	vmul.f32 v9, v5  }
0x231: {  	v15 =	vld [tilespmem:s14+$0xC040];
	v11 =	vmul.f32 v11, v5;
	v10 =	vmul.f32 v10, v5  }
0x232: {  	v12 =	vmul.f32 v12, v5;
	v6 =	vtrunc.f32 v6  }
0x233: {  	v16 =	vld [tilespmem:s5+$0xC030];
	v7 =	vtrunc.f32 v7;
	v8 =	vtrunc.f32 v8  }
0x234: {  	v20 =	vld [tilespmem:s14+$0xC070];
	v9 =	vtrunc.f32 v9;
	v11 =	vtrunc.f32 v11  }
0x235: {  	v6 =	vcvt.f32.s32 v6;
	v8 =	vcvt.f32.s32 v8  }
0x236: {  	v13 =	vld [tilespmem:s14+$0xC000];
	v15 =	vsub.f32 v15, v4;
	v19 =	vtrunc.f32 v10;
	v12 =	vtrunc.f32 v12  }
0x237: {  	v21 =	vshll.u32 v6, $0x4;
	v6 =	vcvt.f32.s32 v9;
	v9 =	vld [tilespmem:s14+$0xC020];
	v8 =	vshll.u32 v8, $0x4  }
0x238: {  	v10 =	vcvt.f32.s32 v7;
	v11 =	vcvt.f32.s32 v11;
	v8 =	vor.u32 v0, v8  }
0x239: {  	v16 =	vsub.f32 v16, v4;
	v20 =	vsub.f32 v20, v4;
	v12 =	vcvt.f32.s32 v12  }
0x23a: {  	v22 =	vshll.u32 v10, $0x4;
	v11 =	vshll.u32 v11, $0x4;
	v6 =	vshll.u32 v6, $0x4  }
0x23b: {  	v10 =	vld [tilespmem:s14+$0xC030];
	v12 =	vshll.u32 v12, $0x4;
	v7 =	vor.u32 v0, v6;
	v6 =	vsub.f32 v13, v4  }
0x23c: {  	v12 =	vor.u32 v0, v12;
	v13 =	vor.u32 v0, v11;
	v14 =	vsub.f32 v9, v4;
	v9 =	vld [tilespmem:s14+$0xC060]  }
0x23d: {  	v6 =	vmul.f32 v6, v5;
	[tilespmem:v8+s2+$0x0] =	vst.idx.add.f32.msk $0xffff, v2;
	v8 =	vmul.f32 v15, v5  }
0x23e: {  	v17 =	vmul.f32 v16, v5;
	v19 =	vcvt.f32.s32 v19;
	v11 =	vor.u32 v0, v21;
	v15 =	vld [tilespmem:s14+$0xC050]  }
0x23f: {  	s7 =	simm.s32 $0x8;
	s15 =	simm.s32 $0x8;
	v16 =	vld [tilespmem:s14+$0xC010];
	s14 =	simm.s32 $0x400;
	v18 =	vtrunc.f32 v6;
	v6 =	vor.u32 v0, v22;
	v8 =	vtrunc.f32 v8  }
.LBB2_21:
0x240: {  	s5 =	sand.u32 $0x3E00, s14;
	s20 =	sand.u32 $0x180, s15;
	s7 =	sadd.s32 $0x8, s7;
	v18 =	vcvt.f32.s32 v18;
	v14 =	vmul.f32 v14, v5;
	v19 =	vshll.u32 v19, $0x4;
	[tilespmem:v7+s2+$0x0] =	vst.idx.add.f32.msk $0xffff, v2;
	v21 =	vmovc v10  }
0x241: {  	v10 =	vtrunc.f32 v17;
	s20 =	sor.u32 s20, s5;
	p0 =	slt.u32 s7, $0x3F8;
	v7 =	vmul.f32 v20, v5;
	[tilespmem:v13+s2+$0x0] =	vst.idx.add.f32.msk $0xffff, v2;
	v13 =	vor.u32 v0, v19  }
0x242: {  	v10 =	vcvt.f32.s32 v10;
	v22 =	vshll.u32 v18, $0x4;
	v14 =	vtrunc.f32 v14;
	[tilespmem:v12+s2+$0x0] =	vst.idx.add.f32.msk $0xffff, v2  }
0x243: {  	v9 =	vsub.f32 v9, v4;
	v12 =	vld [tilespmem:s20+$0xC000];
	v15 =	vsub.f32 v15, v4;
	v7 =	vtrunc.f32 v7  }
0x244: {  	v14 =	vcvt.f32.s32 v14;
	v17 =	vld [tilespmem:s20+$0xC040];
	v16 =	vsub.f32 v16, v4;
	v7 =	vcvt.f32.s32 v7  }
0x245: {  	v9 =	vmul.f32 v9, v5;
	v10 =	vshll.u32 v10, $0x4;
	v18 =	vld [tilespmem:s20+$0xC020];
	v15 =	vmul.f32 v15, v5  }
0x246: {  	v14 =	vshll.u32 v14, $0x4;
	v16 =	vmul.f32 v16, v5;
	v7 =	vshll.u32 v7, $0x4;
	[tilespmem:v11+s2+$0x0] =	vst.idx.add.f32.msk $0xffff, v2  }
0x247: {  	v19 =	vtrunc.f32 v9;
	v11 =	vor.u32 v0, v14;
	v14 =	vtrunc.f32 v15;
	[tilespmem:v6+s2+$0x0] =	vst.idx.add.f32.msk $0xffff, v2  }
0x248: {  	v6 =	vcvt.f32.s32 v8;
	v7 =	vor.u32 v0, v7;
	v8 =	vor.u32 v0, v10;
	v20 =	vld [tilespmem:s20+$0xC070]  }
0x249: {  	v10 =	vsub.f32 v12, v4;
	v12 =	vtrunc.f32 v16;
	v15 =	vcvt.f32.s32 v14;
	v9 =	vld [tilespmem:s20+$0xC060]  }
0x24a: {  	v12 =	vcvt.f32.s32 v12;
	v6 =	vshll.u32 v6, $0x4;
	v14 =	vsub.f32 v18, v4;
	[tilespmem:v13+s2+$0x0] =	vst.idx.add.f32.msk $0xffff, v2  }
.Ltmp9:
0x24b: {  	v17 =	vsub.f32 v17, v4;
	v16 =	vmul.f32 v10, v5;
	v13 =	vshll.u32 v15, $0x4;
	v10 =	vld [tilespmem:s20+$0xC030];
	(pc) =	sbr.rel @p0 .LBB2_21-.Ltmp9, $4  }
0x24c: {  	v12 =	vshll.u32 v12, $0x4;
	v13 =	vor.u32 v0, v13;
	[tilespmem:v11+s2+$0x0] =	vst.idx.add.f32.msk $0xffff, v2;
	v11 =	vsub.f32 v21, v4  }
0x24d: {  	v18 =	vtrunc.f32 v16;
	v21 =	vmul.f32 v17, v5;
	v12 =	vor.u32 v0, v12;
	[tilespmem:v8+s2+$0x0] =	vst.idx.add.f32.msk $0xffff, v2  }
0x24e: {  	v19 =	vcvt.f32.s32 v19;
	v6 =	vor.u32 v0, v6;
	v15 =	vld [tilespmem:s20+$0xC050];
	v17 =	vmul.f32 v11, v5  }
0x24f: {  	s14 =	sadd.s32 $0x200, s14;
	s15 =	sadd.s32 $0x4, s15;
	v20 =	vsub.f32 v20, v4;
	v8 =	vtrunc.f32 v21;
	v11 =	vor.u32 v0, v22;
	v16 =	vld [tilespmem:s20+$0xC010]  }
0x250: {  	_ =	sdelay $0x1  }
0x251: {  	v18 =	vcvt.f32.s32 v18;
	v14 =	vmul.f32 v14, v5  }
0x252: {  	v19 =	vshll.u32 v19, $0x4;
	v17 =	vtrunc.f32 v17;
	v9 =	vsub.f32 v9, v4  }
0x253: {  	v10 =	vsub.f32 v10, v4;
	[tilespmem:v6+s2+$0x0] =	vst.idx.add.f32.msk $0xffff, v2;
	v6 =	vcvt.f32.s32 v8;
	v20 =	vmul.f32 v20, v5  }
0x254: {  	v19 =	vor.u32 v0, v19;
	v17 =	vcvt.f32.s32 v17;
	v14 =	vtrunc.f32 v14  }
0x255: {  	v18 =	vshll.u32 v18, $0x4;
	v9 =	vmul.f32 v9, v5;
	v10 =	vmul.f32 v10, v5  }
0x256: {  	v6 =	vshll.u32 v6, $0x4;
	v15 =	vsub.f32 v15, v4;
	v20 =	vtrunc.f32 v20  }
0x257: {  	v14 =	vcvt.f32.s32 v14;
	v17 =	vshll.u32 v17, $0x4;
	v16 =	vsub.f32 v16, v4  }
0x258: {  	v62 =	vor.u32 v0, v18;
	v20 =	vcvt.f32.s32 v20;
	v15 =	vmul.f32 v15, v5  }
0x259: {  	[tilespmem:v7+s2+$0x0] =	vst.idx.add.f32.msk $0xffff, v2;
	v6 =	vor.u32 v0, v6;
	v9 =	vtrunc.f32 v9;
	v16 =	vmul.f32 v16, v5  }
0x25a: {  	[tilespmem:v13+s2+$0x0] =	vst.idx.add.f32.msk $0xffff, v2;
	v59 =	vor.u32 v0, v17;
	v7 =	vshll.u32 v20, $0x4;
	v15 =	vtrunc.f32 v15  }
0x25b: {  	[tilespmem:v12+s2+$0x0] =	vst.idx.add.f32.msk $0xffff, v2;
	v7 =	vor.u32 v0, v7;
	v58 =	vtrunc.f32 v16;
	v15 =	vcvt.f32.s32 v15  }
0x25c: {  	[tilespmem:v11+s2+$0x0] =	vst.idx.add.f32.msk $0xffff, v2;
	v10 =	vtrunc.f32 v10;
	v14 =	vshll.u32 v14, $0x4;
	v13 =	vcvt.f32.s32 v58  }
0x25d: {  	v9 =	vcvt.f32.s32 v9;
	v14 =	vor.u32 v0, v14;
	[tilespmem:v19+s2+$0x0] =	vst.idx.add.f32.msk $0xffff, v2;
	v60 =	vshll.u32 v15, $0x4  }
0x25e: {  	v10 =	vcvt.f32.s32 v10;
	[tilespmem:v62+s2+$0x0] =	vst.idx.add.f32.msk $0xffff, v2;
	v61 =	vshll.u32 v13, $0x4;
	v11 =	vor.u32 v0, v60  }
0x25f: {  	v9 =	vshll.u32 v9, $0x4;
	[tilespmem:v6+s2+$0x0] =	vst.idx.add.f32.msk $0xffff, v2;
	v8 =	vor.u32 v0, v61  }
0x260: {  	s6 =	sadd.s32 $0x1, s6;
	v63 =	vshll.u32 v10, $0x4;
	[tilespmem:v7+s2+$0x0] =	vst.idx.add.f32.msk $0xffff, v2;
	v7 =	vor.u32 v0, v9  }
0x261: {  	p0 =	sne.s32 s6, $0x4;
	[tilespmem:v59+s2+$0x0] =	vst.idx.add.f32.msk $0xffff, v2;
	v9 =	vor.u32 v0, v63  }
.Ltmp10:
0x262: {  	[tilespmem:v14+s2+$0x0] =	vst.idx.add.f32.msk $0xffff, v2;
	(pc) =	sbr.rel @p0 .LBB2_14-.Ltmp10, $4  }
0x263: {  	[tilespmem:v11+s2+$0x0] =	vst.idx.add.f32.msk $0xffff, v2  }
0x264: {  	[tilespmem:v8+s2+$0x0] =	vst.idx.add.f32.msk $0xffff, v2  }
0x265: {  	[tilespmem:v7+s2+$0x0] =	vst.idx.add.f32.msk $0xffff, v2  }
0x266: {  	[tilespmem:v9+s2+$0x0] =	vst.idx.add.f32.msk $0xffff, v2  }
0x267: {  	s6 =	simm.s32 $0x10C00  }
0x268: {  	v4 =	vld [tilespmem:s6+$0x0]  }
0x269: {  	s7 =	simm.s32 $0x0  }
0x26a: {  	v5 =	vor.u32 s7, v3;
	_ =	sdelay $0x2  }
0x26b: {  	v4 =	vadd.f32 $0.0e+00, v4;
	_ =	sdelay $0x1  }
0x26c: {  	s5 =	sand.u32 $0x3F0, s7;
	[tilespmem:v5+s3+$0x0] =	vst.idx.msk $0xffff, v4  }
0x26d: {  	v5 =	vld [tilespmem:s5+$0x11000]  }
0x26e: {  	s28 =	simm.s32 $0x40  }
0x26f: {  	v4 =	vor.u32 s28, v3;
	_ =	sdelay $0x2  }
0x270: {  	s14 =	simm.s32 $0x1;
	v5 =	vadd.f32 $0.0e+00, v5  }
.LBB2_24:
0x271: {  	_ = 	snop  }
0x272: {  	p0 =	sne.s32 s14, $0x3F;
	s7 =	sadd.s32 $0x10, s7;
	s6 =	sadd.s32 $0x10, s6;
	[tilespmem:v4+s3+$0x0] =	vst.idx.msk $0xffff, v5  }
0x273: {  	s5 =	smov.u32 s14;
	s14 =	sadd.s32 $0x1, s14;
	v4 =	vld [tilespmem:s6+$0x0];
	_ =	sdelay $0x1  }
0x274: {  	v5 =	vor.u32 s5, v3;
	_ =	sdelay $0x2  }
0x275: {  	v4 =	vadd.f32 $0.0e+00, v4;
	_ =	sdelay $0x1  }
0x276: {  	s15 =	sand.u32 $0x3F0, s7;
	[tilespmem:v5+s3+$0x0] =	vst.idx.msk $0xffff, v4  }
0x277: {  	v5 =	vld [tilespmem:s15+$0x11000]  }
.Ltmp11:
0x278: {  	s5 =	sadd.s32 $0x40, s5;
	(pc) =	sbr.rel @p0 .LBB2_24-.Ltmp11, $2  }
0x279: {  	v4 =	vor.u32 s5, v3;
	_ =	sdelay $0x2  }
0x27a: {  	v5 =	vadd.f32 $0.0e+00, v5  }
0x27b: {  	_ =	sdelay $0x3  }
0x27c: {  	s5 =	rddreg [dreg:$0xa];
	s6 =	simm.s32 $0x80;
	[tilespmem:v4+s3+$0x0] =	vst.idx.msk $0xffff, v5  }
0x27d: {  	[hbm4b:s5+s6] =	stream.strided.scatter [tilespmem:s3], [sflag:$0x5], $0x800, s25, s6, $0x38;
	[tilespmem:$0x11400] =	vst v63  }
0x27e: {  	_ =	swait.ge [sflag:s23], $0x800  }
0x27f: {  	s26 =	sadd.s32 $0x1, s26;
	s28 =	rddreg [dreg:$0xb]  }
0x280: {  	p0 =	sne.s32 s26, s28  }
.Ltmp12:
0x281: {  	_ = 	snop;
	(pc) =	sbr.rel @p0 .LBB2_1-.Ltmp12, $3  }
0x282: {  	_ =	sdelay $0x1  }
0x283: {  	[sflag:s23] =	ssyncset.done $0x0  }
0x284: {  	[sflag:s23] =	ssyncadd.s32 $0xFFFFF800  }
0x285: {  	_ =	sfence.sel $0x180000  }
0x286: {  	[bflag:$0x0] =	sbarrier.arrive $0xFFFF  }
0x287: {  	_ =	strace $0x90000047  }
0x288: {  	s0 =	stileid.u32;
	[bflag:$0x2] =	sbarrier.arrive $0xFFFF  }
0x289: {  	p0 =	sne.s32 s0, $0x0;
	s0 =	rddreg [dreg:$0x3]  }
0x28a: {  	s0 =	sadd.s32 @!p0 $0x100000, s0  }
0x28b: {  	[sflag:s0] =	ssyncadd.tile.s32 @!p0 $0x1;
	_ =	shalt  }
.Lfunc_end2:
_tile_overlayer_lowered:
.L_overlay_start_2:
0x28c: {  	(tag) =	ssettag $0x2  }
0x28d: {  	s0 =	rddreg [dreg:$0x0];
	s2 =	stileid.u32  }
0x28e: {  	s1 =	rddreg [dreg:$0x1];
	p0 =	sne.s32 s2, $0x0  }
0x28f: {  	s3 =	rddreg [dreg:$0x2];
	[bflag:$0x3] =	sbarrier.arrive $0xFFFF;
	s2 =	simm.s32 @!p0 $0x1C05  }
0x290: {  	[timem:s3], [sflag:s2] =	dma.local @!p0 [hbm:s0], s1  }
0x291: {  	s0 =	simm.s32 @!p0 $0x5  }
0x292: {  	_ =	swait.ge @!p0 [sflag:s0], s1  }
0x293: {  	s1 =	ssub.s32 @!p0 $0x0, s1;
	[sflag:s0] =	ssyncset.done @!p0 $0x0  }
0x294: {  	[sflag:s0] =	ssyncadd.s32 @!p0 s1  }
0x295: {  	[bflag:$0x3] =	sbarrier.arrive $0xFFFF  }
0x296: {  	_ =	shalt  }

</sc_bundles>
